<compile_context>
chip_gen: v7x
topology: tpu7x:2x2x1
jax: 0.10.2.dev20260603
libtpu: 0.0.44.dev20260713+nightly
codegen_flags: <defaults>
</compile_context>

<pallas_src>
import functools

import jax
import jax.numpy as jnp
from jax import lax
from jax.experimental import pallas as pl
from jax.experimental.pallas import tpu as pltpu
from jax.experimental.pallas import tpu_sc as plsc

_K = 20
_RB = 256



def _topk_kernel(x_ref, idx_ref, cent_ref):
    nb = pl.program_id(1)
    n0 = nb * _RB
    _, d, N = x_ref.shape

    x8 = x_ref[0, 0:8, :]
    xr8 = x_ref[0, 0:8, pl.ds(n0, _RB)]
    row = lax.broadcasted_iota(jnp.int32, (8, N), 0)
    rowr = lax.broadcasted_iota(jnp.int32, (8, _RB), 0)

    x3 = jnp.where(row < 3, x8, 0.0)
    xr3 = jnp.where(rowr < 3, 2.0 * xr8, 0.0)

    inner2 = lax.dot_general(x3, xr3, (((0,), (0,)), ((), ())),
                             preferred_element_type=jnp.float32)
    xxfull = jnp.sum(x3 * x3, axis=0, keepdims=True)
    xxcol = jnp.transpose(xxfull)
    x3r = jnp.where(rowr < 3, xr8, 0.0)
    xxrow = jnp.sum(x3r * x3r, axis=0, keepdims=True)
    p = (inner2 - xxcol) - xxrow

    sub = lax.broadcasted_iota(jnp.int32, (N, _RB), 0)
    xr = x_ref[0, :, pl.ds(n0, _RB)]
    neg = jnp.float32(-jnp.inf)
    for t in range(_K):
        it = jnp.argmax(p, axis=0).astype(jnp.int32)[None, :]
        idx_ref[0, t, :] = it[0]
        cent_ref[0, :, t, :] = xr
        p = jnp.where(sub == it, neg, p)


def _topk(x):
    B, d, N = x.shape
    return pl.pallas_call(
        _topk_kernel,
        grid=(B, N // _RB),
        in_specs=[pl.BlockSpec((1, d, N), lambda b, nb: (b, 0, 0))],
        out_specs=[
            pl.BlockSpec((1, _K, _RB), lambda b, nb: (b, 0, nb)),
            pl.BlockSpec((1, d, _K, _RB), lambda b, nb: (b, 0, 0, nb)),
        ],
        out_shape=[
            jax.ShapeDtypeStruct((B, _K, N), jnp.int32),
            jax.ShapeDtypeStruct((B, d, _K, N), jnp.float32),
        ],
    )(x)



def _make_sc_gather(B, d, N):
    KN = _K * N
    mesh = plsc.VectorSubcoreMesh(core_axis_name="c", subcore_axis_name="s")

    @functools.partial(
        pl.kernel,
        mesh=mesh,
        compiler_params=pltpu.CompilerParams(needs_layout_passes=False),
        out_type=jax.ShapeDtypeStruct((B * d * KN,), jnp.float32),
        scratch_types=[
            pltpu.VMEM((KN,), jnp.int32),
            pltpu.VMEM((N,), jnp.float32),
            pltpu.VMEM((KN,), jnp.float32),
            pltpu.VMEM((KN,), jnp.float32),
            pltpu.SemaphoreType.DMA,
            pltpu.SemaphoreType.DMA,
        ],
    )
    def sc_gather(xf_hbm, idxf_hbm, outf_hbm, idxbuf, xrow, bufa, bufb,
                  sema, semb):
        wid = lax.axis_index("s") * 2 + lax.axis_index("c")
        b = wid // 4
        cg = wid % 4
        pltpu.sync_copy(idxf_hbm.at[pl.ds(b * KN, KN)], idxbuf)

        bufs = (bufa, bufb)
        sems = (sema, semb)

        def fill_feature(buf):
            def t_body(t, carry):
                base = t * N

                @plsc.parallel_loop(0, N, 16, unroll=8)
                def _(g):
                    iv = idxbuf[pl.ds(base + g, 16)]
                    fv = plsc.load_gather(xrow, [iv])
                    buf[pl.ds(base + g, 16)] = fv - xrow[pl.ds(g, 16)]

                return carry
            lax.fori_loop(0, _K, t_body, 0)

        copies = [None, None]
        for ci in range(16):
            slot = ci % 2
            c = 16 * cg + ci
            pltpu.sync_copy(xf_hbm.at[pl.ds((b * d + c) * N, N)], xrow)
            if copies[slot] is not None:
                copies[slot].wait()
            buf = bufs[slot]
            fill_feature(buf)
            off = ((b * d) + c) * KN
            cp = pltpu.make_async_copy(buf, outf_hbm.at[pl.ds(off, KN)],
                                       sems[slot])
            cp.start()
            copies[slot] = cp
        copies[0].wait()
        copies[1].wait()

    return sc_gather



def kernel(x):
    B, d, N = x.shape
    idx, cent = _topk(x)
    xf = x.reshape(-1)
    idxf = idx.reshape(-1)
    featf = _make_sc_gather(B, d, N)(xf, idxf)
    feat4 = featf.reshape(B, d, _K, N)
    out = jnp.concatenate([feat4, cent], axis=1)
    return jnp.transpose(out, (0, 1, 3, 2))

# --- scband reference (transcript-rebuilt; emitter-appended) ---
"""Pipeline reference for scband-graph-feature-12996571037964 (READ-ONLY COPY).

The authoritative reference and input builder live on the scoring server;
editing this copy changes nothing except your own understanding.
"""

import jax, jax.numpy as jnp
import numpy as np

K = 20


def setup_inputs(seed: int = 0) -> dict:
    key = jax.random.key(seed)
    x = jax.random.normal(key, (8, 64, 2048), dtype=jnp.float32)
    return {"x": x}


def reference(x):
    k = K
    B, d, N = x.shape
    # knn on first 3 channels (Euclidean), as in DGCNN
    x3 = x[:, :3, :]                                   # (B, 3, N)
    inner = -2.0 * jnp.einsum('bdn,bdm->bnm', x3, x3)   # (B, N, N)
    xx = jnp.sum(x3 * x3, axis=1)                       # (B, N)
    pairwise = -xx[:, None, :] - inner - xx[:, :, None]  # negative squared dist
    idx = jax.lax.top_k(pairwise, k)[1]                 # (B, N, k) int32
    # gather neighbor features (flattened, matching torch impl)
    x_t = jnp.transpose(x, (0, 2, 1))                   # (B, N, d)
    idx_base = (jnp.arange(B, dtype=idx.dtype) * N)[:, None, None]
    idx_flat = (idx + idx_base).reshape(-1)
    flat = x_t.reshape(B * N, d)
    feature = jnp.take(flat, idx_flat, axis=0).reshape(B, N, k, d)
    center = jnp.broadcast_to(x_t[:, :, None, :], (B, N, k, d))
    out = jnp.concatenate([feature - center, center], axis=3)  # (B, N, k, 2d)
    out = jnp.transpose(out, (0, 3, 1, 2))                      # (B, 2d, N, k)
    return out

if __name__ == "__main__":
    import jax
    _d = setup_inputs()
    print(jax.jit(kernel)(*tuple(_d.values())))

</pallas_src>

<mosaic_0001>
#map = affine_map<(d0, d1) -> (0)>
module attributes {stable_mosaic.version = 14 : i64} {
  func.func @sc_gather(%arg0: i32, %arg1: i32, %arg2: memref<1048576xf32, #tpu.memory_space<hbm>>, %arg3: memref<327680xi32, #tpu.memory_space<hbm>>, %arg4: memref<20971520xf32, #tpu.memory_space<hbm>>, %arg5: memref<40960xi32, #tpu.memory_space<vmem>>, %arg6: memref<2048xf32, #tpu.memory_space<vmem>>, %arg7: memref<40960xf32, #tpu.memory_space<vmem>>, %arg8: memref<40960xf32, #tpu.memory_space<vmem>>, %arg9: memref<!tpu.dma_semaphore, #tpu.memory_space<semaphore_mem>>, %arg10: memref<!tpu.dma_semaphore, #tpu.memory_space<semaphore_mem>>) attributes {dimension_semantics = [#tpu.dimension_semantics<core_parallel>, #tpu.dimension_semantics<subcore_parallel>], iteration_bounds = array<i64: 2, 16>, scalar_prefetch = 0 : i64, scratch_operands = 6 : i64, tpu.core_type = #tpu.core_type<sc_vector_subcore>, window_params = [{transform_indices = #map}, {transform_indices = #map}, {transform_indices = #map}]} {
    %mul3A = arith.constant 2 : i32
    %mul3A_0 = arith.muli %arg1, %mul3A : i32
    %add3A = arith.addi %mul3A_0, %arg0 : i32
    %jit3A = arith.constant 4 : i32
    %div3A = arith.divsi %add3A, %jit3A : i32
    %sign3A = arith.constant 0 : i32
    %sign3A_1 = arith.cmpi sgt, %add3A, %sign3A : i32
    %sign3A_2 = arith.extui %sign3A_1 : i1 to i32
    %sign3A_3 = arith.constant 0 : i32
    %sign3A_4 = arith.cmpi slt, %add3A, %sign3A_3 : i32
    %sign3A_5 = arith.extui %sign3A_4 : i1 to i32
    %sign3A_6 = arith.subi %sign3A_2, %sign3A_5 : i32
    %sign3A_7 = arith.constant 0 : i32
    %sign3A_8 = arith.cmpi sgt, %jit3A, %sign3A_7 : i32
    %sign3A_9 = arith.extui %sign3A_8 : i1 to i32
    %sign3A_10 = arith.constant 0 : i32
    %sign3A_11 = arith.cmpi slt, %jit3A, %sign3A_10 : i32
    %sign3A_12 = arith.extui %sign3A_11 : i1 to i32
    %sign3A_13 = arith.subi %sign3A_9, %sign3A_12 : i32
    %ne3A = arith.cmpi ne, %sign3A_6, %sign3A_13 : i32
    %rem3A = arith.remsi %add3A, %jit3A : i32
    %ne3A_14 = arith.constant 0 : i32
    %ne3A_15 = arith.cmpi ne, %rem3A, %ne3A_14 : i32
    %and3A = arith.andi %ne3A, %ne3A_15 : i1
    %sub3A = arith.constant 1 : i32
    %sub3A_16 = arith.subi %div3A, %sub3A : i32
    %select_n3A = arith.select %and3A, %sub3A_16, %div3A : i32
    %jit3A_17 = arith.constant 4 : i32
    %eq3A = arith.constant 0 : i32
    %eq3A_18 = arith.cmpi eq, %jit3A_17, %eq3A : i32
    %jit3A_19 = arith.constant 1 : i32
    %select_n3A_20 = arith.select %eq3A_18, %jit3A_19, %jit3A_17 : i32
    %rem3A_21 = arith.remsi %add3A, %select_n3A_20 : i32
    %ne3A_22 = arith.constant 0 : i32
    %ne3A_23 = arith.cmpi ne, %rem3A_21, %ne3A_22 : i32
    %lt3A = arith.constant 0 : i32
    %lt3A_24 = arith.cmpi slt, %rem3A_21, %lt3A : i32
    %lt3A_25 = arith.constant 0 : i32
    %lt3A_26 = arith.cmpi slt, %select_n3A_20, %lt3A_25 : i32
    %ne3A_27 = arith.xori %lt3A_24, %lt3A_26 : i1
    %and3A_28 = arith.andi %ne3A_27, %ne3A_23 : i1
    %add3A_29 = arith.addi %rem3A_21, %select_n3A_20 : i32
    %select_n3A_30 = arith.select %and3A_28, %add3A_29, %rem3A_21 : i32
    %mul3A_31 = arith.constant 40960 : i32
    %mul3A_32 = arith.muli %select_n3A, %mul3A_31 : i32
    "tpu.region"() ({
      %run_scoped3A = tpu.sem_alloc : memref<!tpu.dma_semaphore, #tpu.memory_space<semaphore_mem>>
      %dma_start3A_414 = tpu.memref_slice %arg3[%mul3A_32] : memref<327680xi32, #tpu.memory_space<hbm>> -> memref<40960xi32, #tpu.memory_space<hbm>>
      %dma_start3A_415 = tpu.memref_slice %arg3[%mul3A_32] : memref<327680xi32, #tpu.memory_space<hbm>> -> memref<40960xi32, #tpu.memory_space<hbm>>
      tpu.enqueue_dma source(%dma_start3A_415 : memref<40960xi32, #tpu.memory_space<hbm>>) target(%arg5 : memref<40960xi32, #tpu.memory_space<vmem>>) target_semaphore(%run_scoped3A : memref<!tpu.dma_semaphore, #tpu.memory_space<semaphore_mem>>)
      %dma_wait3A_416 = tpu.memref_slice %arg3[%mul3A_32] : memref<327680xi32, #tpu.memory_space<hbm>> -> memref<40960xi32, #tpu.memory_space<hbm>>
      %dma_wait3A_417 = tpu.memref_slice %arg3[%mul3A_32] : memref<327680xi32, #tpu.memory_space<hbm>> -> memref<40960xi32, #tpu.memory_space<hbm>>
      tpu.wait_dma2 semaphore(%run_scoped3A : memref<!tpu.dma_semaphore, #tpu.memory_space<semaphore_mem>>) src(%dma_wait3A_417 : memref<40960xi32, #tpu.memory_space<hbm>>) dst(%arg5 : memref<40960xi32, #tpu.memory_space<vmem>>)
      tpu.yield
    }) : () -> ()
    %mul3A_33 = arith.constant 16 : i32
    %mul3A_34 = arith.muli %mul3A_33, %select_n3A_30 : i32
    %add3A_35 = arith.constant 0 : i32
    %add3A_36 = arith.addi %mul3A_34, %add3A_35 : i32
    %mul3A_37 = arith.constant 64 : i32
    %mul3A_38 = arith.muli %select_n3A, %mul3A_37 : i32
    %add3A_39 = arith.addi %mul3A_38, %add3A_36 : i32
    %mul3A_40 = arith.constant 2048 : i32
    %mul3A_41 = arith.muli %add3A_39, %mul3A_40 : i32
    "tpu.region"() ({
      %run_scoped3A = tpu.sem_alloc : memref<!tpu.dma_semaphore, #tpu.memory_space<semaphore_mem>>
      %dma_start3A_414 = tpu.memref_slice %arg2[%mul3A_41] : memref<1048576xf32, #tpu.memory_space<hbm>> -> memref<2048xf32, #tpu.memory_space<hbm>>
      %dma_start3A_415 = tpu.memref_slice %arg2[%mul3A_41] : memref<1048576xf32, #tpu.memory_space<hbm>> -> memref<2048xf32, #tpu.memory_space<hbm>>
      tpu.enqueue_dma source(%dma_start3A_415 : memref<2048xf32, #tpu.memory_space<hbm>>) target(%arg6 : memref<2048xf32, #tpu.memory_space<vmem>>) target_semaphore(%run_scoped3A : memref<!tpu.dma_semaphore, #tpu.memory_space<semaphore_mem>>)
      %dma_wait3A_416 = tpu.memref_slice %arg2[%mul3A_41] : memref<1048576xf32, #tpu.memory_space<hbm>> -> memref<2048xf32, #tpu.memory_space<hbm>>
      %dma_wait3A_417 = tpu.memref_slice %arg2[%mul3A_41] : memref<1048576xf32, #tpu.memory_space<hbm>> -> memref<2048xf32, #tpu.memory_space<hbm>>
      tpu.wait_dma2 semaphore(%run_scoped3A : memref<!tpu.dma_semaphore, #tpu.memory_space<semaphore_mem>>) src(%dma_wait3A_417 : memref<2048xf32, #tpu.memory_space<hbm>>) dst(%arg6 : memref<2048xf32, #tpu.memory_space<vmem>>)
      tpu.yield
    }) : () -> ()
    %scan3A = arith.constant 0 : i32
    %scan3A_42 = arith.constant 0 : i32
    %scan3A_43 = arith.constant 20 : i32
    %scan3A_44 = arith.addi %scan3A_42, %scan3A_43 : i32
    %scan3A_45 = arith.constant 1 : i32
    scf.for %scan3A_414 = %scan3A_42 to %scan3A_44 step %scan3A_45  : i32 {
      %mul3A_415 = arith.constant 2048 : i32
      %mul3A_416 = arith.muli %scan3A_414, %mul3A_415 : i32
      %parallel_loop3A = arith.constant 0 : i32
      %parallel_loop3A_417 = arith.constant 2048 : i32
      %parallel_loop3A_418 = arith.constant 16 : i32
      scf.for %parallel_loop3A_419 = %parallel_loop3A to %parallel_loop3A_417 step %parallel_loop3A_418  : i32 {
        %parallel_loop3A_420 = arith.addi %mul3A_416, %parallel_loop3A_419 : i32
        %parallel_loop3A_421 = arith.index_cast %parallel_loop3A_420 : i32 to index
        %parallel_loop3A_422 = tpu.vector_load %arg5[%parallel_loop3A_421] {strides = array<i32>} : memref<40960xi32, #tpu.memory_space<vmem>>, vector<16xi32>,
        %parallel_loop3A_423 = tpu.vector_load_idx %arg6[%parallel_loop3A_422] : memref<2048xf32, #tpu.memory_space<vmem>>[vector<16xi32>], vector<16xf32>,
        %parallel_loop3A_424 = arith.index_cast %parallel_loop3A_419 : i32 to index
        %parallel_loop3A_425 = tpu.vector_load %arg6[%parallel_loop3A_424] {strides = array<i32>} : memref<2048xf32, #tpu.memory_space<vmem>>, vector<16xf32>,
        %parallel_loop3A_426 = arith.subf %parallel_loop3A_423, %parallel_loop3A_425 : vector<16xf32>
        %parallel_loop3A_427 = arith.addi %mul3A_416, %parallel_loop3A_419 : i32
        %parallel_loop3A_428 = arith.index_cast %parallel_loop3A_427 : i32 to index
        %parallel_loop3A_429 = tpu.vector_load %arg7[%parallel_loop3A_428] {strides = array<i32>} : memref<40960xf32, #tpu.memory_space<vmem>>, vector<16xf32>,
        tpu.vector_store %arg7[%parallel_loop3A_428], %parallel_loop3A_426 {strides = array<i32>} : memref<40960xf32, #tpu.memory_space<vmem>>, vector<16xf32>,
      } {sc.loop_unroll_factor = 8 : i64, sc.parallel_access}
    }
    %scan3A_46 = arith.constant 20 : i32
    %mul3A_47 = arith.constant 64 : i32
    %mul3A_48 = arith.muli %select_n3A, %mul3A_47 : i32
    %add3A_49 = arith.addi %mul3A_48, %add3A_36 : i32
    %mul3A_50 = arith.constant 40960 : i32
    %mul3A_51 = arith.muli %add3A_49, %mul3A_50 : i32
    %dma_start3A = tpu.memref_slice %arg4[%mul3A_51] : memref<20971520xf32, #tpu.memory_space<hbm>> -> memref<40960xf32, #tpu.memory_space<hbm>>
    %dma_start3A_52 = tpu.memref_slice %arg4[%mul3A_51] : memref<20971520xf32, #tpu.memory_space<hbm>> -> memref<40960xf32, #tpu.memory_space<hbm>>
    tpu.enqueue_dma source(%arg7 : memref<40960xf32, #tpu.memory_space<vmem>>) target(%dma_start3A_52 : memref<40960xf32, #tpu.memory_space<hbm>>) target_semaphore(%arg9 : memref<!tpu.dma_semaphore, #tpu.memory_space<semaphore_mem>>)
    %mul3A_53 = arith.constant 16 : i32
    %mul3A_54 = arith.muli %mul3A_53, %select_n3A_30 : i32
    %add3A_55 = arith.constant 1 : i32
    %add3A_56 = arith.addi %mul3A_54, %add3A_55 : i32
    %mul3A_57 = arith.constant 64 : i32
    %mul3A_58 = arith.muli %select_n3A, %mul3A_57 : i32
    %add3A_59 = arith.addi %mul3A_58, %add3A_56 : i32
    %mul3A_60 = arith.constant 2048 : i32
    %mul3A_61 = arith.muli %add3A_59, %mul3A_60 : i32
    "tpu.region"() ({
      %run_scoped3A = tpu.sem_alloc : memref<!tpu.dma_semaphore, #tpu.memory_space<semaphore_mem>>
      %dma_start3A_414 = tpu.memref_slice %arg2[%mul3A_61] : memref<1048576xf32, #tpu.memory_space<hbm>> -> memref<2048xf32, #tpu.memory_space<hbm>>
      %dma_start3A_415 = tpu.memref_slice %arg2[%mul3A_61] : memref<1048576xf32, #tpu.memory_space<hbm>> -> memref<2048xf32, #tpu.memory_space<hbm>>
      tpu.enqueue_dma source(%dma_start3A_415 : memref<2048xf32, #tpu.memory_space<hbm>>) target(%arg6 : memref<2048xf32, #tpu.memory_space<vmem>>) target_semaphore(%run_scoped3A : memref<!tpu.dma_semaphore, #tpu.memory_space<semaphore_mem>>)
      %dma_wait3A_416 = tpu.memref_slice %arg2[%mul3A_61] : memref<1048576xf32, #tpu.memory_space<hbm>> -> memref<2048xf32, #tpu.memory_space<hbm>>
      %dma_wait3A_417 = tpu.memref_slice %arg2[%mul3A_61] : memref<1048576xf32, #tpu.memory_space<hbm>> -> memref<2048xf32, #tpu.memory_space<hbm>>
      tpu.wait_dma2 semaphore(%run_scoped3A : memref<!tpu.dma_semaphore, #tpu.memory_space<semaphore_mem>>) src(%dma_wait3A_417 : memref<2048xf32, #tpu.memory_space<hbm>>) dst(%arg6 : memref<2048xf32, #tpu.memory_space<vmem>>)
      tpu.yield
    }) : () -> ()
    %scan3A_62 = arith.constant 0 : i32
    %scan3A_63 = arith.constant 0 : i32
    %scan3A_64 = arith.constant 20 : i32
    %scan3A_65 = arith.addi %scan3A_63, %scan3A_64 : i32
    %scan3A_66 = arith.constant 1 : i32
    scf.for %scan3A_414 = %scan3A_63 to %scan3A_65 step %scan3A_66  : i32 {
      %mul3A_415 = arith.constant 2048 : i32
      %mul3A_416 = arith.muli %scan3A_414, %mul3A_415 : i32
      %parallel_loop3A = arith.constant 0 : i32
      %parallel_loop3A_417 = arith.constant 2048 : i32
      %parallel_loop3A_418 = arith.constant 16 : i32
      scf.for %parallel_loop3A_419 = %parallel_loop3A to %parallel_loop3A_417 step %parallel_loop3A_418  : i32 {
        %parallel_loop3A_420 = arith.addi %mul3A_416, %parallel_loop3A_419 : i32
        %parallel_loop3A_421 = arith.index_cast %parallel_loop3A_420 : i32 to index
        %parallel_loop3A_422 = tpu.vector_load %arg5[%parallel_loop3A_421] {strides = array<i32>} : memref<40960xi32, #tpu.memory_space<vmem>>, vector<16xi32>,
        %parallel_loop3A_423 = tpu.vector_load_idx %arg6[%parallel_loop3A_422] : memref<2048xf32, #tpu.memory_space<vmem>>[vector<16xi32>], vector<16xf32>,
        %parallel_loop3A_424 = arith.index_cast %parallel_loop3A_419 : i32 to index
        %parallel_loop3A_425 = tpu.vector_load %arg6[%parallel_loop3A_424] {strides = array<i32>} : memref<2048xf32, #tpu.memory_space<vmem>>, vector<16xf32>,
        %parallel_loop3A_426 = arith.subf %parallel_loop3A_423, %parallel_loop3A_425 : vector<16xf32>
        %parallel_loop3A_427 = arith.addi %mul3A_416, %parallel_loop3A_419 : i32
        %parallel_loop3A_428 = arith.index_cast %parallel_loop3A_427 : i32 to index
        %parallel_loop3A_429 = tpu.vector_load %arg8[%parallel_loop3A_428] {strides = array<i32>} : memref<40960xf32, #tpu.memory_space<vmem>>, vector<16xf32>,
        tpu.vector_store %arg8[%parallel_loop3A_428], %parallel_loop3A_426 {strides = array<i32>} : memref<40960xf32, #tpu.memory_space<vmem>>, vector<16xf32>,
      } {sc.loop_unroll_factor = 8 : i64, sc.parallel_access}
    }
    %scan3A_67 = arith.constant 20 : i32
    %mul3A_68 = arith.constant 64 : i32
    %mul3A_69 = arith.muli %select_n3A, %mul3A_68 : i32
    %add3A_70 = arith.addi %mul3A_69, %add3A_56 : i32
    %mul3A_71 = arith.constant 40960 : i32
    %mul3A_72 = arith.muli %add3A_70, %mul3A_71 : i32
    %dma_start3A_73 = tpu.memref_slice %arg4[%mul3A_72] : memref<20971520xf32, #tpu.memory_space<hbm>> -> memref<40960xf32, #tpu.memory_space<hbm>>
    %dma_start3A_74 = tpu.memref_slice %arg4[%mul3A_72] : memref<20971520xf32, #tpu.memory_space<hbm>> -> memref<40960xf32, #tpu.memory_space<hbm>>
    tpu.enqueue_dma source(%arg8 : memref<40960xf32, #tpu.memory_space<vmem>>) target(%dma_start3A_74 : memref<40960xf32, #tpu.memory_space<hbm>>) target_semaphore(%arg10 : memref<!tpu.dma_semaphore, #tpu.memory_space<semaphore_mem>>)
    %mul3A_75 = arith.constant 16 : i32
    %mul3A_76 = arith.muli %mul3A_75, %select_n3A_30 : i32
    %add3A_77 = arith.constant 2 : i32
    %add3A_78 = arith.addi %mul3A_76, %add3A_77 : i32
    %mul3A_79 = arith.constant 64 : i32
    %mul3A_80 = arith.muli %select_n3A, %mul3A_79 : i32
    %add3A_81 = arith.addi %mul3A_80, %add3A_78 : i32
    %mul3A_82 = arith.constant 2048 : i32
    %mul3A_83 = arith.muli %add3A_81, %mul3A_82 : i32
    "tpu.region"() ({
      %run_scoped3A = tpu.sem_alloc : memref<!tpu.dma_semaphore, #tpu.memory_space<semaphore_mem>>
      %dma_start3A_414 = tpu.memref_slice %arg2[%mul3A_83] : memref<1048576xf32, #tpu.memory_space<hbm>> -> memref<2048xf32, #tpu.memory_space<hbm>>
      %dma_start3A_415 = tpu.memref_slice %arg2[%mul3A_83] : memref<1048576xf32, #tpu.memory_space<hbm>> -> memref<2048xf32, #tpu.memory_space<hbm>>
      tpu.enqueue_dma source(%dma_start3A_415 : memref<2048xf32, #tpu.memory_space<hbm>>) target(%arg6 : memref<2048xf32, #tpu.memory_space<vmem>>) target_semaphore(%run_scoped3A : memref<!tpu.dma_semaphore, #tpu.memory_space<semaphore_mem>>)
      %dma_wait3A_416 = tpu.memref_slice %arg2[%mul3A_83] : memref<1048576xf32, #tpu.memory_space<hbm>> -> memref<2048xf32, #tpu.memory_space<hbm>>
      %dma_wait3A_417 = tpu.memref_slice %arg2[%mul3A_83] : memref<1048576xf32, #tpu.memory_space<hbm>> -> memref<2048xf32, #tpu.memory_space<hbm>>
      tpu.wait_dma2 semaphore(%run_scoped3A : memref<!tpu.dma_semaphore, #tpu.memory_space<semaphore_mem>>) src(%dma_wait3A_417 : memref<2048xf32, #tpu.memory_space<hbm>>) dst(%arg6 : memref<2048xf32, #tpu.memory_space<vmem>>)
      tpu.yield
    }) : () -> ()
    %dma_wait3A = tpu.memref_slice %arg4[%mul3A_51] : memref<20971520xf32, #tpu.memory_space<hbm>> -> memref<40960xf32, #tpu.memory_space<hbm>>
    %dma_wait3A_84 = tpu.memref_slice %arg4[%mul3A_51] : memref<20971520xf32, #tpu.memory_space<hbm>> -> memref<40960xf32, #tpu.memory_space<hbm>>
    tpu.wait_dma2 semaphore(%arg9 : memref<!tpu.dma_semaphore, #tpu.memory_space<semaphore_mem>>) src(%arg7 : memref<40960xf32, #tpu.memory_space<vmem>>) dst(%dma_wait3A_84 : memref<40960xf32, #tpu.memory_space<hbm>>)
    %scan3A_85 = arith.constant 0 : i32
    %scan3A_86 = arith.constant 0 : i32
    %scan3A_87 = arith.constant 20 : i32
    %scan3A_88 = arith.addi %scan3A_86, %scan3A_87 : i32
    %scan3A_89 = arith.constant 1 : i32
    scf.for %scan3A_414 = %scan3A_86 to %scan3A_88 step %scan3A_89  : i32 {
      %mul3A_415 = arith.constant 2048 : i32
      %mul3A_416 = arith.muli %scan3A_414, %mul3A_415 : i32
      %parallel_loop3A = arith.constant 0 : i32
      %parallel_loop3A_417 = arith.constant 2048 : i32
      %parallel_loop3A_418 = arith.constant 16 : i32
      scf.for %parallel_loop3A_419 = %parallel_loop3A to %parallel_loop3A_417 step %parallel_loop3A_418  : i32 {
        %parallel_loop3A_420 = arith.addi %mul3A_416, %parallel_loop3A_419 : i32
        %parallel_loop3A_421 = arith.index_cast %parallel_loop3A_420 : i32 to index
        %parallel_loop3A_422 = tpu.vector_load %arg5[%parallel_loop3A_421] {strides = array<i32>} : memref<40960xi32, #tpu.memory_space<vmem>>, vector<16xi32>,
        %parallel_loop3A_423 = tpu.vector_load_idx %arg6[%parallel_loop3A_422] : memref<2048xf32, #tpu.memory_space<vmem>>[vector<16xi32>], vector<16xf32>,
        %parallel_loop3A_424 = arith.index_cast %parallel_loop3A_419 : i32 to index
        %parallel_loop3A_425 = tpu.vector_load %arg6[%parallel_loop3A_424] {strides = array<i32>} : memref<2048xf32, #tpu.memory_space<vmem>>, vector<16xf32>,
        %parallel_loop3A_426 = arith.subf %parallel_loop3A_423, %parallel_loop3A_425 : vector<16xf32>
        %parallel_loop3A_427 = arith.addi %mul3A_416, %parallel_loop3A_419 : i32
        %parallel_loop3A_428 = arith.index_cast %parallel_loop3A_427 : i32 to index
        %parallel_loop3A_429 = tpu.vector_load %arg7[%parallel_loop3A_428] {strides = array<i32>} : memref<40960xf32, #tpu.memory_space<vmem>>, vector<16xf32>,
        tpu.vector_store %arg7[%parallel_loop3A_428], %parallel_loop3A_426 {strides = array<i32>} : memref<40960xf32, #tpu.memory_space<vmem>>, vector<16xf32>,
      } {sc.loop_unroll_factor = 8 : i64, sc.parallel_access}
    }
    %scan3A_90 = arith.constant 20 : i32
    %mul3A_91 = arith.constant 64 : i32
    %mul3A_92 = arith.muli %select_n3A, %mul3A_91 : i32
    %add3A_93 = arith.addi %mul3A_92, %add3A_78 : i32
    %mul3A_94 = arith.constant 40960 : i32
    %mul3A_95 = arith.muli %add3A_93, %mul3A_94 : i32
    %dma_start3A_96 = tpu.memref_slice %arg4[%mul3A_95] : memref<20971520xf32, #tpu.memory_space<hbm>> -> memref<40960xf32, #tpu.memory_space<hbm>>
    %dma_start3A_97 = tpu.memref_slice %arg4[%mul3A_95] : memref<20971520xf32, #tpu.memory_space<hbm>> -> memref<40960xf32, #tpu.memory_space<hbm>>
    tpu.enqueue_dma source(%arg7 : memref<40960xf32, #tpu.memory_space<vmem>>) target(%dma_start3A_97 : memref<40960xf32, #tpu.memory_space<hbm>>) target_semaphore(%arg9 : memref<!tpu.dma_semaphore, #tpu.memory_space<semaphore_mem>>)
    %mul3A_98 = arith.constant 16 : i32
    %mul3A_99 = arith.muli %mul3A_98, %select_n3A_30 : i32
    %add3A_100 = arith.constant 3 : i32
    %add3A_101 = arith.addi %mul3A_99, %add3A_100 : i32
    %mul3A_102 = arith.constant 64 : i32
    %mul3A_103 = arith.muli %select_n3A, %mul3A_102 : i32
    %add3A_104 = arith.addi %mul3A_103, %add3A_101 : i32
    %mul3A_105 = arith.constant 2048 : i32
    %mul3A_106 = arith.muli %add3A_104, %mul3A_105 : i32
    "tpu.region"() ({
      %run_scoped3A = tpu.sem_alloc : memref<!tpu.dma_semaphore, #tpu.memory_space<semaphore_mem>>
      %dma_start3A_414 = tpu.memref_slice %arg2[%mul3A_106] : memref<1048576xf32, #tpu.memory_space<hbm>> -> memref<2048xf32, #tpu.memory_space<hbm>>
      %dma_start3A_415 = tpu.memref_slice %arg2[%mul3A_106] : memref<1048576xf32, #tpu.memory_space<hbm>> -> memref<2048xf32, #tpu.memory_space<hbm>>
      tpu.enqueue_dma source(%dma_start3A_415 : memref<2048xf32, #tpu.memory_space<hbm>>) target(%arg6 : memref<2048xf32, #tpu.memory_space<vmem>>) target_semaphore(%run_scoped3A : memref<!tpu.dma_semaphore, #tpu.memory_space<semaphore_mem>>)
      %dma_wait3A_416 = tpu.memref_slice %arg2[%mul3A_106] : memref<1048576xf32, #tpu.memory_space<hbm>> -> memref<2048xf32, #tpu.memory_space<hbm>>
      %dma_wait3A_417 = tpu.memref_slice %arg2[%mul3A_106] : memref<1048576xf32, #tpu.memory_space<hbm>> -> memref<2048xf32, #tpu.memory_space<hbm>>
      tpu.wait_dma2 semaphore(%run_scoped3A : memref<!tpu.dma_semaphore, #tpu.memory_space<semaphore_mem>>) src(%dma_wait3A_417 : memref<2048xf32, #tpu.memory_space<hbm>>) dst(%arg6 : memref<2048xf32, #tpu.memory_space<vmem>>)
      tpu.yield
    }) : () -> ()
    %dma_wait3A_107 = tpu.memref_slice %arg4[%mul3A_72] : memref<20971520xf32, #tpu.memory_space<hbm>> -> memref<40960xf32, #tpu.memory_space<hbm>>
    %dma_wait3A_108 = tpu.memref_slice %arg4[%mul3A_72] : memref<20971520xf32, #tpu.memory_space<hbm>> -> memref<40960xf32, #tpu.memory_space<hbm>>
    tpu.wait_dma2 semaphore(%arg10 : memref<!tpu.dma_semaphore, #tpu.memory_space<semaphore_mem>>) src(%arg8 : memref<40960xf32, #tpu.memory_space<vmem>>) dst(%dma_wait3A_108 : memref<40960xf32, #tpu.memory_space<hbm>>)
    %scan3A_109 = arith.constant 0 : i32
    %scan3A_110 = arith.constant 0 : i32
    %scan3A_111 = arith.constant 20 : i32
    %scan3A_112 = arith.addi %scan3A_110, %scan3A_111 : i32
    %scan3A_113 = arith.constant 1 : i32
    scf.for %scan3A_414 = %scan3A_110 to %scan3A_112 step %scan3A_113  : i32 {
      %mul3A_415 = arith.constant 2048 : i32
      %mul3A_416 = arith.muli %scan3A_414, %mul3A_415 : i32
      %parallel_loop3A = arith.constant 0 : i32
      %parallel_loop3A_417 = arith.constant 2048 : i32
      %parallel_loop3A_418 = arith.constant 16 : i32
      scf.for %parallel_loop3A_419 = %parallel_loop3A to %parallel_loop3A_417 step %parallel_loop3A_418  : i32 {
        %parallel_loop3A_420 = arith.addi %mul3A_416, %parallel_loop3A_419 : i32
        %parallel_loop3A_421 = arith.index_cast %parallel_loop3A_420 : i32 to index
        %parallel_loop3A_422 = tpu.vector_load %arg5[%parallel_loop3A_421] {strides = array<i32>} : memref<40960xi32, #tpu.memory_space<vmem>>, vector<16xi32>,
        %parallel_loop3A_423 = tpu.vector_load_idx %arg6[%parallel_loop3A_422] : memref<2048xf32, #tpu.memory_space<vmem>>[vector<16xi32>], vector<16xf32>,
        %parallel_loop3A_424 = arith.index_cast %parallel_loop3A_419 : i32 to index
        %parallel_loop3A_425 = tpu.vector_load %arg6[%parallel_loop3A_424] {strides = array<i32>} : memref<2048xf32, #tpu.memory_space<vmem>>, vector<16xf32>,
        %parallel_loop3A_426 = arith.subf %parallel_loop3A_423, %parallel_loop3A_425 : vector<16xf32>
        %parallel_loop3A_427 = arith.addi %mul3A_416, %parallel_loop3A_419 : i32
        %parallel_loop3A_428 = arith.index_cast %parallel_loop3A_427 : i32 to index
        %parallel_loop3A_429 = tpu.vector_load %arg8[%parallel_loop3A_428] {strides = array<i32>} : memref<40960xf32, #tpu.memory_space<vmem>>, vector<16xf32>,
        tpu.vector_store %arg8[%parallel_loop3A_428], %parallel_loop3A_426 {strides = array<i32>} : memref<40960xf32, #tpu.memory_space<vmem>>, vector<16xf32>,
      } {sc.loop_unroll_factor = 8 : i64, sc.parallel_access}
    }
    %scan3A_114 = arith.constant 20 : i32
    %mul3A_115 = arith.constant 64 : i32
    %mul3A_116 = arith.muli %select_n3A, %mul3A_115 : i32
    %add3A_117 = arith.addi %mul3A_116, %add3A_101 : i32
    %mul3A_118 = arith.constant 40960 : i32
    %mul3A_119 = arith.muli %add3A_117, %mul3A_118 : i32
    %dma_start3A_120 = tpu.memref_slice %arg4[%mul3A_119] : memref<20971520xf32, #tpu.memory_space<hbm>> -> memref<40960xf32, #tpu.memory_space<hbm>>
    %dma_start3A_121 = tpu.memref_slice %arg4[%mul3A_119] : memref<20971520xf32, #tpu.memory_space<hbm>> -> memref<40960xf32, #tpu.memory_space<hbm>>
    tpu.enqueue_dma source(%arg8 : memref<40960xf32, #tpu.memory_space<vmem>>) target(%dma_start3A_121 : memref<40960xf32, #tpu.memory_space<hbm>>) target_semaphore(%arg10 : memref<!tpu.dma_semaphore, #tpu.memory_space<semaphore_mem>>)
    %mul3A_122 = arith.constant 16 : i32
    %mul3A_123 = arith.muli %mul3A_122, %select_n3A_30 : i32
    %add3A_124 = arith.constant 4 : i32
    %add3A_125 = arith.addi %mul3A_123, %add3A_124 : i32
    %mul3A_126 = arith.constant 64 : i32
    %mul3A_127 = arith.muli %select_n3A, %mul3A_126 : i32
    %add3A_128 = arith.addi %mul3A_127, %add3A_125 : i32
    %mul3A_129 = arith.constant 2048 : i32
    %mul3A_130 = arith.muli %add3A_128, %mul3A_129 : i32
    "tpu.region"() ({
      %run_scoped3A = tpu.sem_alloc : memref<!tpu.dma_semaphore, #tpu.memory_space<semaphore_mem>>
      %dma_start3A_414 = tpu.memref_slice %arg2[%mul3A_130] : memref<1048576xf32, #tpu.memory_space<hbm>> -> memref<2048xf32, #tpu.memory_space<hbm>>
      %dma_start3A_415 = tpu.memref_slice %arg2[%mul3A_130] : memref<1048576xf32, #tpu.memory_space<hbm>> -> memref<2048xf32, #tpu.memory_space<hbm>>
      tpu.enqueue_dma source(%dma_start3A_415 : memref<2048xf32, #tpu.memory_space<hbm>>) target(%arg6 : memref<2048xf32, #tpu.memory_space<vmem>>) target_semaphore(%run_scoped3A : memref<!tpu.dma_semaphore, #tpu.memory_space<semaphore_mem>>)
      %dma_wait3A_416 = tpu.memref_slice %arg2[%mul3A_130] : memref<1048576xf32, #tpu.memory_space<hbm>> -> memref<2048xf32, #tpu.memory_space<hbm>>
      %dma_wait3A_417 = tpu.memref_slice %arg2[%mul3A_130] : memref<1048576xf32, #tpu.memory_space<hbm>> -> memref<2048xf32, #tpu.memory_space<hbm>>
      tpu.wait_dma2 semaphore(%run_scoped3A : memref<!tpu.dma_semaphore, #tpu.memory_space<semaphore_mem>>) src(%dma_wait3A_417 : memref<2048xf32, #tpu.memory_space<hbm>>) dst(%arg6 : memref<2048xf32, #tpu.memory_space<vmem>>)
      tpu.yield
    }) : () -> ()
    %dma_wait3A_131 = tpu.memref_slice %arg4[%mul3A_95] : memref<20971520xf32, #tpu.memory_space<hbm>> -> memref<40960xf32, #tpu.memory_space<hbm>>
    %dma_wait3A_132 = tpu.memref_slice %arg4[%mul3A_95] : memref<20971520xf32, #tpu.memory_space<hbm>> -> memref<40960xf32, #tpu.memory_space<hbm>>
    tpu.wait_dma2 semaphore(%arg9 : memref<!tpu.dma_semaphore, #tpu.memory_space<semaphore_mem>>) src(%arg7 : memref<40960xf32, #tpu.memory_space<vmem>>) dst(%dma_wait3A_132 : memref<40960xf32, #tpu.memory_space<hbm>>)
    %scan3A_133 = arith.constant 0 : i32
    %scan3A_134 = arith.constant 0 : i32
    %scan3A_135 = arith.constant 20 : i32
    %scan3A_136 = arith.addi %scan3A_134, %scan3A_135 : i32
    %scan3A_137 = arith.constant 1 : i32
    scf.for %scan3A_414 = %scan3A_134 to %scan3A_136 step %scan3A_137  : i32 {
      %mul3A_415 = arith.constant 2048 : i32
      %mul3A_416 = arith.muli %scan3A_414, %mul3A_415 : i32
      %parallel_loop3A = arith.constant 0 : i32
      %parallel_loop3A_417 = arith.constant 2048 : i32
      %parallel_loop3A_418 = arith.constant 16 : i32
      scf.for %parallel_loop3A_419 = %parallel_loop3A to %parallel_loop3A_417 step %parallel_loop3A_418  : i32 {
        %parallel_loop3A_420 = arith.addi %mul3A_416, %parallel_loop3A_419 : i32
        %parallel_loop3A_421 = arith.index_cast %parallel_loop3A_420 : i32 to index
        %parallel_loop3A_422 = tpu.vector_load %arg5[%parallel_loop3A_421] {strides = array<i32>} : memref<40960xi32, #tpu.memory_space<vmem>>, vector<16xi32>,
        %parallel_loop3A_423 = tpu.vector_load_idx %arg6[%parallel_loop3A_422] : memref<2048xf32, #tpu.memory_space<vmem>>[vector<16xi32>], vector<16xf32>,
        %parallel_loop3A_424 = arith.index_cast %parallel_loop3A_419 : i32 to index
        %parallel_loop3A_425 = tpu.vector_load %arg6[%parallel_loop3A_424] {strides = array<i32>} : memref<2048xf32, #tpu.memory_space<vmem>>, vector<16xf32>,
        %parallel_loop3A_426 = arith.subf %parallel_loop3A_423, %parallel_loop3A_425 : vector<16xf32>
        %parallel_loop3A_427 = arith.addi %mul3A_416, %parallel_loop3A_419 : i32
        %parallel_loop3A_428 = arith.index_cast %parallel_loop3A_427 : i32 to index
        %parallel_loop3A_429 = tpu.vector_load %arg7[%parallel_loop3A_428] {strides = array<i32>} : memref<40960xf32, #tpu.memory_space<vmem>>, vector<16xf32>,
        tpu.vector_store %arg7[%parallel_loop3A_428], %parallel_loop3A_426 {strides = array<i32>} : memref<40960xf32, #tpu.memory_space<vmem>>, vector<16xf32>,
      } {sc.loop_unroll_factor = 8 : i64, sc.parallel_access}
    }
    %scan3A_138 = arith.constant 20 : i32
    %mul3A_139 = arith.constant 64 : i32
    %mul3A_140 = arith.muli %select_n3A, %mul3A_139 : i32
    %add3A_141 = arith.addi %mul3A_140, %add3A_125 : i32
    %mul3A_142 = arith.constant 40960 : i32
    %mul3A_143 = arith.muli %add3A_141, %mul3A_142 : i32
    %dma_start3A_144 = tpu.memref_slice %arg4[%mul3A_143] : memref<20971520xf32, #tpu.memory_space<hbm>> -> memref<40960xf32, #tpu.memory_space<hbm>>
    %dma_start3A_145 = tpu.memref_slice %arg4[%mul3A_143] : memref<20971520xf32, #tpu.memory_space<hbm>> -> memref<40960xf32, #tpu.memory_space<hbm>>
    tpu.enqueue_dma source(%arg7 : memref<40960xf32, #tpu.memory_space<vmem>>) target(%dma_start3A_145 : memref<40960xf32, #tpu.memory_space<hbm>>) target_semaphore(%arg9 : memref<!tpu.dma_semaphore, #tpu.memory_space<semaphore_mem>>)
    %mul3A_146 = arith.constant 16 : i32
    %mul3A_147 = arith.muli %mul3A_146, %select_n3A_30 : i32
    %add3A_148 = arith.constant 5 : i32
    %add3A_149 = arith.addi %mul3A_147, %add3A_148 : i32
    %mul3A_150 = arith.constant 64 : i32
    %mul3A_151 = arith.muli %select_n3A, %mul3A_150 : i32
    %add3A_152 = arith.addi %mul3A_151, %add3A_149 : i32
    %mul3A_153 = arith.constant 2048 : i32
    %mul3A_154 = arith.muli %add3A_152, %mul3A_153 : i32
    "tpu.region"() ({
      %run_scoped3A = tpu.sem_alloc : memref<!tpu.dma_semaphore, #tpu.memory_space<semaphore_mem>>
      %dma_start3A_414 = tpu.memref_slice %arg2[%mul3A_154] : memref<1048576xf32, #tpu.memory_space<hbm>> -> memref<2048xf32, #tpu.memory_space<hbm>>
      %dma_start3A_415 = tpu.memref_slice %arg2[%mul3A_154] : memref<1048576xf32, #tpu.memory_space<hbm>> -> memref<2048xf32, #tpu.memory_space<hbm>>
      tpu.enqueue_dma source(%dma_start3A_415 : memref<2048xf32, #tpu.memory_space<hbm>>) target(%arg6 : memref<2048xf32, #tpu.memory_space<vmem>>) target_semaphore(%run_scoped3A : memref<!tpu.dma_semaphore, #tpu.memory_space<semaphore_mem>>)
      %dma_wait3A_416 = tpu.memref_slice %arg2[%mul3A_154] : memref<1048576xf32, #tpu.memory_space<hbm>> -> memref<2048xf32, #tpu.memory_space<hbm>>
      %dma_wait3A_417 = tpu.memref_slice %arg2[%mul3A_154] : memref<1048576xf32, #tpu.memory_space<hbm>> -> memref<2048xf32, #tpu.memory_space<hbm>>
      tpu.wait_dma2 semaphore(%run_scoped3A : memref<!tpu.dma_semaphore, #tpu.memory_space<semaphore_mem>>) src(%dma_wait3A_417 : memref<2048xf32, #tpu.memory_space<hbm>>) dst(%arg6 : memref<2048xf32, #tpu.memory_space<vmem>>)
      tpu.yield
    }) : () -> ()
    %dma_wait3A_155 = tpu.memref_slice %arg4[%mul3A_119] : memref<20971520xf32, #tpu.memory_space<hbm>> -> memref<40960xf32, #tpu.memory_space<hbm>>
    %dma_wait3A_156 = tpu.memref_slice %arg4[%mul3A_119] : memref<20971520xf32, #tpu.memory_space<hbm>> -> memref<40960xf32, #tpu.memory_space<hbm>>
    tpu.wait_dma2 semaphore(%arg10 : memref<!tpu.dma_semaphore, #tpu.memory_space<semaphore_mem>>) src(%arg8 : memref<40960xf32, #tpu.memory_space<vmem>>) dst(%dma_wait3A_156 : memref<40960xf32, #tpu.memory_space<hbm>>)
    %scan3A_157 = arith.constant 0 : i32
    %scan3A_158 = arith.constant 0 : i32
    %scan3A_159 = arith.constant 20 : i32
    %scan3A_160 = arith.addi %scan3A_158, %scan3A_159 : i32
    %scan3A_161 = arith.constant 1 : i32
    scf.for %scan3A_414 = %scan3A_158 to %scan3A_160 step %scan3A_161  : i32 {
      %mul3A_415 = arith.constant 2048 : i32
      %mul3A_416 = arith.muli %scan3A_414, %mul3A_415 : i32
      %parallel_loop3A = arith.constant 0 : i32
      %parallel_loop3A_417 = arith.constant 2048 : i32
      %parallel_loop3A_418 = arith.constant 16 : i32
      scf.for %parallel_loop3A_419 = %parallel_loop3A to %parallel_loop3A_417 step %parallel_loop3A_418  : i32 {
        %parallel_loop3A_420 = arith.addi %mul3A_416, %parallel_loop3A_419 : i32
        %parallel_loop3A_421 = arith.index_cast %parallel_loop3A_420 : i32 to index
        %parallel_loop3A_422 = tpu.vector_load %arg5[%parallel_loop3A_421] {strides = array<i32>} : memref<40960xi32, #tpu.memory_space<vmem>>, vector<16xi32>,
        %parallel_loop3A_423 = tpu.vector_load_idx %arg6[%parallel_loop3A_422] : memref<2048xf32, #tpu.memory_space<vmem>>[vector<16xi32>], vector<16xf32>,
        %parallel_loop3A_424 = arith.index_cast %parallel_loop3A_419 : i32 to index
        %parallel_loop3A_425 = tpu.vector_load %arg6[%parallel_loop3A_424] {strides = array<i32>} : memref<2048xf32, #tpu.memory_space<vmem>>, vector<16xf32>,
        %parallel_loop3A_426 = arith.subf %parallel_loop3A_423, %parallel_loop3A_425 : vector<16xf32>
        %parallel_loop3A_427 = arith.addi %mul3A_416, %parallel_loop3A_419 : i32
        %parallel_loop3A_428 = arith.index_cast %parallel_loop3A_427 : i32 to index
        %parallel_loop3A_429 = tpu.vector_load %arg8[%parallel_loop3A_428] {strides = array<i32>} : memref<40960xf32, #tpu.memory_space<vmem>>, vector<16xf32>,
        tpu.vector_store %arg8[%parallel_loop3A_428], %parallel_loop3A_426 {strides = array<i32>} : memref<40960xf32, #tpu.memory_space<vmem>>, vector<16xf32>,
      } {sc.loop_unroll_factor = 8 : i64, sc.parallel_access}
    }
    %scan3A_162 = arith.constant 20 : i32
    %mul3A_163 = arith.constant 64 : i32
    %mul3A_164 = arith.muli %select_n3A, %mul3A_163 : i32
    %add3A_165 = arith.addi %mul3A_164, %add3A_149 : i32
    %mul3A_166 = arith.constant 40960 : i32
    %mul3A_167 = arith.muli %add3A_165, %mul3A_166 : i32
    %dma_start3A_168 = tpu.memref_slice %arg4[%mul3A_167] : memref<20971520xf32, #tpu.memory_space<hbm>> -> memref<40960xf32, #tpu.memory_space<hbm>>
    %dma_start3A_169 = tpu.memref_slice %arg4[%mul3A_167] : memref<20971520xf32, #tpu.memory_space<hbm>> -> memref<40960xf32, #tpu.memory_space<hbm>>
    tpu.enqueue_dma source(%arg8 : memref<40960xf32, #tpu.memory_space<vmem>>) target(%dma_start3A_169 : memref<40960xf32, #tpu.memory_space<hbm>>) target_semaphore(%arg10 : memref<!tpu.dma_semaphore, #tpu.memory_space<semaphore_mem>>)
    %mul3A_170 = arith.constant 16 : i32
    %mul3A_171 = arith.muli %mul3A_170, %select_n3A_30 : i32
    %add3A_172 = arith.constant 6 : i32
    %add3A_173 = arith.addi %mul3A_171, %add3A_172 : i32
    %mul3A_174 = arith.constant 64 : i32
    %mul3A_175 = arith.muli %select_n3A, %mul3A_174 : i32
    %add3A_176 = arith.addi %mul3A_175, %add3A_173 : i32
    %mul3A_177 = arith.constant 2048 : i32
    %mul3A_178 = arith.muli %add3A_176, %mul3A_177 : i32
    "tpu.region"() ({
      %run_scoped3A = tpu.sem_alloc : memref<!tpu.dma_semaphore, #tpu.memory_space<semaphore_mem>>
      %dma_start3A_414 = tpu.memref_slice %arg2[%mul3A_178] : memref<1048576xf32, #tpu.memory_space<hbm>> -> memref<2048xf32, #tpu.memory_space<hbm>>
      %dma_start3A_415 = tpu.memref_slice %arg2[%mul3A_178] : memref<1048576xf32, #tpu.memory_space<hbm>> -> memref<2048xf32, #tpu.memory_space<hbm>>
      tpu.enqueue_dma source(%dma_start3A_415 : memref<2048xf32, #tpu.memory_space<hbm>>) target(%arg6 : memref<2048xf32, #tpu.memory_space<vmem>>) target_semaphore(%run_scoped3A : memref<!tpu.dma_semaphore, #tpu.memory_space<semaphore_mem>>)
      %dma_wait3A_416 = tpu.memref_slice %arg2[%mul3A_178] : memref<1048576xf32, #tpu.memory_space<hbm>> -> memref<2048xf32, #tpu.memory_space<hbm>>
      %dma_wait3A_417 = tpu.memref_slice %arg2[%mul3A_178] : memref<1048576xf32, #tpu.memory_space<hbm>> -> memref<2048xf32, #tpu.memory_space<hbm>>
      tpu.wait_dma2 semaphore(%run_scoped3A : memref<!tpu.dma_semaphore, #tpu.memory_space<semaphore_mem>>) src(%dma_wait3A_417 : memref<2048xf32, #tpu.memory_space<hbm>>) dst(%arg6 : memref<2048xf32, #tpu.memory_space<vmem>>)
      tpu.yield
    }) : () -> ()
    %dma_wait3A_179 = tpu.memref_slice %arg4[%mul3A_143] : memref<20971520xf32, #tpu.memory_space<hbm>> -> memref<40960xf32, #tpu.memory_space<hbm>>
    %dma_wait3A_180 = tpu.memref_slice %arg4[%mul3A_143] : memref<20971520xf32, #tpu.memory_space<hbm>> -> memref<40960xf32, #tpu.memory_space<hbm>>
    tpu.wait_dma2 semaphore(%arg9 : memref<!tpu.dma_semaphore, #tpu.memory_space<semaphore_mem>>) src(%arg7 : memref<40960xf32, #tpu.memory_space<vmem>>) dst(%dma_wait3A_180 : memref<40960xf32, #tpu.memory_space<hbm>>)
    %scan3A_181 = arith.constant 0 : i32
    %scan3A_182 = arith.constant 0 : i32
    %scan3A_183 = arith.constant 20 : i32
    %scan3A_184 = arith.addi %scan3A_182, %scan3A_183 : i32
    %scan3A_185 = arith.constant 1 : i32
    scf.for %scan3A_414 = %scan3A_182 to %scan3A_184 step %scan3A_185  : i32 {
      %mul3A_415 = arith.constant 2048 : i32
      %mul3A_416 = arith.muli %scan3A_414, %mul3A_415 : i32
      %parallel_loop3A = arith.constant 0 : i32
      %parallel_loop3A_417 = arith.constant 2048 : i32
      %parallel_loop3A_418 = arith.constant 16 : i32
      scf.for %parallel_loop3A_419 = %parallel_loop3A to %parallel_loop3A_417 step %parallel_loop3A_418  : i32 {
        %parallel_loop3A_420 = arith.addi %mul3A_416, %parallel_loop3A_419 : i32
        %parallel_loop3A_421 = arith.index_cast %parallel_loop3A_420 : i32 to index
        %parallel_loop3A_422 = tpu.vector_load %arg5[%parallel_loop3A_421] {strides = array<i32>} : memref<40960xi32, #tpu.memory_space<vmem>>, vector<16xi32>,
        %parallel_loop3A_423 = tpu.vector_load_idx %arg6[%parallel_loop3A_422] : memref<2048xf32, #tpu.memory_space<vmem>>[vector<16xi32>], vector<16xf32>,
        %parallel_loop3A_424 = arith.index_cast %parallel_loop3A_419 : i32 to index
        %parallel_loop3A_425 = tpu.vector_load %arg6[%parallel_loop3A_424] {strides = array<i32>} : memref<2048xf32, #tpu.memory_space<vmem>>, vector<16xf32>,
        %parallel_loop3A_426 = arith.subf %parallel_loop3A_423, %parallel_loop3A_425 : vector<16xf32>
        %parallel_loop3A_427 = arith.addi %mul3A_416, %parallel_loop3A_419 : i32
        %parallel_loop3A_428 = arith.index_cast %parallel_loop3A_427 : i32 to index
        %parallel_loop3A_429 = tpu.vector_load %arg7[%parallel_loop3A_428] {strides = array<i32>} : memref<40960xf32, #tpu.memory_space<vmem>>, vector<16xf32>,
        tpu.vector_store %arg7[%parallel_loop3A_428], %parallel_loop3A_426 {strides = array<i32>} : memref<40960xf32, #tpu.memory_space<vmem>>, vector<16xf32>,
      } {sc.loop_unroll_factor = 8 : i64, sc.parallel_access}
    }
    %scan3A_186 = arith.constant 20 : i32
    %mul3A_187 = arith.constant 64 : i32
    %mul3A_188 = arith.muli %select_n3A, %mul3A_187 : i32
    %add3A_189 = arith.addi %mul3A_188, %add3A_173 : i32
    %mul3A_190 = arith.constant 40960 : i32
    %mul3A_191 = arith.muli %add3A_189, %mul3A_190 : i32
    %dma_start3A_192 = tpu.memref_slice %arg4[%mul3A_191] : memref<20971520xf32, #tpu.memory_space<hbm>> -> memref<40960xf32, #tpu.memory_space<hbm>>
    %dma_start3A_193 = tpu.memref_slice %arg4[%mul3A_191] : memref<20971520xf32, #tpu.memory_space<hbm>> -> memref<40960xf32, #tpu.memory_space<hbm>>
    tpu.enqueue_dma source(%arg7 : memref<40960xf32, #tpu.memory_space<vmem>>) target(%dma_start3A_193 : memref<40960xf32, #tpu.memory_space<hbm>>) target_semaphore(%arg9 : memref<!tpu.dma_semaphore, #tpu.memory_space<semaphore_mem>>)
    %mul3A_194 = arith.constant 16 : i32
    %mul3A_195 = arith.muli %mul3A_194, %select_n3A_30 : i32
    %add3A_196 = arith.constant 7 : i32
    %add3A_197 = arith.addi %mul3A_195, %add3A_196 : i32
    %mul3A_198 = arith.constant 64 : i32
    %mul3A_199 = arith.muli %select_n3A, %mul3A_198 : i32
    %add3A_200 = arith.addi %mul3A_199, %add3A_197 : i32
    %mul3A_201 = arith.constant 2048 : i32
    %mul3A_202 = arith.muli %add3A_200, %mul3A_201 : i32
    "tpu.region"() ({
      %run_scoped3A = tpu.sem_alloc : memref<!tpu.dma_semaphore, #tpu.memory_space<semaphore_mem>>
      %dma_start3A_414 = tpu.memref_slice %arg2[%mul3A_202] : memref<1048576xf32, #tpu.memory_space<hbm>> -> memref<2048xf32, #tpu.memory_space<hbm>>
      %dma_start3A_415 = tpu.memref_slice %arg2[%mul3A_202] : memref<1048576xf32, #tpu.memory_space<hbm>> -> memref<2048xf32, #tpu.memory_space<hbm>>
      tpu.enqueue_dma source(%dma_start3A_415 : memref<2048xf32, #tpu.memory_space<hbm>>) target(%arg6 : memref<2048xf32, #tpu.memory_space<vmem>>) target_semaphore(%run_scoped3A : memref<!tpu.dma_semaphore, #tpu.memory_space<semaphore_mem>>)
      %dma_wait3A_416 = tpu.memref_slice %arg2[%mul3A_202] : memref<1048576xf32, #tpu.memory_space<hbm>> -> memref<2048xf32, #tpu.memory_space<hbm>>
      %dma_wait3A_417 = tpu.memref_slice %arg2[%mul3A_202] : memref<1048576xf32, #tpu.memory_space<hbm>> -> memref<2048xf32, #tpu.memory_space<hbm>>
      tpu.wait_dma2 semaphore(%run_scoped3A : memref<!tpu.dma_semaphore, #tpu.memory_space<semaphore_mem>>) src(%dma_wait3A_417 : memref<2048xf32, #tpu.memory_space<hbm>>) dst(%arg6 : memref<2048xf32, #tpu.memory_space<vmem>>)
      tpu.yield
    }) : () -> ()
    %dma_wait3A_203 = tpu.memref_slice %arg4[%mul3A_167] : memref<20971520xf32, #tpu.memory_space<hbm>> -> memref<40960xf32, #tpu.memory_space<hbm>>
    %dma_wait3A_204 = tpu.memref_slice %arg4[%mul3A_167] : memref<20971520xf32, #tpu.memory_space<hbm>> -> memref<40960xf32, #tpu.memory_space<hbm>>
    tpu.wait_dma2 semaphore(%arg10 : memref<!tpu.dma_semaphore, #tpu.memory_space<semaphore_mem>>) src(%arg8 : memref<40960xf32, #tpu.memory_space<vmem>>) dst(%dma_wait3A_204 : memref<40960xf32, #tpu.memory_space<hbm>>)
    %scan3A_205 = arith.constant 0 : i32
    %scan3A_206 = arith.constant 0 : i32
    %scan3A_207 = arith.constant 20 : i32
    %scan3A_208 = arith.addi %scan3A_206, %scan3A_207 : i32
    %scan3A_209 = arith.constant 1 : i32
    scf.for %scan3A_414 = %scan3A_206 to %scan3A_208 step %scan3A_209  : i32 {
      %mul3A_415 = arith.constant 2048 : i32
      %mul3A_416 = arith.muli %scan3A_414, %mul3A_415 : i32
      %parallel_loop3A = arith.constant 0 : i32
      %parallel_loop3A_417 = arith.constant 2048 : i32
      %parallel_loop3A_418 = arith.constant 16 : i32
      scf.for %parallel_loop3A_419 = %parallel_loop3A to %parallel_loop3A_417 step %parallel_loop3A_418  : i32 {
        %parallel_loop3A_420 = arith.addi %mul3A_416, %parallel_loop3A_419 : i32
        %parallel_loop3A_421 = arith.index_cast %parallel_loop3A_420 : i32 to index
        %parallel_loop3A_422 = tpu.vector_load %arg5[%parallel_loop3A_421] {strides = array<i32>} : memref<40960xi32, #tpu.memory_space<vmem>>, vector<16xi32>,
        %parallel_loop3A_423 = tpu.vector_load_idx %arg6[%parallel_loop3A_422] : memref<2048xf32, #tpu.memory_space<vmem>>[vector<16xi32>], vector<16xf32>,
        %parallel_loop3A_424 = arith.index_cast %parallel_loop3A_419 : i32 to index
        %parallel_loop3A_425 = tpu.vector_load %arg6[%parallel_loop3A_424] {strides = array<i32>} : memref<2048xf32, #tpu.memory_space<vmem>>, vector<16xf32>,
        %parallel_loop3A_426 = arith.subf %parallel_loop3A_423, %parallel_loop3A_425 : vector<16xf32>
        %parallel_loop3A_427 = arith.addi %mul3A_416, %parallel_loop3A_419 : i32
        %parallel_loop3A_428 = arith.index_cast %parallel_loop3A_427 : i32 to index
        %parallel_loop3A_429 = tpu.vector_load %arg8[%parallel_loop3A_428] {strides = array<i32>} : memref<40960xf32, #tpu.memory_space<vmem>>, vector<16xf32>,
        tpu.vector_store %arg8[%parallel_loop3A_428], %parallel_loop3A_426 {strides = array<i32>} : memref<40960xf32, #tpu.memory_space<vmem>>, vector<16xf32>,
      } {sc.loop_unroll_factor = 8 : i64, sc.parallel_access}
    }
    %scan3A_210 = arith.constant 20 : i32
    %mul3A_211 = arith.constant 64 : i32
    %mul3A_212 = arith.muli %select_n3A, %mul3A_211 : i32
    %add3A_213 = arith.addi %mul3A_212, %add3A_197 : i32
    %mul3A_214 = arith.constant 40960 : i32
    %mul3A_215 = arith.muli %add3A_213, %mul3A_214 : i32
    %dma_start3A_216 = tpu.memref_slice %arg4[%mul3A_215] : memref<20971520xf32, #tpu.memory_space<hbm>> -> memref<40960xf32, #tpu.memory_space<hbm>>
    %dma_start3A_217 = tpu.memref_slice %arg4[%mul3A_215] : memref<20971520xf32, #tpu.memory_space<hbm>> -> memref<40960xf32, #tpu.memory_space<hbm>>
    tpu.enqueue_dma source(%arg8 : memref<40960xf32, #tpu.memory_space<vmem>>) target(%dma_start3A_217 : memref<40960xf32, #tpu.memory_space<hbm>>) target_semaphore(%arg10 : memref<!tpu.dma_semaphore, #tpu.memory_space<semaphore_mem>>)
    %mul3A_218 = arith.constant 16 : i32
    %mul3A_219 = arith.muli %mul3A_218, %select_n3A_30 : i32
    %add3A_220 = arith.constant 8 : i32
    %add3A_221 = arith.addi %mul3A_219, %add3A_220 : i32
    %mul3A_222 = arith.constant 64 : i32
    %mul3A_223 = arith.muli %select_n3A, %mul3A_222 : i32
    %add3A_224 = arith.addi %mul3A_223, %add3A_221 : i32
    %mul3A_225 = arith.constant 2048 : i32
    %mul3A_226 = arith.muli %add3A_224, %mul3A_225 : i32
    "tpu.region"() ({
      %run_scoped3A = tpu.sem_alloc : memref<!tpu.dma_semaphore, #tpu.memory_space<semaphore_mem>>
      %dma_start3A_414 = tpu.memref_slice %arg2[%mul3A_226] : memref<1048576xf32, #tpu.memory_space<hbm>> -> memref<2048xf32, #tpu.memory_space<hbm>>
      %dma_start3A_415 = tpu.memref_slice %arg2[%mul3A_226] : memref<1048576xf32, #tpu.memory_space<hbm>> -> memref<2048xf32, #tpu.memory_space<hbm>>
      tpu.enqueue_dma source(%dma_start3A_415 : memref<2048xf32, #tpu.memory_space<hbm>>) target(%arg6 : memref<2048xf32, #tpu.memory_space<vmem>>) target_semaphore(%run_scoped3A : memref<!tpu.dma_semaphore, #tpu.memory_space<semaphore_mem>>)
      %dma_wait3A_416 = tpu.memref_slice %arg2[%mul3A_226] : memref<1048576xf32, #tpu.memory_space<hbm>> -> memref<2048xf32, #tpu.memory_space<hbm>>
      %dma_wait3A_417 = tpu.memref_slice %arg2[%mul3A_226] : memref<1048576xf32, #tpu.memory_space<hbm>> -> memref<2048xf32, #tpu.memory_space<hbm>>
      tpu.wait_dma2 semaphore(%run_scoped3A : memref<!tpu.dma_semaphore, #tpu.memory_space<semaphore_mem>>) src(%dma_wait3A_417 : memref<2048xf32, #tpu.memory_space<hbm>>) dst(%arg6 : memref<2048xf32, #tpu.memory_space<vmem>>)
      tpu.yield
    }) : () -> ()
    %dma_wait3A_227 = tpu.memref_slice %arg4[%mul3A_191] : memref<20971520xf32, #tpu.memory_space<hbm>> -> memref<40960xf32, #tpu.memory_space<hbm>>
    %dma_wait3A_228 = tpu.memref_slice %arg4[%mul3A_191] : memref<20971520xf32, #tpu.memory_space<hbm>> -> memref<40960xf32, #tpu.memory_space<hbm>>
    tpu.wait_dma2 semaphore(%arg9 : memref<!tpu.dma_semaphore, #tpu.memory_space<semaphore_mem>>) src(%arg7 : memref<40960xf32, #tpu.memory_space<vmem>>) dst(%dma_wait3A_228 : memref<40960xf32, #tpu.memory_space<hbm>>)
    %scan3A_229 = arith.constant 0 : i32
    %scan3A_230 = arith.constant 0 : i32
    %scan3A_231 = arith.constant 20 : i32
    %scan3A_232 = arith.addi %scan3A_230, %scan3A_231 : i32
    %scan3A_233 = arith.constant 1 : i32
    scf.for %scan3A_414 = %scan3A_230 to %scan3A_232 step %scan3A_233  : i32 {
      %mul3A_415 = arith.constant 2048 : i32
      %mul3A_416 = arith.muli %scan3A_414, %mul3A_415 : i32
      %parallel_loop3A = arith.constant 0 : i32
      %parallel_loop3A_417 = arith.constant 2048 : i32
      %parallel_loop3A_418 = arith.constant 16 : i32
      scf.for %parallel_loop3A_419 = %parallel_loop3A to %parallel_loop3A_417 step %parallel_loop3A_418  : i32 {
        %parallel_loop3A_420 = arith.addi %mul3A_416, %parallel_loop3A_419 : i32
        %parallel_loop3A_421 = arith.index_cast %parallel_loop3A_420 : i32 to index
        %parallel_loop3A_422 = tpu.vector_load %arg5[%parallel_loop3A_421] {strides = array<i32>} : memref<40960xi32, #tpu.memory_space<vmem>>, vector<16xi32>,
        %parallel_loop3A_423 = tpu.vector_load_idx %arg6[%parallel_loop3A_422] : memref<2048xf32, #tpu.memory_space<vmem>>[vector<16xi32>], vector<16xf32>,
        %parallel_loop3A_424 = arith.index_cast %parallel_loop3A_419 : i32 to index
        %parallel_loop3A_425 = tpu.vector_load %arg6[%parallel_loop3A_424] {strides = array<i32>} : memref<2048xf32, #tpu.memory_space<vmem>>, vector<16xf32>,
        %parallel_loop3A_426 = arith.subf %parallel_loop3A_423, %parallel_loop3A_425 : vector<16xf32>
        %parallel_loop3A_427 = arith.addi %mul3A_416, %parallel_loop3A_419 : i32
        %parallel_loop3A_428 = arith.index_cast %parallel_loop3A_427 : i32 to index
        %parallel_loop3A_429 = tpu.vector_load %arg7[%parallel_loop3A_428] {strides = array<i32>} : memref<40960xf32, #tpu.memory_space<vmem>>, vector<16xf32>,
        tpu.vector_store %arg7[%parallel_loop3A_428], %parallel_loop3A_426 {strides = array<i32>} : memref<40960xf32, #tpu.memory_space<vmem>>, vector<16xf32>,
      } {sc.loop_unroll_factor = 8 : i64, sc.parallel_access}
    }
    %scan3A_234 = arith.constant 20 : i32
    %mul3A_235 = arith.constant 64 : i32
    %mul3A_236 = arith.muli %select_n3A, %mul3A_235 : i32
    %add3A_237 = arith.addi %mul3A_236, %add3A_221 : i32
    %mul3A_238 = arith.constant 40960 : i32
    %mul3A_239 = arith.muli %add3A_237, %mul3A_238 : i32
    %dma_start3A_240 = tpu.memref_slice %arg4[%mul3A_239] : memref<20971520xf32, #tpu.memory_space<hbm>> -> memref<40960xf32, #tpu.memory_space<hbm>>
    %dma_start3A_241 = tpu.memref_slice %arg4[%mul3A_239] : memref<20971520xf32, #tpu.memory_space<hbm>> -> memref<40960xf32, #tpu.memory_space<hbm>>
    tpu.enqueue_dma source(%arg7 : memref<40960xf32, #tpu.memory_space<vmem>>) target(%dma_start3A_241 : memref<40960xf32, #tpu.memory_space<hbm>>) target_semaphore(%arg9 : memref<!tpu.dma_semaphore, #tpu.memory_space<semaphore_mem>>)
    %mul3A_242 = arith.constant 16 : i32
    %mul3A_243 = arith.muli %mul3A_242, %select_n3A_30 : i32
    %add3A_244 = arith.constant 9 : i32
    %add3A_245 = arith.addi %mul3A_243, %add3A_244 : i32
    %mul3A_246 = arith.constant 64 : i32
    %mul3A_247 = arith.muli %select_n3A, %mul3A_246 : i32
    %add3A_248 = arith.addi %mul3A_247, %add3A_245 : i32
    %mul3A_249 = arith.constant 2048 : i32
    %mul3A_250 = arith.muli %add3A_248, %mul3A_249 : i32
    "tpu.region"() ({
      %run_scoped3A = tpu.sem_alloc : memref<!tpu.dma_semaphore, #tpu.memory_space<semaphore_mem>>
      %dma_start3A_414 = tpu.memref_slice %arg2[%mul3A_250] : memref<1048576xf32, #tpu.memory_space<hbm>> -> memref<2048xf32, #tpu.memory_space<hbm>>
      %dma_start3A_415 = tpu.memref_slice %arg2[%mul3A_250] : memref<1048576xf32, #tpu.memory_space<hbm>> -> memref<2048xf32, #tpu.memory_space<hbm>>
      tpu.enqueue_dma source(%dma_start3A_415 : memref<2048xf32, #tpu.memory_space<hbm>>) target(%arg6 : memref<2048xf32, #tpu.memory_space<vmem>>) target_semaphore(%run_scoped3A : memref<!tpu.dma_semaphore, #tpu.memory_space<semaphore_mem>>)
      %dma_wait3A_416 = tpu.memref_slice %arg2[%mul3A_250] : memref<1048576xf32, #tpu.memory_space<hbm>> -> memref<2048xf32, #tpu.memory_space<hbm>>
      %dma_wait3A_417 = tpu.memref_slice %arg2[%mul3A_250] : memref<1048576xf32, #tpu.memory_space<hbm>> -> memref<2048xf32, #tpu.memory_space<hbm>>
      tpu.wait_dma2 semaphore(%run_scoped3A : memref<!tpu.dma_semaphore, #tpu.memory_space<semaphore_mem>>) src(%dma_wait3A_417 : memref<2048xf32, #tpu.memory_space<hbm>>) dst(%arg6 : memref<2048xf32, #tpu.memory_space<vmem>>)
      tpu.yield
    }) : () -> ()
    %dma_wait3A_251 = tpu.memref_slice %arg4[%mul3A_215] : memref<20971520xf32, #tpu.memory_space<hbm>> -> memref<40960xf32, #tpu.memory_space<hbm>>
    %dma_wait3A_252 = tpu.memref_slice %arg4[%mul3A_215] : memref<20971520xf32, #tpu.memory_space<hbm>> -> memref<40960xf32, #tpu.memory_space<hbm>>
    tpu.wait_dma2 semaphore(%arg10 : memref<!tpu.dma_semaphore, #tpu.memory_space<semaphore_mem>>) src(%arg8 : memref<40960xf32, #tpu.memory_space<vmem>>) dst(%dma_wait3A_252 : memref<40960xf32, #tpu.memory_space<hbm>>)
    %scan3A_253 = arith.constant 0 : i32
    %scan3A_254 = arith.constant 0 : i32
    %scan3A_255 = arith.constant 20 : i32
    %scan3A_256 = arith.addi %scan3A_254, %scan3A_255 : i32
    %scan3A_257 = arith.constant 1 : i32
    scf.for %scan3A_414 = %scan3A_254 to %scan3A_256 step %scan3A_257  : i32 {
      %mul3A_415 = arith.constant 2048 : i32
      %mul3A_416 = arith.muli %scan3A_414, %mul3A_415 : i32
      %parallel_loop3A = arith.constant 0 : i32
      %parallel_loop3A_417 = arith.constant 2048 : i32
      %parallel_loop3A_418 = arith.constant 16 : i32
      scf.for %parallel_loop3A_419 = %parallel_loop3A to %parallel_loop3A_417 step %parallel_loop3A_418  : i32 {
        %parallel_loop3A_420 = arith.addi %mul3A_416, %parallel_loop3A_419 : i32
        %parallel_loop3A_421 = arith.index_cast %parallel_loop3A_420 : i32 to index
        %parallel_loop3A_422 = tpu.vector_load %arg5[%parallel_loop3A_421] {strides = array<i32>} : memref<40960xi32, #tpu.memory_space<vmem>>, vector<16xi32>,
        %parallel_loop3A_423 = tpu.vector_load_idx %arg6[%parallel_loop3A_422] : memref<2048xf32, #tpu.memory_space<vmem>>[vector<16xi32>], vector<16xf32>,
        %parallel_loop3A_424 = arith.index_cast %parallel_loop3A_419 : i32 to index
        %parallel_loop3A_425 = tpu.vector_load %arg6[%parallel_loop3A_424] {strides = array<i32>} : memref<2048xf32, #tpu.memory_space<vmem>>, vector<16xf32>,
        %parallel_loop3A_426 = arith.subf %parallel_loop3A_423, %parallel_loop3A_425 : vector<16xf32>
        %parallel_loop3A_427 = arith.addi %mul3A_416, %parallel_loop3A_419 : i32
        %parallel_loop3A_428 = arith.index_cast %parallel_loop3A_427 : i32 to index
        %parallel_loop3A_429 = tpu.vector_load %arg8[%parallel_loop3A_428] {strides = array<i32>} : memref<40960xf32, #tpu.memory_space<vmem>>, vector<16xf32>,
        tpu.vector_store %arg8[%parallel_loop3A_428], %parallel_loop3A_426 {strides = array<i32>} : memref<40960xf32, #tpu.memory_space<vmem>>, vector<16xf32>,
      } {sc.loop_unroll_factor = 8 : i64, sc.parallel_access}
    }
    %scan3A_258 = arith.constant 20 : i32
    %mul3A_259 = arith.constant 64 : i32
    %mul3A_260 = arith.muli %select_n3A, %mul3A_259 : i32
    %add3A_261 = arith.addi %mul3A_260, %add3A_245 : i32
    %mul3A_262 = arith.constant 40960 : i32
    %mul3A_263 = arith.muli %add3A_261, %mul3A_262 : i32
    %dma_start3A_264 = tpu.memref_slice %arg4[%mul3A_263] : memref<20971520xf32, #tpu.memory_space<hbm>> -> memref<40960xf32, #tpu.memory_space<hbm>>
    %dma_start3A_265 = tpu.memref_slice %arg4[%mul3A_263] : memref<20971520xf32, #tpu.memory_space<hbm>> -> memref<40960xf32, #tpu.memory_space<hbm>>
    tpu.enqueue_dma source(%arg8 : memref<40960xf32, #tpu.memory_space<vmem>>) target(%dma_start3A_265 : memref<40960xf32, #tpu.memory_space<hbm>>) target_semaphore(%arg10 : memref<!tpu.dma_semaphore, #tpu.memory_space<semaphore_mem>>)
    %mul3A_266 = arith.constant 16 : i32
    %mul3A_267 = arith.muli %mul3A_266, %select_n3A_30 : i32
    %add3A_268 = arith.constant 10 : i32
    %add3A_269 = arith.addi %mul3A_267, %add3A_268 : i32
    %mul3A_270 = arith.constant 64 : i32
    %mul3A_271 = arith.muli %select_n3A, %mul3A_270 : i32
    %add3A_272 = arith.addi %mul3A_271, %add3A_269 : i32
    %mul3A_273 = arith.constant 2048 : i32
    %mul3A_274 = arith.muli %add3A_272, %mul3A_273 : i32
    "tpu.region"() ({
      %run_scoped3A = tpu.sem_alloc : memref<!tpu.dma_semaphore, #tpu.memory_space<semaphore_mem>>
      %dma_start3A_414 = tpu.memref_slice %arg2[%mul3A_274] : memref<1048576xf32, #tpu.memory_space<hbm>> -> memref<2048xf32, #tpu.memory_space<hbm>>
      %dma_start3A_415 = tpu.memref_slice %arg2[%mul3A_274] : memref<1048576xf32, #tpu.memory_space<hbm>> -> memref<2048xf32, #tpu.memory_space<hbm>>
      tpu.enqueue_dma source(%dma_start3A_415 : memref<2048xf32, #tpu.memory_space<hbm>>) target(%arg6 : memref<2048xf32, #tpu.memory_space<vmem>>) target_semaphore(%run_scoped3A : memref<!tpu.dma_semaphore, #tpu.memory_space<semaphore_mem>>)
      %dma_wait3A_416 = tpu.memref_slice %arg2[%mul3A_274] : memref<1048576xf32, #tpu.memory_space<hbm>> -> memref<2048xf32, #tpu.memory_space<hbm>>
      %dma_wait3A_417 = tpu.memref_slice %arg2[%mul3A_274] : memref<1048576xf32, #tpu.memory_space<hbm>> -> memref<2048xf32, #tpu.memory_space<hbm>>
      tpu.wait_dma2 semaphore(%run_scoped3A : memref<!tpu.dma_semaphore, #tpu.memory_space<semaphore_mem>>) src(%dma_wait3A_417 : memref<2048xf32, #tpu.memory_space<hbm>>) dst(%arg6 : memref<2048xf32, #tpu.memory_space<vmem>>)
      tpu.yield
    }) : () -> ()
    %dma_wait3A_275 = tpu.memref_slice %arg4[%mul3A_239] : memref<20971520xf32, #tpu.memory_space<hbm>> -> memref<40960xf32, #tpu.memory_space<hbm>>
    %dma_wait3A_276 = tpu.memref_slice %arg4[%mul3A_239] : memref<20971520xf32, #tpu.memory_space<hbm>> -> memref<40960xf32, #tpu.memory_space<hbm>>
    tpu.wait_dma2 semaphore(%arg9 : memref<!tpu.dma_semaphore, #tpu.memory_space<semaphore_mem>>) src(%arg7 : memref<40960xf32, #tpu.memory_space<vmem>>) dst(%dma_wait3A_276 : memref<40960xf32, #tpu.memory_space<hbm>>)
    %scan3A_277 = arith.constant 0 : i32
    %scan3A_278 = arith.constant 0 : i32
    %scan3A_279 = arith.constant 20 : i32
    %scan3A_280 = arith.addi %scan3A_278, %scan3A_279 : i32
    %scan3A_281 = arith.constant 1 : i32
    scf.for %scan3A_414 = %scan3A_278 to %scan3A_280 step %scan3A_281  : i32 {
      %mul3A_415 = arith.constant 2048 : i32
      %mul3A_416 = arith.muli %scan3A_414, %mul3A_415 : i32
      %parallel_loop3A = arith.constant 0 : i32
      %parallel_loop3A_417 = arith.constant 2048 : i32
      %parallel_loop3A_418 = arith.constant 16 : i32
      scf.for %parallel_loop3A_419 = %parallel_loop3A to %parallel_loop3A_417 step %parallel_loop3A_418  : i32 {
        %parallel_loop3A_420 = arith.addi %mul3A_416, %parallel_loop3A_419 : i32
        %parallel_loop3A_421 = arith.index_cast %parallel_loop3A_420 : i32 to index
        %parallel_loop3A_422 = tpu.vector_load %arg5[%parallel_loop3A_421] {strides = array<i32>} : memref<40960xi32, #tpu.memory_space<vmem>>, vector<16xi32>,
        %parallel_loop3A_423 = tpu.vector_load_idx %arg6[%parallel_loop3A_422] : memref<2048xf32, #tpu.memory_space<vmem>>[vector<16xi32>], vector<16xf32>,
        %parallel_loop3A_424 = arith.index_cast %parallel_loop3A_419 : i32 to index
        %parallel_loop3A_425 = tpu.vector_load %arg6[%parallel_loop3A_424] {strides = array<i32>} : memref<2048xf32, #tpu.memory_space<vmem>>, vector<16xf32>,
        %parallel_loop3A_426 = arith.subf %parallel_loop3A_423, %parallel_loop3A_425 : vector<16xf32>
        %parallel_loop3A_427 = arith.addi %mul3A_416, %parallel_loop3A_419 : i32
        %parallel_loop3A_428 = arith.index_cast %parallel_loop3A_427 : i32 to index
        %parallel_loop3A_429 = tpu.vector_load %arg7[%parallel_loop3A_428] {strides = array<i32>} : memref<40960xf32, #tpu.memory_space<vmem>>, vector<16xf32>,
        tpu.vector_store %arg7[%parallel_loop3A_428], %parallel_loop3A_426 {strides = array<i32>} : memref<40960xf32, #tpu.memory_space<vmem>>, vector<16xf32>,
      } {sc.loop_unroll_factor = 8 : i64, sc.parallel_access}
    }
    %scan3A_282 = arith.constant 20 : i32
    %mul3A_283 = arith.constant 64 : i32
    %mul3A_284 = arith.muli %select_n3A, %mul3A_283 : i32
    %add3A_285 = arith.addi %mul3A_284, %add3A_269 : i32
    %mul3A_286 = arith.constant 40960 : i32
    %mul3A_287 = arith.muli %add3A_285, %mul3A_286 : i32
    %dma_start3A_288 = tpu.memref_slice %arg4[%mul3A_287] : memref<20971520xf32, #tpu.memory_space<hbm>> -> memref<40960xf32, #tpu.memory_space<hbm>>
    %dma_start3A_289 = tpu.memref_slice %arg4[%mul3A_287] : memref<20971520xf32, #tpu.memory_space<hbm>> -> memref<40960xf32, #tpu.memory_space<hbm>>
    tpu.enqueue_dma source(%arg7 : memref<40960xf32, #tpu.memory_space<vmem>>) target(%dma_start3A_289 : memref<40960xf32, #tpu.memory_space<hbm>>) target_semaphore(%arg9 : memref<!tpu.dma_semaphore, #tpu.memory_space<semaphore_mem>>)
    %mul3A_290 = arith.constant 16 : i32
    %mul3A_291 = arith.muli %mul3A_290, %select_n3A_30 : i32
    %add3A_292 = arith.constant 11 : i32
    %add3A_293 = arith.addi %mul3A_291, %add3A_292 : i32
    %mul3A_294 = arith.constant 64 : i32
    %mul3A_295 = arith.muli %select_n3A, %mul3A_294 : i32
    %add3A_296 = arith.addi %mul3A_295, %add3A_293 : i32
    %mul3A_297 = arith.constant 2048 : i32
    %mul3A_298 = arith.muli %add3A_296, %mul3A_297 : i32
    "tpu.region"() ({
      %run_scoped3A = tpu.sem_alloc : memref<!tpu.dma_semaphore, #tpu.memory_space<semaphore_mem>>
      %dma_start3A_414 = tpu.memref_slice %arg2[%mul3A_298] : memref<1048576xf32, #tpu.memory_space<hbm>> -> memref<2048xf32, #tpu.memory_space<hbm>>
      %dma_start3A_415 = tpu.memref_slice %arg2[%mul3A_298] : memref<1048576xf32, #tpu.memory_space<hbm>> -> memref<2048xf32, #tpu.memory_space<hbm>>
      tpu.enqueue_dma source(%dma_start3A_415 : memref<2048xf32, #tpu.memory_space<hbm>>) target(%arg6 : memref<2048xf32, #tpu.memory_space<vmem>>) target_semaphore(%run_scoped3A : memref<!tpu.dma_semaphore, #tpu.memory_space<semaphore_mem>>)
      %dma_wait3A_416 = tpu.memref_slice %arg2[%mul3A_298] : memref<1048576xf32, #tpu.memory_space<hbm>> -> memref<2048xf32, #tpu.memory_space<hbm>>
      %dma_wait3A_417 = tpu.memref_slice %arg2[%mul3A_298] : memref<1048576xf32, #tpu.memory_space<hbm>> -> memref<2048xf32, #tpu.memory_space<hbm>>
      tpu.wait_dma2 semaphore(%run_scoped3A : memref<!tpu.dma_semaphore, #tpu.memory_space<semaphore_mem>>) src(%dma_wait3A_417 : memref<2048xf32, #tpu.memory_space<hbm>>) dst(%arg6 : memref<2048xf32, #tpu.memory_space<vmem>>)
      tpu.yield
    }) : () -> ()
    %dma_wait3A_299 = tpu.memref_slice %arg4[%mul3A_263] : memref<20971520xf32, #tpu.memory_space<hbm>> -> memref<40960xf32, #tpu.memory_space<hbm>>
    %dma_wait3A_300 = tpu.memref_slice %arg4[%mul3A_263] : memref<20971520xf32, #tpu.memory_space<hbm>> -> memref<40960xf32, #tpu.memory_space<hbm>>
    tpu.wait_dma2 semaphore(%arg10 : memref<!tpu.dma_semaphore, #tpu.memory_space<semaphore_mem>>) src(%arg8 : memref<40960xf32, #tpu.memory_space<vmem>>) dst(%dma_wait3A_300 : memref<40960xf32, #tpu.memory_space<hbm>>)
    %scan3A_301 = arith.constant 0 : i32
    %scan3A_302 = arith.constant 0 : i32
    %scan3A_303 = arith.constant 20 : i32
    %scan3A_304 = arith.addi %scan3A_302, %scan3A_303 : i32
    %scan3A_305 = arith.constant 1 : i32
    scf.for %scan3A_414 = %scan3A_302 to %scan3A_304 step %scan3A_305  : i32 {
      %mul3A_415 = arith.constant 2048 : i32
      %mul3A_416 = arith.muli %scan3A_414, %mul3A_415 : i32
      %parallel_loop3A = arith.constant 0 : i32
      %parallel_loop3A_417 = arith.constant 2048 : i32
      %parallel_loop3A_418 = arith.constant 16 : i32
      scf.for %parallel_loop3A_419 = %parallel_loop3A to %parallel_loop3A_417 step %parallel_loop3A_418  : i32 {
        %parallel_loop3A_420 = arith.addi %mul3A_416, %parallel_loop3A_419 : i32
        %parallel_loop3A_421 = arith.index_cast %parallel_loop3A_420 : i32 to index
        %parallel_loop3A_422 = tpu.vector_load %arg5[%parallel_loop3A_421] {strides = array<i32>} : memref<40960xi32, #tpu.memory_space<vmem>>, vector<16xi32>,
        %parallel_loop3A_423 = tpu.vector_load_idx %arg6[%parallel_loop3A_422] : memref<2048xf32, #tpu.memory_space<vmem>>[vector<16xi32>], vector<16xf32>,
        %parallel_loop3A_424 = arith.index_cast %parallel_loop3A_419 : i32 to index
        %parallel_loop3A_425 = tpu.vector_load %arg6[%parallel_loop3A_424] {strides = array<i32>} : memref<2048xf32, #tpu.memory_space<vmem>>, vector<16xf32>,
        %parallel_loop3A_426 = arith.subf %parallel_loop3A_423, %parallel_loop3A_425 : vector<16xf32>
        %parallel_loop3A_427 = arith.addi %mul3A_416, %parallel_loop3A_419 : i32
        %parallel_loop3A_428 = arith.index_cast %parallel_loop3A_427 : i32 to index
        %parallel_loop3A_429 = tpu.vector_load %arg8[%parallel_loop3A_428] {strides = array<i32>} : memref<40960xf32, #tpu.memory_space<vmem>>, vector<16xf32>,
        tpu.vector_store %arg8[%parallel_loop3A_428], %parallel_loop3A_426 {strides = array<i32>} : memref<40960xf32, #tpu.memory_space<vmem>>, vector<16xf32>,
      } {sc.loop_unroll_factor = 8 : i64, sc.parallel_access}
    }
    %scan3A_306 = arith.constant 20 : i32
    %mul3A_307 = arith.constant 64 : i32
    %mul3A_308 = arith.muli %select_n3A, %mul3A_307 : i32
    %add3A_309 = arith.addi %mul3A_308, %add3A_293 : i32
    %mul3A_310 = arith.constant 40960 : i32
    %mul3A_311 = arith.muli %add3A_309, %mul3A_310 : i32
    %dma_start3A_312 = tpu.memref_slice %arg4[%mul3A_311] : memref<20971520xf32, #tpu.memory_space<hbm>> -> memref<40960xf32, #tpu.memory_space<hbm>>
    %dma_start3A_313 = tpu.memref_slice %arg4[%mul3A_311] : memref<20971520xf32, #tpu.memory_space<hbm>> -> memref<40960xf32, #tpu.memory_space<hbm>>
    tpu.enqueue_dma source(%arg8 : memref<40960xf32, #tpu.memory_space<vmem>>) target(%dma_start3A_313 : memref<40960xf32, #tpu.memory_space<hbm>>) target_semaphore(%arg10 : memref<!tpu.dma_semaphore, #tpu.memory_space<semaphore_mem>>)
    %mul3A_314 = arith.constant 16 : i32
    %mul3A_315 = arith.muli %mul3A_314, %select_n3A_30 : i32
    %add3A_316 = arith.constant 12 : i32
    %add3A_317 = arith.addi %mul3A_315, %add3A_316 : i32
    %mul3A_318 = arith.constant 64 : i32
    %mul3A_319 = arith.muli %select_n3A, %mul3A_318 : i32
    %add3A_320 = arith.addi %mul3A_319, %add3A_317 : i32
    %mul3A_321 = arith.constant 2048 : i32
    %mul3A_322 = arith.muli %add3A_320, %mul3A_321 : i32
    "tpu.region"() ({
      %run_scoped3A = tpu.sem_alloc : memref<!tpu.dma_semaphore, #tpu.memory_space<semaphore_mem>>
      %dma_start3A_414 = tpu.memref_slice %arg2[%mul3A_322] : memref<1048576xf32, #tpu.memory_space<hbm>> -> memref<2048xf32, #tpu.memory_space<hbm>>
      %dma_start3A_415 = tpu.memref_slice %arg2[%mul3A_322] : memref<1048576xf32, #tpu.memory_space<hbm>> -> memref<2048xf32, #tpu.memory_space<hbm>>
      tpu.enqueue_dma source(%dma_start3A_415 : memref<2048xf32, #tpu.memory_space<hbm>>) target(%arg6 : memref<2048xf32, #tpu.memory_space<vmem>>) target_semaphore(%run_scoped3A : memref<!tpu.dma_semaphore, #tpu.memory_space<semaphore_mem>>)
      %dma_wait3A_416 = tpu.memref_slice %arg2[%mul3A_322] : memref<1048576xf32, #tpu.memory_space<hbm>> -> memref<2048xf32, #tpu.memory_space<hbm>>
      %dma_wait3A_417 = tpu.memref_slice %arg2[%mul3A_322] : memref<1048576xf32, #tpu.memory_space<hbm>> -> memref<2048xf32, #tpu.memory_space<hbm>>
      tpu.wait_dma2 semaphore(%run_scoped3A : memref<!tpu.dma_semaphore, #tpu.memory_space<semaphore_mem>>) src(%dma_wait3A_417 : memref<2048xf32, #tpu.memory_space<hbm>>) dst(%arg6 : memref<2048xf32, #tpu.memory_space<vmem>>)
      tpu.yield
    }) : () -> ()
    %dma_wait3A_323 = tpu.memref_slice %arg4[%mul3A_287] : memref<20971520xf32, #tpu.memory_space<hbm>> -> memref<40960xf32, #tpu.memory_space<hbm>>
    %dma_wait3A_324 = tpu.memref_slice %arg4[%mul3A_287] : memref<20971520xf32, #tpu.memory_space<hbm>> -> memref<40960xf32, #tpu.memory_space<hbm>>
    tpu.wait_dma2 semaphore(%arg9 : memref<!tpu.dma_semaphore, #tpu.memory_space<semaphore_mem>>) src(%arg7 : memref<40960xf32, #tpu.memory_space<vmem>>) dst(%dma_wait3A_324 : memref<40960xf32, #tpu.memory_space<hbm>>)
    %scan3A_325 = arith.constant 0 : i32
    %scan3A_326 = arith.constant 0 : i32
    %scan3A_327 = arith.constant 20 : i32
    %scan3A_328 = arith.addi %scan3A_326, %scan3A_327 : i32
    %scan3A_329 = arith.constant 1 : i32
    scf.for %scan3A_414 = %scan3A_326 to %scan3A_328 step %scan3A_329  : i32 {
      %mul3A_415 = arith.constant 2048 : i32
      %mul3A_416 = arith.muli %scan3A_414, %mul3A_415 : i32
      %parallel_loop3A = arith.constant 0 : i32
      %parallel_loop3A_417 = arith.constant 2048 : i32
      %parallel_loop3A_418 = arith.constant 16 : i32
      scf.for %parallel_loop3A_419 = %parallel_loop3A to %parallel_loop3A_417 step %parallel_loop3A_418  : i32 {
        %parallel_loop3A_420 = arith.addi %mul3A_416, %parallel_loop3A_419 : i32
        %parallel_loop3A_421 = arith.index_cast %parallel_loop3A_420 : i32 to index
        %parallel_loop3A_422 = tpu.vector_load %arg5[%parallel_loop3A_421] {strides = array<i32>} : memref<40960xi32, #tpu.memory_space<vmem>>, vector<16xi32>,
        %parallel_loop3A_423 = tpu.vector_load_idx %arg6[%parallel_loop3A_422] : memref<2048xf32, #tpu.memory_space<vmem>>[vector<16xi32>], vector<16xf32>,
        %parallel_loop3A_424 = arith.index_cast %parallel_loop3A_419 : i32 to index
        %parallel_loop3A_425 = tpu.vector_load %arg6[%parallel_loop3A_424] {strides = array<i32>} : memref<2048xf32, #tpu.memory_space<vmem>>, vector<16xf32>,
        %parallel_loop3A_426 = arith.subf %parallel_loop3A_423, %parallel_loop3A_425 : vector<16xf32>
        %parallel_loop3A_427 = arith.addi %mul3A_416, %parallel_loop3A_419 : i32
        %parallel_loop3A_428 = arith.index_cast %parallel_loop3A_427 : i32 to index
        %parallel_loop3A_429 = tpu.vector_load %arg7[%parallel_loop3A_428] {strides = array<i32>} : memref<40960xf32, #tpu.memory_space<vmem>>, vector<16xf32>,
        tpu.vector_store %arg7[%parallel_loop3A_428], %parallel_loop3A_426 {strides = array<i32>} : memref<40960xf32, #tpu.memory_space<vmem>>, vector<16xf32>,
      } {sc.loop_unroll_factor = 8 : i64, sc.parallel_access}
    }
    %scan3A_330 = arith.constant 20 : i32
    %mul3A_331 = arith.constant 64 : i32
    %mul3A_332 = arith.muli %select_n3A, %mul3A_331 : i32
    %add3A_333 = arith.addi %mul3A_332, %add3A_317 : i32
    %mul3A_334 = arith.constant 40960 : i32
    %mul3A_335 = arith.muli %add3A_333, %mul3A_334 : i32
    %dma_start3A_336 = tpu.memref_slice %arg4[%mul3A_335] : memref<20971520xf32, #tpu.memory_space<hbm>> -> memref<40960xf32, #tpu.memory_space<hbm>>
    %dma_start3A_337 = tpu.memref_slice %arg4[%mul3A_335] : memref<20971520xf32, #tpu.memory_space<hbm>> -> memref<40960xf32, #tpu.memory_space<hbm>>
    tpu.enqueue_dma source(%arg7 : memref<40960xf32, #tpu.memory_space<vmem>>) target(%dma_start3A_337 : memref<40960xf32, #tpu.memory_space<hbm>>) target_semaphore(%arg9 : memref<!tpu.dma_semaphore, #tpu.memory_space<semaphore_mem>>)
    %mul3A_338 = arith.constant 16 : i32
    %mul3A_339 = arith.muli %mul3A_338, %select_n3A_30 : i32
    %add3A_340 = arith.constant 13 : i32
    %add3A_341 = arith.addi %mul3A_339, %add3A_340 : i32
    %mul3A_342 = arith.constant 64 : i32
    %mul3A_343 = arith.muli %select_n3A, %mul3A_342 : i32
    %add3A_344 = arith.addi %mul3A_343, %add3A_341 : i32
    %mul3A_345 = arith.constant 2048 : i32
    %mul3A_346 = arith.muli %add3A_344, %mul3A_345 : i32
    "tpu.region"() ({
      %run_scoped3A = tpu.sem_alloc : memref<!tpu.dma_semaphore, #tpu.memory_space<semaphore_mem>>
      %dma_start3A_414 = tpu.memref_slice %arg2[%mul3A_346] : memref<1048576xf32, #tpu.memory_space<hbm>> -> memref<2048xf32, #tpu.memory_space<hbm>>
      %dma_start3A_415 = tpu.memref_slice %arg2[%mul3A_346] : memref<1048576xf32, #tpu.memory_space<hbm>> -> memref<2048xf32, #tpu.memory_space<hbm>>
      tpu.enqueue_dma source(%dma_start3A_415 : memref<2048xf32, #tpu.memory_space<hbm>>) target(%arg6 : memref<2048xf32, #tpu.memory_space<vmem>>) target_semaphore(%run_scoped3A : memref<!tpu.dma_semaphore, #tpu.memory_space<semaphore_mem>>)
      %dma_wait3A_416 = tpu.memref_slice %arg2[%mul3A_346] : memref<1048576xf32, #tpu.memory_space<hbm>> -> memref<2048xf32, #tpu.memory_space<hbm>>
      %dma_wait3A_417 = tpu.memref_slice %arg2[%mul3A_346] : memref<1048576xf32, #tpu.memory_space<hbm>> -> memref<2048xf32, #tpu.memory_space<hbm>>
      tpu.wait_dma2 semaphore(%run_scoped3A : memref<!tpu.dma_semaphore, #tpu.memory_space<semaphore_mem>>) src(%dma_wait3A_417 : memref<2048xf32, #tpu.memory_space<hbm>>) dst(%arg6 : memref<2048xf32, #tpu.memory_space<vmem>>)
      tpu.yield
    }) : () -> ()
    %dma_wait3A_347 = tpu.memref_slice %arg4[%mul3A_311] : memref<20971520xf32, #tpu.memory_space<hbm>> -> memref<40960xf32, #tpu.memory_space<hbm>>
    %dma_wait3A_348 = tpu.memref_slice %arg4[%mul3A_311] : memref<20971520xf32, #tpu.memory_space<hbm>> -> memref<40960xf32, #tpu.memory_space<hbm>>
    tpu.wait_dma2 semaphore(%arg10 : memref<!tpu.dma_semaphore, #tpu.memory_space<semaphore_mem>>) src(%arg8 : memref<40960xf32, #tpu.memory_space<vmem>>) dst(%dma_wait3A_348 : memref<40960xf32, #tpu.memory_space<hbm>>)
    %scan3A_349 = arith.constant 0 : i32
    %scan3A_350 = arith.constant 0 : i32
    %scan3A_351 = arith.constant 20 : i32
    %scan3A_352 = arith.addi %scan3A_350, %scan3A_351 : i32
    %scan3A_353 = arith.constant 1 : i32
    scf.for %scan3A_414 = %scan3A_350 to %scan3A_352 step %scan3A_353  : i32 {
      %mul3A_415 = arith.constant 2048 : i32
      %mul3A_416 = arith.muli %scan3A_414, %mul3A_415 : i32
      %parallel_loop3A = arith.constant 0 : i32
      %parallel_loop3A_417 = arith.constant 2048 : i32
      %parallel_loop3A_418 = arith.constant 16 : i32
      scf.for %parallel_loop3A_419 = %parallel_loop3A to %parallel_loop3A_417 step %parallel_loop3A_418  : i32 {
        %parallel_loop3A_420 = arith.addi %mul3A_416, %parallel_loop3A_419 : i32
        %parallel_loop3A_421 = arith.index_cast %parallel_loop3A_420 : i32 to index
        %parallel_loop3A_422 = tpu.vector_load %arg5[%parallel_loop3A_421] {strides = array<i32>} : memref<40960xi32, #tpu.memory_space<vmem>>, vector<16xi32>,
        %parallel_loop3A_423 = tpu.vector_load_idx %arg6[%parallel_loop3A_422] : memref<2048xf32, #tpu.memory_space<vmem>>[vector<16xi32>], vector<16xf32>,
        %parallel_loop3A_424 = arith.index_cast %parallel_loop3A_419 : i32 to index
        %parallel_loop3A_425 = tpu.vector_load %arg6[%parallel_loop3A_424] {strides = array<i32>} : memref<2048xf32, #tpu.memory_space<vmem>>, vector<16xf32>,
        %parallel_loop3A_426 = arith.subf %parallel_loop3A_423, %parallel_loop3A_425 : vector<16xf32>
        %parallel_loop3A_427 = arith.addi %mul3A_416, %parallel_loop3A_419 : i32
        %parallel_loop3A_428 = arith.index_cast %parallel_loop3A_427 : i32 to index
        %parallel_loop3A_429 = tpu.vector_load %arg8[%parallel_loop3A_428] {strides = array<i32>} : memref<40960xf32, #tpu.memory_space<vmem>>, vector<16xf32>,
        tpu.vector_store %arg8[%parallel_loop3A_428], %parallel_loop3A_426 {strides = array<i32>} : memref<40960xf32, #tpu.memory_space<vmem>>, vector<16xf32>,
      } {sc.loop_unroll_factor = 8 : i64, sc.parallel_access}
    }
    %scan3A_354 = arith.constant 20 : i32
    %mul3A_355 = arith.constant 64 : i32
    %mul3A_356 = arith.muli %select_n3A, %mul3A_355 : i32
    %add3A_357 = arith.addi %mul3A_356, %add3A_341 : i32
    %mul3A_358 = arith.constant 40960 : i32
    %mul3A_359 = arith.muli %add3A_357, %mul3A_358 : i32
    %dma_start3A_360 = tpu.memref_slice %arg4[%mul3A_359] : memref<20971520xf32, #tpu.memory_space<hbm>> -> memref<40960xf32, #tpu.memory_space<hbm>>
    %dma_start3A_361 = tpu.memref_slice %arg4[%mul3A_359] : memref<20971520xf32, #tpu.memory_space<hbm>> -> memref<40960xf32, #tpu.memory_space<hbm>>
    tpu.enqueue_dma source(%arg8 : memref<40960xf32, #tpu.memory_space<vmem>>) target(%dma_start3A_361 : memref<40960xf32, #tpu.memory_space<hbm>>) target_semaphore(%arg10 : memref<!tpu.dma_semaphore, #tpu.memory_space<semaphore_mem>>)
    %mul3A_362 = arith.constant 16 : i32
    %mul3A_363 = arith.muli %mul3A_362, %select_n3A_30 : i32
    %add3A_364 = arith.constant 14 : i32
    %add3A_365 = arith.addi %mul3A_363, %add3A_364 : i32
    %mul3A_366 = arith.constant 64 : i32
    %mul3A_367 = arith.muli %select_n3A, %mul3A_366 : i32
    %add3A_368 = arith.addi %mul3A_367, %add3A_365 : i32
    %mul3A_369 = arith.constant 2048 : i32
    %mul3A_370 = arith.muli %add3A_368, %mul3A_369 : i32
    "tpu.region"() ({
      %run_scoped3A = tpu.sem_alloc : memref<!tpu.dma_semaphore, #tpu.memory_space<semaphore_mem>>
      %dma_start3A_414 = tpu.memref_slice %arg2[%mul3A_370] : memref<1048576xf32, #tpu.memory_space<hbm>> -> memref<2048xf32, #tpu.memory_space<hbm>>
      %dma_start3A_415 = tpu.memref_slice %arg2[%mul3A_370] : memref<1048576xf32, #tpu.memory_space<hbm>> -> memref<2048xf32, #tpu.memory_space<hbm>>
      tpu.enqueue_dma source(%dma_start3A_415 : memref<2048xf32, #tpu.memory_space<hbm>>) target(%arg6 : memref<2048xf32, #tpu.memory_space<vmem>>) target_semaphore(%run_scoped3A : memref<!tpu.dma_semaphore, #tpu.memory_space<semaphore_mem>>)
      %dma_wait3A_416 = tpu.memref_slice %arg2[%mul3A_370] : memref<1048576xf32, #tpu.memory_space<hbm>> -> memref<2048xf32, #tpu.memory_space<hbm>>
      %dma_wait3A_417 = tpu.memref_slice %arg2[%mul3A_370] : memref<1048576xf32, #tpu.memory_space<hbm>> -> memref<2048xf32, #tpu.memory_space<hbm>>
      tpu.wait_dma2 semaphore(%run_scoped3A : memref<!tpu.dma_semaphore, #tpu.memory_space<semaphore_mem>>) src(%dma_wait3A_417 : memref<2048xf32, #tpu.memory_space<hbm>>) dst(%arg6 : memref<2048xf32, #tpu.memory_space<vmem>>)
      tpu.yield
    }) : () -> ()
    %dma_wait3A_371 = tpu.memref_slice %arg4[%mul3A_335] : memref<20971520xf32, #tpu.memory_space<hbm>> -> memref<40960xf32, #tpu.memory_space<hbm>>
    %dma_wait3A_372 = tpu.memref_slice %arg4[%mul3A_335] : memref<20971520xf32, #tpu.memory_space<hbm>> -> memref<40960xf32, #tpu.memory_space<hbm>>
    tpu.wait_dma2 semaphore(%arg9 : memref<!tpu.dma_semaphore, #tpu.memory_space<semaphore_mem>>) src(%arg7 : memref<40960xf32, #tpu.memory_space<vmem>>) dst(%dma_wait3A_372 : memref<40960xf32, #tpu.memory_space<hbm>>)
    %scan3A_373 = arith.constant 0 : i32
    %scan3A_374 = arith.constant 0 : i32
    %scan3A_375 = arith.constant 20 : i32
    %scan3A_376 = arith.addi %scan3A_374, %scan3A_375 : i32
    %scan3A_377 = arith.constant 1 : i32
    scf.for %scan3A_414 = %scan3A_374 to %scan3A_376 step %scan3A_377  : i32 {
      %mul3A_415 = arith.constant 2048 : i32
      %mul3A_416 = arith.muli %scan3A_414, %mul3A_415 : i32
      %parallel_loop3A = arith.constant 0 : i32
      %parallel_loop3A_417 = arith.constant 2048 : i32
      %parallel_loop3A_418 = arith.constant 16 : i32
      scf.for %parallel_loop3A_419 = %parallel_loop3A to %parallel_loop3A_417 step %parallel_loop3A_418  : i32 {
        %parallel_loop3A_420 = arith.addi %mul3A_416, %parallel_loop3A_419 : i32
        %parallel_loop3A_421 = arith.index_cast %parallel_loop3A_420 : i32 to index
        %parallel_loop3A_422 = tpu.vector_load %arg5[%parallel_loop3A_421] {strides = array<i32>} : memref<40960xi32, #tpu.memory_space<vmem>>, vector<16xi32>,
        %parallel_loop3A_423 = tpu.vector_load_idx %arg6[%parallel_loop3A_422] : memref<2048xf32, #tpu.memory_space<vmem>>[vector<16xi32>], vector<16xf32>,
        %parallel_loop3A_424 = arith.index_cast %parallel_loop3A_419 : i32 to index
        %parallel_loop3A_425 = tpu.vector_load %arg6[%parallel_loop3A_424] {strides = array<i32>} : memref<2048xf32, #tpu.memory_space<vmem>>, vector<16xf32>,
        %parallel_loop3A_426 = arith.subf %parallel_loop3A_423, %parallel_loop3A_425 : vector<16xf32>
        %parallel_loop3A_427 = arith.addi %mul3A_416, %parallel_loop3A_419 : i32
        %parallel_loop3A_428 = arith.index_cast %parallel_loop3A_427 : i32 to index
        %parallel_loop3A_429 = tpu.vector_load %arg7[%parallel_loop3A_428] {strides = array<i32>} : memref<40960xf32, #tpu.memory_space<vmem>>, vector<16xf32>,
        tpu.vector_store %arg7[%parallel_loop3A_428], %parallel_loop3A_426 {strides = array<i32>} : memref<40960xf32, #tpu.memory_space<vmem>>, vector<16xf32>,
      } {sc.loop_unroll_factor = 8 : i64, sc.parallel_access}
    }
    %scan3A_378 = arith.constant 20 : i32
    %mul3A_379 = arith.constant 64 : i32
    %mul3A_380 = arith.muli %select_n3A, %mul3A_379 : i32
    %add3A_381 = arith.addi %mul3A_380, %add3A_365 : i32
    %mul3A_382 = arith.constant 40960 : i32
    %mul3A_383 = arith.muli %add3A_381, %mul3A_382 : i32
    %dma_start3A_384 = tpu.memref_slice %arg4[%mul3A_383] : memref<20971520xf32, #tpu.memory_space<hbm>> -> memref<40960xf32, #tpu.memory_space<hbm>>
    %dma_start3A_385 = tpu.memref_slice %arg4[%mul3A_383] : memref<20971520xf32, #tpu.memory_space<hbm>> -> memref<40960xf32, #tpu.memory_space<hbm>>
    tpu.enqueue_dma source(%arg7 : memref<40960xf32, #tpu.memory_space<vmem>>) target(%dma_start3A_385 : memref<40960xf32, #tpu.memory_space<hbm>>) target_semaphore(%arg9 : memref<!tpu.dma_semaphore, #tpu.memory_space<semaphore_mem>>)
    %mul3A_386 = arith.constant 16 : i32
    %mul3A_387 = arith.muli %mul3A_386, %select_n3A_30 : i32
    %add3A_388 = arith.constant 15 : i32
    %add3A_389 = arith.addi %mul3A_387, %add3A_388 : i32
    %mul3A_390 = arith.constant 64 : i32
    %mul3A_391 = arith.muli %select_n3A, %mul3A_390 : i32
    %add3A_392 = arith.addi %mul3A_391, %add3A_389 : i32
    %mul3A_393 = arith.constant 2048 : i32
    %mul3A_394 = arith.muli %add3A_392, %mul3A_393 : i32
    "tpu.region"() ({
      %run_scoped3A = tpu.sem_alloc : memref<!tpu.dma_semaphore, #tpu.memory_space<semaphore_mem>>
      %dma_start3A_414 = tpu.memref_slice %arg2[%mul3A_394] : memref<1048576xf32, #tpu.memory_space<hbm>> -> memref<2048xf32, #tpu.memory_space<hbm>>
      %dma_start3A_415 = tpu.memref_slice %arg2[%mul3A_394] : memref<1048576xf32, #tpu.memory_space<hbm>> -> memref<2048xf32, #tpu.memory_space<hbm>>
      tpu.enqueue_dma source(%dma_start3A_415 : memref<2048xf32, #tpu.memory_space<hbm>>) target(%arg6 : memref<2048xf32, #tpu.memory_space<vmem>>) target_semaphore(%run_scoped3A : memref<!tpu.dma_semaphore, #tpu.memory_space<semaphore_mem>>)
      %dma_wait3A_416 = tpu.memref_slice %arg2[%mul3A_394] : memref<1048576xf32, #tpu.memory_space<hbm>> -> memref<2048xf32, #tpu.memory_space<hbm>>
      %dma_wait3A_417 = tpu.memref_slice %arg2[%mul3A_394] : memref<1048576xf32, #tpu.memory_space<hbm>> -> memref<2048xf32, #tpu.memory_space<hbm>>
      tpu.wait_dma2 semaphore(%run_scoped3A : memref<!tpu.dma_semaphore, #tpu.memory_space<semaphore_mem>>) src(%dma_wait3A_417 : memref<2048xf32, #tpu.memory_space<hbm>>) dst(%arg6 : memref<2048xf32, #tpu.memory_space<vmem>>)
      tpu.yield
    }) : () -> ()
    %dma_wait3A_395 = tpu.memref_slice %arg4[%mul3A_359] : memref<20971520xf32, #tpu.memory_space<hbm>> -> memref<40960xf32, #tpu.memory_space<hbm>>
    %dma_wait3A_396 = tpu.memref_slice %arg4[%mul3A_359] : memref<20971520xf32, #tpu.memory_space<hbm>> -> memref<40960xf32, #tpu.memory_space<hbm>>
    tpu.wait_dma2 semaphore(%arg10 : memref<!tpu.dma_semaphore, #tpu.memory_space<semaphore_mem>>) src(%arg8 : memref<40960xf32, #tpu.memory_space<vmem>>) dst(%dma_wait3A_396 : memref<40960xf32, #tpu.memory_space<hbm>>)
    %scan3A_397 = arith.constant 0 : i32
    %scan3A_398 = arith.constant 0 : i32
    %scan3A_399 = arith.constant 20 : i32
    %scan3A_400 = arith.addi %scan3A_398, %scan3A_399 : i32
    %scan3A_401 = arith.constant 1 : i32
    scf.for %scan3A_414 = %scan3A_398 to %scan3A_400 step %scan3A_401  : i32 {
      %mul3A_415 = arith.constant 2048 : i32
      %mul3A_416 = arith.muli %scan3A_414, %mul3A_415 : i32
      %parallel_loop3A = arith.constant 0 : i32
      %parallel_loop3A_417 = arith.constant 2048 : i32
      %parallel_loop3A_418 = arith.constant 16 : i32
      scf.for %parallel_loop3A_419 = %parallel_loop3A to %parallel_loop3A_417 step %parallel_loop3A_418  : i32 {
        %parallel_loop3A_420 = arith.addi %mul3A_416, %parallel_loop3A_419 : i32
        %parallel_loop3A_421 = arith.index_cast %parallel_loop3A_420 : i32 to index
        %parallel_loop3A_422 = tpu.vector_load %arg5[%parallel_loop3A_421] {strides = array<i32>} : memref<40960xi32, #tpu.memory_space<vmem>>, vector<16xi32>,
        %parallel_loop3A_423 = tpu.vector_load_idx %arg6[%parallel_loop3A_422] : memref<2048xf32, #tpu.memory_space<vmem>>[vector<16xi32>], vector<16xf32>,
        %parallel_loop3A_424 = arith.index_cast %parallel_loop3A_419 : i32 to index
        %parallel_loop3A_425 = tpu.vector_load %arg6[%parallel_loop3A_424] {strides = array<i32>} : memref<2048xf32, #tpu.memory_space<vmem>>, vector<16xf32>,
        %parallel_loop3A_426 = arith.subf %parallel_loop3A_423, %parallel_loop3A_425 : vector<16xf32>
        %parallel_loop3A_427 = arith.addi %mul3A_416, %parallel_loop3A_419 : i32
        %parallel_loop3A_428 = arith.index_cast %parallel_loop3A_427 : i32 to index
        %parallel_loop3A_429 = tpu.vector_load %arg8[%parallel_loop3A_428] {strides = array<i32>} : memref<40960xf32, #tpu.memory_space<vmem>>, vector<16xf32>,
        tpu.vector_store %arg8[%parallel_loop3A_428], %parallel_loop3A_426 {strides = array<i32>} : memref<40960xf32, #tpu.memory_space<vmem>>, vector<16xf32>,
      } {sc.loop_unroll_factor = 8 : i64, sc.parallel_access}
    }
    %scan3A_402 = arith.constant 20 : i32
    %mul3A_403 = arith.constant 64 : i32
    %mul3A_404 = arith.muli %select_n3A, %mul3A_403 : i32
    %add3A_405 = arith.addi %mul3A_404, %add3A_389 : i32
    %mul3A_406 = arith.constant 40960 : i32
    %mul3A_407 = arith.muli %add3A_405, %mul3A_406 : i32
    %dma_start3A_408 = tpu.memref_slice %arg4[%mul3A_407] : memref<20971520xf32, #tpu.memory_space<hbm>> -> memref<40960xf32, #tpu.memory_space<hbm>>
    %dma_start3A_409 = tpu.memref_slice %arg4[%mul3A_407] : memref<20971520xf32, #tpu.memory_space<hbm>> -> memref<40960xf32, #tpu.memory_space<hbm>>
    tpu.enqueue_dma source(%arg8 : memref<40960xf32, #tpu.memory_space<vmem>>) target(%dma_start3A_409 : memref<40960xf32, #tpu.memory_space<hbm>>) target_semaphore(%arg10 : memref<!tpu.dma_semaphore, #tpu.memory_space<semaphore_mem>>)
    %dma_wait3A_410 = tpu.memref_slice %arg4[%mul3A_383] : memref<20971520xf32, #tpu.memory_space<hbm>> -> memref<40960xf32, #tpu.memory_space<hbm>>
    %dma_wait3A_411 = tpu.memref_slice %arg4[%mul3A_383] : memref<20971520xf32, #tpu.memory_space<hbm>> -> memref<40960xf32, #tpu.memory_space<hbm>>
    tpu.wait_dma2 semaphore(%arg9 : memref<!tpu.dma_semaphore, #tpu.memory_space<semaphore_mem>>) src(%arg7 : memref<40960xf32, #tpu.memory_space<vmem>>) dst(%dma_wait3A_411 : memref<40960xf32, #tpu.memory_space<hbm>>)
    %dma_wait3A_412 = tpu.memref_slice %arg4[%mul3A_407] : memref<20971520xf32, #tpu.memory_space<hbm>> -> memref<40960xf32, #tpu.memory_space<hbm>>
    %dma_wait3A_413 = tpu.memref_slice %arg4[%mul3A_407] : memref<20971520xf32, #tpu.memory_space<hbm>> -> memref<40960xf32, #tpu.memory_space<hbm>>
    tpu.wait_dma2 semaphore(%arg10 : memref<!tpu.dma_semaphore, #tpu.memory_space<semaphore_mem>>) src(%arg8 : memref<40960xf32, #tpu.memory_space<vmem>>) dst(%dma_wait3A_413 : memref<40960xf32, #tpu.memory_space<hbm>>)
    return
  }
}

module attributes {stable_mosaic.version = 14 : i64} {
  func.func @_topk_kernel(%arg0: i32, %arg1: i32, %arg2: memref<1x64x2048xf32, #tpu.memory_space<vmem>>, %arg3: memref<1x20x256xi32, #tpu.memory_space<vmem>>, %arg4: memref<1x64x20x256xf32, #tpu.memory_space<vmem>>) attributes {dimension_semantics = [#tpu.dimension_semantics<arbitrary>, #tpu.dimension_semantics<arbitrary>], iteration_bounds = array<i64: 8, 8>, scalar_prefetch = 0 : i64, scratch_operands = 0 : i64, tpu.core_type = #tpu.core_type<tc>, window_params = [{transform_indices = @transform_0, window_bounds = array<i64: 1, 64, 2048>}, {transform_indices = @transform_1, window_bounds = array<i64: 1, 20, 256>}, {transform_indices = @transform_2, window_bounds = array<i64: 1, 64, 20, 256>}]} {
    %mul3A = arith.constant 256 : i32
    %mul3A_0 = arith.muli %arg1, %mul3A : i32
    %get3A = arith.constant 0 : index
    %get3A_1 = arith.constant 0 : index
    %get3A_2 = arith.constant 0 : index
    %get3A_3 = vector.load %arg2[%get3A, %get3A_1, %get3A_2] : memref<1x64x2048xf32, #tpu.memory_space<vmem>>, vector<1x8x2048xf32>
    %get3A_4 = vector.shape_cast %get3A_3 : vector<1x8x2048xf32> to vector<8x2048xf32>
    %get3A_5 = arith.constant 0 : index
    %get3A_6 = arith.constant 0 : index
    %get3A_7 = arith.index_cast %mul3A_0 : i32 to index
    %get3A_8 = vector.load %arg2[%get3A_5, %get3A_6, %get3A_7] : memref<1x64x2048xf32, #tpu.memory_space<vmem>>, vector<1x8x256xf32>
    %get3A_9 = vector.shape_cast %get3A_8 : vector<1x8x256xf32> to vector<8x256xf32>
    %iota3A = tpu.iota {dimensions = array<i32: 0>} : vector<8x2048xi32>
    %iota3A_10 = tpu.iota {dimensions = array<i32: 0>} : vector<8x256xi32>
    %lt3A = arith.constant 3 : i32
    %lt3A_11 = vector.broadcast %lt3A : i32 to vector<8x2048xi32>
    %lt3A_12 = arith.cmpi slt, %iota3A, %lt3A_11 : vector<8x2048xi32>
    %jit3A = arith.constant 0.000000e+00 : f32
    %broadcast_in_dim3A = vector.broadcast %jit3A : f32 to vector<8x2048xf32>
    %select_n3A = arith.select %lt3A_12, %get3A_4, %broadcast_in_dim3A : vector<8x2048xi1>, vector<8x2048xf32>
    %lt3A_13 = arith.constant 3 : i32
    %lt3A_14 = vector.broadcast %lt3A_13 : i32 to vector<8x256xi32>
    %lt3A_15 = arith.cmpi slt, %iota3A_10, %lt3A_14 : vector<8x256xi32>
    %mul3A_16 = arith.constant 2.000000e+00 : f32
    %mul3A_17 = vector.broadcast %mul3A_16 : f32 to vector<8x256xf32>
    %mul3A_18 = arith.mulf %mul3A_17, %get3A_9 : vector<8x256xf32>
    %jit3A_19 = arith.constant 0.000000e+00 : f32
    %broadcast_in_dim3A_20 = vector.broadcast %jit3A_19 : f32 to vector<8x256xf32>
    %select_n3A_21 = arith.select %lt3A_15, %mul3A_18, %broadcast_in_dim3A_20 : vector<8x256xi1>, vector<8x256xf32>
    %dot_general3A = arith.constant dense<0.000000e+00> : vector<2048x256xf32>
    %dot_general3A_22 = tpu.matmul %select_n3A, %select_n3A_21, %dot_general3A {dimension_numbers = #tpu.dot_dimension_numbers<[0], [0], [1], [1], [0, 1, 1, 1], [], []>, transpose_lhs_hint = false} : vector<8x2048xf32>, vector<8x256xf32>, vector<2048x256xf32> -> vector<2048x256xf32>
    %mul3A_23 = arith.mulf %select_n3A, %select_n3A : vector<8x2048xf32>
    %reduce_sum3A = arith.constant dense<0.000000e+00> : vector<2048xf32>
    %reduce_sum3A_24 = vector.multi_reduction <add>, %mul3A_23, %reduce_sum3A [0] : vector<8x2048xf32> to vector<2048xf32>
    %broadcast_in_dim3A_25 = vector.shape_cast %reduce_sum3A_24 : vector<2048xf32> to vector<1x2048xf32>
    %transpose3A = tpu.transpose %broadcast_in_dim3A_25, [1, 0] : vector<1x2048xf32> -> vector<2048x1xf32>
    %lt3A_26 = arith.constant 3 : i32
    %lt3A_27 = vector.broadcast %lt3A_26 : i32 to vector<8x256xi32>
    %lt3A_28 = arith.cmpi slt, %iota3A_10, %lt3A_27 : vector<8x256xi32>
    %jit3A_29 = arith.constant 0.000000e+00 : f32
    %broadcast_in_dim3A_30 = vector.broadcast %jit3A_29 : f32 to vector<8x256xf32>
    %select_n3A_31 = arith.select %lt3A_28, %get3A_9, %broadcast_in_dim3A_30 : vector<8x256xi1>, vector<8x256xf32>
    %mul3A_32 = arith.mulf %select_n3A_31, %select_n3A_31 : vector<8x256xf32>
    %reduce_sum3A_33 = arith.constant dense<0.000000e+00> : vector<256xf32>
    %reduce_sum3A_34 = vector.multi_reduction <add>, %mul3A_32, %reduce_sum3A_33 [0] : vector<8x256xf32> to vector<256xf32>
    %broadcast_in_dim3A_35 = vector.shape_cast %reduce_sum3A_34 : vector<256xf32> to vector<1x256xf32>
    %sub3A = vector.broadcast %transpose3A : vector<2048x1xf32> to vector<2048x256xf32>
    %sub3A_36 = arith.subf %dot_general3A_22, %sub3A : vector<2048x256xf32>
    %sub3A_37 = vector.broadcast %broadcast_in_dim3A_35 : vector<1x256xf32> to vector<2048x256xf32>
    %sub3A_38 = arith.subf %sub3A_36, %sub3A_37 : vector<2048x256xf32>
    %iota3A_39 = tpu.iota {dimensions = array<i32: 0>} : vector<2048x256xi32>
    %get3A_40 = arith.constant 0 : index
    %get3A_41 = arith.constant 0 : index
    %get3A_42 = arith.index_cast %mul3A_0 : i32 to index
    %get3A_43 = vector.load %arg2[%get3A_40, %get3A_41, %get3A_42] : memref<1x64x2048xf32, #tpu.memory_space<vmem>>, vector<1x64x256xf32>
    %get3A_44 = vector.shape_cast %get3A_43 : vector<1x64x256xf32> to vector<64x256xf32>
    %argmax3A = tpu.reduce_index %sub3A_38 {axis = 0 : i32, kind = #tpu.reduction_kind<arg_max>} : vector<2048x256xf32> -> vector<256xi32>
    %broadcast_in_dim3A_45 = vector.shape_cast %argmax3A : vector<256xi32> to vector<1x256xi32>
    %squeeze3A = vector.shape_cast %broadcast_in_dim3A_45 : vector<1x256xi32> to vector<256xi32>
    %swap3A = arith.constant 0 : index
    %swap3A_46 = arith.constant 0 : index
    %swap3A_47 = arith.constant 0 : index
    %swap3A_48 = vector.load %arg3[%swap3A, %swap3A_46, %swap3A_47] : memref<1x20x256xi32, #tpu.memory_space<vmem>>, vector<1x1x256xi32>
    %swap3A_49 = vector.shape_cast %swap3A_48 : vector<1x1x256xi32> to vector<256xi32>
    %swap3A_50 = vector.shape_cast %squeeze3A : vector<256xi32> to vector<1x1x256xi32>
    tpu.vector_store %arg3[%swap3A, %swap3A_46, %swap3A_47], %swap3A_50 {strides = array<i32>} : memref<1x20x256xi32, #tpu.memory_space<vmem>>, vector<1x1x256xi32>,
    %swap3A_51 = arith.constant 0 : index
    %swap3A_52 = arith.constant 0 : index
    %swap3A_53 = arith.constant 0 : index
    %swap3A_54 = arith.constant 0 : index
    %swap3A_55 = vector.load %arg4[%swap3A_51, %swap3A_52, %swap3A_53, %swap3A_54] : memref<1x64x20x256xf32, #tpu.memory_space<vmem>>, vector<1x64x1x256xf32>
    %swap3A_56 = vector.shape_cast %swap3A_55 : vector<1x64x1x256xf32> to vector<64x256xf32>
    %swap3A_57 = vector.shape_cast %get3A_44 : vector<64x256xf32> to vector<1x64x1x256xf32>
    tpu.vector_store %arg4[%swap3A_51, %swap3A_52, %swap3A_53, %swap3A_54], %swap3A_57 {strides = array<i32>} : memref<1x64x20x256xf32, #tpu.memory_space<vmem>>, vector<1x64x1x256xf32>,
    %eq3A = vector.broadcast %broadcast_in_dim3A_45 : vector<1x256xi32> to vector<2048x256xi32>
    %eq3A_58 = arith.cmpi eq, %iota3A_39, %eq3A : vector<2048x256xi32>
    %jit3A_59 = arith.constant 0xFF800000 : f32
    %broadcast_in_dim3A_60 = vector.broadcast %jit3A_59 : f32 to vector<2048x256xf32>
    %select_n3A_61 = arith.select %eq3A_58, %broadcast_in_dim3A_60, %sub3A_38 : vector<2048x256xi1>, vector<2048x256xf32>
    %argmax3A_62 = tpu.reduce_index %select_n3A_61 {axis = 0 : i32, kind = #tpu.reduction_kind<arg_max>} : vector<2048x256xf32> -> vector<256xi32>
    %broadcast_in_dim3A_63 = vector.shape_cast %argmax3A_62 : vector<256xi32> to vector<1x256xi32>
    %squeeze3A_64 = vector.shape_cast %broadcast_in_dim3A_63 : vector<1x256xi32> to vector<256xi32>
    %swap3A_65 = arith.constant 0 : index
    %swap3A_66 = arith.constant 1 : index
    %swap3A_67 = arith.constant 0 : index
    %swap3A_68 = vector.load %arg3[%swap3A_65, %swap3A_66, %swap3A_67] : memref<1x20x256xi32, #tpu.memory_space<vmem>>, vector<1x1x256xi32>
    %swap3A_69 = vector.shape_cast %swap3A_68 : vector<1x1x256xi32> to vector<256xi32>
    %swap3A_70 = vector.shape_cast %squeeze3A_64 : vector<256xi32> to vector<1x1x256xi32>
    tpu.vector_store %arg3[%swap3A_65, %swap3A_66, %swap3A_67], %swap3A_70 {strides = array<i32>} : memref<1x20x256xi32, #tpu.memory_space<vmem>>, vector<1x1x256xi32>,
    %swap3A_71 = arith.constant 0 : index
    %swap3A_72 = arith.constant 0 : index
    %swap3A_73 = arith.constant 1 : index
    %swap3A_74 = arith.constant 0 : index
    %swap3A_75 = vector.load %arg4[%swap3A_71, %swap3A_72, %swap3A_73, %swap3A_74] : memref<1x64x20x256xf32, #tpu.memory_space<vmem>>, vector<1x64x1x256xf32>
    %swap3A_76 = vector.shape_cast %swap3A_75 : vector<1x64x1x256xf32> to vector<64x256xf32>
    %swap3A_77 = vector.shape_cast %get3A_44 : vector<64x256xf32> to vector<1x64x1x256xf32>
    tpu.vector_store %arg4[%swap3A_71, %swap3A_72, %swap3A_73, %swap3A_74], %swap3A_77 {strides = array<i32>} : memref<1x64x20x256xf32, #tpu.memory_space<vmem>>, vector<1x64x1x256xf32>,
    %eq3A_78 = vector.broadcast %broadcast_in_dim3A_63 : vector<1x256xi32> to vector<2048x256xi32>
    %eq3A_79 = arith.cmpi eq, %iota3A_39, %eq3A_78 : vector<2048x256xi32>
    %jit3A_80 = arith.constant 0xFF800000 : f32
    %broadcast_in_dim3A_81 = vector.broadcast %jit3A_80 : f32 to vector<2048x256xf32>
    %select_n3A_82 = arith.select %eq3A_79, %broadcast_in_dim3A_81, %select_n3A_61 : vector<2048x256xi1>, vector<2048x256xf32>
    %argmax3A_83 = tpu.reduce_index %select_n3A_82 {axis = 0 : i32, kind = #tpu.reduction_kind<arg_max>} : vector<2048x256xf32> -> vector<256xi32>
    %broadcast_in_dim3A_84 = vector.shape_cast %argmax3A_83 : vector<256xi32> to vector<1x256xi32>
    %squeeze3A_85 = vector.shape_cast %broadcast_in_dim3A_84 : vector<1x256xi32> to vector<256xi32>
    %swap3A_86 = arith.constant 0 : index
    %swap3A_87 = arith.constant 2 : index
    %swap3A_88 = arith.constant 0 : index
    %swap3A_89 = vector.load %arg3[%swap3A_86, %swap3A_87, %swap3A_88] : memref<1x20x256xi32, #tpu.memory_space<vmem>>, vector<1x1x256xi32>
    %swap3A_90 = vector.shape_cast %swap3A_89 : vector<1x1x256xi32> to vector<256xi32>
    %swap3A_91 = vector.shape_cast %squeeze3A_85 : vector<256xi32> to vector<1x1x256xi32>
    tpu.vector_store %arg3[%swap3A_86, %swap3A_87, %swap3A_88], %swap3A_91 {strides = array<i32>} : memref<1x20x256xi32, #tpu.memory_space<vmem>>, vector<1x1x256xi32>,
    %swap3A_92 = arith.constant 0 : index
    %swap3A_93 = arith.constant 0 : index
    %swap3A_94 = arith.constant 2 : index
    %swap3A_95 = arith.constant 0 : index
    %swap3A_96 = vector.load %arg4[%swap3A_92, %swap3A_93, %swap3A_94, %swap3A_95] : memref<1x64x20x256xf32, #tpu.memory_space<vmem>>, vector<1x64x1x256xf32>
    %swap3A_97 = vector.shape_cast %swap3A_96 : vector<1x64x1x256xf32> to vector<64x256xf32>
    %swap3A_98 = vector.shape_cast %get3A_44 : vector<64x256xf32> to vector<1x64x1x256xf32>
    tpu.vector_store %arg4[%swap3A_92, %swap3A_93, %swap3A_94, %swap3A_95], %swap3A_98 {strides = array<i32>} : memref<1x64x20x256xf32, #tpu.memory_space<vmem>>, vector<1x64x1x256xf32>,
    %eq3A_99 = vector.broadcast %broadcast_in_dim3A_84 : vector<1x256xi32> to vector<2048x256xi32>
    %eq3A_100 = arith.cmpi eq, %iota3A_39, %eq3A_99 : vector<2048x256xi32>
    %jit3A_101 = arith.constant 0xFF800000 : f32
    %broadcast_in_dim3A_102 = vector.broadcast %jit3A_101 : f32 to vector<2048x256xf32>
    %select_n3A_103 = arith.select %eq3A_100, %broadcast_in_dim3A_102, %select_n3A_82 : vector<2048x256xi1>, vector<2048x256xf32>
    %argmax3A_104 = tpu.reduce_index %select_n3A_103 {axis = 0 : i32, kind = #tpu.reduction_kind<arg_max>} : vector<2048x256xf32> -> vector<256xi32>
    %broadcast_in_dim3A_105 = vector.shape_cast %argmax3A_104 : vector<256xi32> to vector<1x256xi32>
    %squeeze3A_106 = vector.shape_cast %broadcast_in_dim3A_105 : vector<1x256xi32> to vector<256xi32>
    %swap3A_107 = arith.constant 0 : index
    %swap3A_108 = arith.constant 3 : index
    %swap3A_109 = arith.constant 0 : index
    %swap3A_110 = vector.load %arg3[%swap3A_107, %swap3A_108, %swap3A_109] : memref<1x20x256xi32, #tpu.memory_space<vmem>>, vector<1x1x256xi32>
    %swap3A_111 = vector.shape_cast %swap3A_110 : vector<1x1x256xi32> to vector<256xi32>
    %swap3A_112 = vector.shape_cast %squeeze3A_106 : vector<256xi32> to vector<1x1x256xi32>
    tpu.vector_store %arg3[%swap3A_107, %swap3A_108, %swap3A_109], %swap3A_112 {strides = array<i32>} : memref<1x20x256xi32, #tpu.memory_space<vmem>>, vector<1x1x256xi32>,
    %swap3A_113 = arith.constant 0 : index
    %swap3A_114 = arith.constant 0 : index
    %swap3A_115 = arith.constant 3 : index
    %swap3A_116 = arith.constant 0 : index
    %swap3A_117 = vector.load %arg4[%swap3A_113, %swap3A_114, %swap3A_115, %swap3A_116] : memref<1x64x20x256xf32, #tpu.memory_space<vmem>>, vector<1x64x1x256xf32>
    %swap3A_118 = vector.shape_cast %swap3A_117 : vector<1x64x1x256xf32> to vector<64x256xf32>
    %swap3A_119 = vector.shape_cast %get3A_44 : vector<64x256xf32> to vector<1x64x1x256xf32>
    tpu.vector_store %arg4[%swap3A_113, %swap3A_114, %swap3A_115, %swap3A_116], %swap3A_119 {strides = array<i32>} : memref<1x64x20x256xf32, #tpu.memory_space<vmem>>, vector<1x64x1x256xf32>,
    %eq3A_120 = vector.broadcast %broadcast_in_dim3A_105 : vector<1x256xi32> to vector<2048x256xi32>
    %eq3A_121 = arith.cmpi eq, %iota3A_39, %eq3A_120 : vector<2048x256xi32>
    %jit3A_122 = arith.constant 0xFF800000 : f32
    %broadcast_in_dim3A_123 = vector.broadcast %jit3A_122 : f32 to vector<2048x256xf32>
    %select_n3A_124 = arith.select %eq3A_121, %broadcast_in_dim3A_123, %select_n3A_103 : vector<2048x256xi1>, vector<2048x256xf32>
    %argmax3A_125 = tpu.reduce_index %select_n3A_124 {axis = 0 : i32, kind = #tpu.reduction_kind<arg_max>} : vector<2048x256xf32> -> vector<256xi32>
    %broadcast_in_dim3A_126 = vector.shape_cast %argmax3A_125 : vector<256xi32> to vector<1x256xi32>
    %squeeze3A_127 = vector.shape_cast %broadcast_in_dim3A_126 : vector<1x256xi32> to vector<256xi32>
    %swap3A_128 = arith.constant 0 : index
    %swap3A_129 = arith.constant 4 : index
    %swap3A_130 = arith.constant 0 : index
    %swap3A_131 = vector.load %arg3[%swap3A_128, %swap3A_129, %swap3A_130] : memref<1x20x256xi32, #tpu.memory_space<vmem>>, vector<1x1x256xi32>
    %swap3A_132 = vector.shape_cast %swap3A_131 : vector<1x1x256xi32> to vector<256xi32>
    %swap3A_133 = vector.shape_cast %squeeze3A_127 : vector<256xi32> to vector<1x1x256xi32>
    tpu.vector_store %arg3[%swap3A_128, %swap3A_129, %swap3A_130], %swap3A_133 {strides = array<i32>} : memref<1x20x256xi32, #tpu.memory_space<vmem>>, vector<1x1x256xi32>,
    %swap3A_134 = arith.constant 0 : index
    %swap3A_135 = arith.constant 0 : index
    %swap3A_136 = arith.constant 4 : index
    %swap3A_137 = arith.constant 0 : index
    %swap3A_138 = vector.load %arg4[%swap3A_134, %swap3A_135, %swap3A_136, %swap3A_137] : memref<1x64x20x256xf32, #tpu.memory_space<vmem>>, vector<1x64x1x256xf32>
    %swap3A_139 = vector.shape_cast %swap3A_138 : vector<1x64x1x256xf32> to vector<64x256xf32>
    %swap3A_140 = vector.shape_cast %get3A_44 : vector<64x256xf32> to vector<1x64x1x256xf32>
    tpu.vector_store %arg4[%swap3A_134, %swap3A_135, %swap3A_136, %swap3A_137], %swap3A_140 {strides = array<i32>} : memref<1x64x20x256xf32, #tpu.memory_space<vmem>>, vector<1x64x1x256xf32>,
    %eq3A_141 = vector.broadcast %broadcast_in_dim3A_126 : vector<1x256xi32> to vector<2048x256xi32>
    %eq3A_142 = arith.cmpi eq, %iota3A_39, %eq3A_141 : vector<2048x256xi32>
    %jit3A_143 = arith.constant 0xFF800000 : f32
    %broadcast_in_dim3A_144 = vector.broadcast %jit3A_143 : f32 to vector<2048x256xf32>
    %select_n3A_145 = arith.select %eq3A_142, %broadcast_in_dim3A_144, %select_n3A_124 : vector<2048x256xi1>, vector<2048x256xf32>
    %argmax3A_146 = tpu.reduce_index %select_n3A_145 {axis = 0 : i32, kind = #tpu.reduction_kind<arg_max>} : vector<2048x256xf32> -> vector<256xi32>
    %broadcast_in_dim3A_147 = vector.shape_cast %argmax3A_146 : vector<256xi32> to vector<1x256xi32>
    %squeeze3A_148 = vector.shape_cast %broadcast_in_dim3A_147 : vector<1x256xi32> to vector<256xi32>
    %swap3A_149 = arith.constant 0 : index
    %swap3A_150 = arith.constant 5 : index
    %swap3A_151 = arith.constant 0 : index
    %swap3A_152 = vector.load %arg3[%swap3A_149, %swap3A_150, %swap3A_151] : memref<1x20x256xi32, #tpu.memory_space<vmem>>, vector<1x1x256xi32>
    %swap3A_153 = vector.shape_cast %swap3A_152 : vector<1x1x256xi32> to vector<256xi32>
    %swap3A_154 = vector.shape_cast %squeeze3A_148 : vector<256xi32> to vector<1x1x256xi32>
    tpu.vector_store %arg3[%swap3A_149, %swap3A_150, %swap3A_151], %swap3A_154 {strides = array<i32>} : memref<1x20x256xi32, #tpu.memory_space<vmem>>, vector<1x1x256xi32>,
    %swap3A_155 = arith.constant 0 : index
    %swap3A_156 = arith.constant 0 : index
    %swap3A_157 = arith.constant 5 : index
    %swap3A_158 = arith.constant 0 : index
    %swap3A_159 = vector.load %arg4[%swap3A_155, %swap3A_156, %swap3A_157, %swap3A_158] : memref<1x64x20x256xf32, #tpu.memory_space<vmem>>, vector<1x64x1x256xf32>
    %swap3A_160 = vector.shape_cast %swap3A_159 : vector<1x64x1x256xf32> to vector<64x256xf32>
    %swap3A_161 = vector.shape_cast %get3A_44 : vector<64x256xf32> to vector<1x64x1x256xf32>
    tpu.vector_store %arg4[%swap3A_155, %swap3A_156, %swap3A_157, %swap3A_158], %swap3A_161 {strides = array<i32>} : memref<1x64x20x256xf32, #tpu.memory_space<vmem>>, vector<1x64x1x256xf32>,
    %eq3A_162 = vector.broadcast %broadcast_in_dim3A_147 : vector<1x256xi32> to vector<2048x256xi32>
    %eq3A_163 = arith.cmpi eq, %iota3A_39, %eq3A_162 : vector<2048x256xi32>
    %jit3A_164 = arith.constant 0xFF800000 : f32
    %broadcast_in_dim3A_165 = vector.broadcast %jit3A_164 : f32 to vector<2048x256xf32>
    %select_n3A_166 = arith.select %eq3A_163, %broadcast_in_dim3A_165, %select_n3A_145 : vector<2048x256xi1>, vector<2048x256xf32>
    %argmax3A_167 = tpu.reduce_index %select_n3A_166 {axis = 0 : i32, kind = #tpu.reduction_kind<arg_max>} : vector<2048x256xf32> -> vector<256xi32>
    %broadcast_in_dim3A_168 = vector.shape_cast %argmax3A_167 : vector<256xi32> to vector<1x256xi32>
    %squeeze3A_169 = vector.shape_cast %broadcast_in_dim3A_168 : vector<1x256xi32> to vector<256xi32>
    %swap3A_170 = arith.constant 0 : index
    %swap3A_171 = arith.constant 6 : index
    %swap3A_172 = arith.constant 0 : index
    %swap3A_173 = vector.load %arg3[%swap3A_170, %swap3A_171, %swap3A_172] : memref<1x20x256xi32, #tpu.memory_space<vmem>>, vector<1x1x256xi32>
    %swap3A_174 = vector.shape_cast %swap3A_173 : vector<1x1x256xi32> to vector<256xi32>
    %swap3A_175 = vector.shape_cast %squeeze3A_169 : vector<256xi32> to vector<1x1x256xi32>
    tpu.vector_store %arg3[%swap3A_170, %swap3A_171, %swap3A_172], %swap3A_175 {strides = array<i32>} : memref<1x20x256xi32, #tpu.memory_space<vmem>>, vector<1x1x256xi32>,
    %swap3A_176 = arith.constant 0 : index
    %swap3A_177 = arith.constant 0 : index
    %swap3A_178 = arith.constant 6 : index
    %swap3A_179 = arith.constant 0 : index
    %swap3A_180 = vector.load %arg4[%swap3A_176, %swap3A_177, %swap3A_178, %swap3A_179] : memref<1x64x20x256xf32, #tpu.memory_space<vmem>>, vector<1x64x1x256xf32>
    %swap3A_181 = vector.shape_cast %swap3A_180 : vector<1x64x1x256xf32> to vector<64x256xf32>
    %swap3A_182 = vector.shape_cast %get3A_44 : vector<64x256xf32> to vector<1x64x1x256xf32>
    tpu.vector_store %arg4[%swap3A_176, %swap3A_177, %swap3A_178, %swap3A_179], %swap3A_182 {strides = array<i32>} : memref<1x64x20x256xf32, #tpu.memory_space<vmem>>, vector<1x64x1x256xf32>,
    %eq3A_183 = vector.broadcast %broadcast_in_dim3A_168 : vector<1x256xi32> to vector<2048x256xi32>
    %eq3A_184 = arith.cmpi eq, %iota3A_39, %eq3A_183 : vector<2048x256xi32>
    %jit3A_185 = arith.constant 0xFF800000 : f32
    %broadcast_in_dim3A_186 = vector.broadcast %jit3A_185 : f32 to vector<2048x256xf32>
    %select_n3A_187 = arith.select %eq3A_184, %broadcast_in_dim3A_186, %select_n3A_166 : vector<2048x256xi1>, vector<2048x256xf32>
    %argmax3A_188 = tpu.reduce_index %select_n3A_187 {axis = 0 : i32, kind = #tpu.reduction_kind<arg_max>} : vector<2048x256xf32> -> vector<256xi32>
    %broadcast_in_dim3A_189 = vector.shape_cast %argmax3A_188 : vector<256xi32> to vector<1x256xi32>
    %squeeze3A_190 = vector.shape_cast %broadcast_in_dim3A_189 : vector<1x256xi32> to vector<256xi32>
    %swap3A_191 = arith.constant 0 : index
    %swap3A_192 = arith.constant 7 : index
    %swap3A_193 = arith.constant 0 : index
    %swap3A_194 = vector.load %arg3[%swap3A_191, %swap3A_192, %swap3A_193] : memref<1x20x256xi32, #tpu.memory_space<vmem>>, vector<1x1x256xi32>
    %swap3A_195 = vector.shape_cast %swap3A_194 : vector<1x1x256xi32> to vector<256xi32>
    %swap3A_196 = vector.shape_cast %squeeze3A_190 : vector<256xi32> to vector<1x1x256xi32>
    tpu.vector_store %arg3[%swap3A_191, %swap3A_192, %swap3A_193], %swap3A_196 {strides = array<i32>} : memref<1x20x256xi32, #tpu.memory_space<vmem>>, vector<1x1x256xi32>,
    %swap3A_197 = arith.constant 0 : index
    %swap3A_198 = arith.constant 0 : index
    %swap3A_199 = arith.constant 7 : index
    %swap3A_200 = arith.constant 0 : index
    %swap3A_201 = vector.load %arg4[%swap3A_197, %swap3A_198, %swap3A_199, %swap3A_200] : memref<1x64x20x256xf32, #tpu.memory_space<vmem>>, vector<1x64x1x256xf32>
    %swap3A_202 = vector.shape_cast %swap3A_201 : vector<1x64x1x256xf32> to vector<64x256xf32>
    %swap3A_203 = vector.shape_cast %get3A_44 : vector<64x256xf32> to vector<1x64x1x256xf32>
    tpu.vector_store %arg4[%swap3A_197, %swap3A_198, %swap3A_199, %swap3A_200], %swap3A_203 {strides = array<i32>} : memref<1x64x20x256xf32, #tpu.memory_space<vmem>>, vector<1x64x1x256xf32>,
    %eq3A_204 = vector.broadcast %broadcast_in_dim3A_189 : vector<1x256xi32> to vector<2048x256xi32>
    %eq3A_205 = arith.cmpi eq, %iota3A_39, %eq3A_204 : vector<2048x256xi32>
    %jit3A_206 = arith.constant 0xFF800000 : f32
    %broadcast_in_dim3A_207 = vector.broadcast %jit3A_206 : f32 to vector<2048x256xf32>
    %select_n3A_208 = arith.select %eq3A_205, %broadcast_in_dim3A_207, %select_n3A_187 : vector<2048x256xi1>, vector<2048x256xf32>
    %argmax3A_209 = tpu.reduce_index %select_n3A_208 {axis = 0 : i32, kind = #tpu.reduction_kind<arg_max>} : vector<2048x256xf32> -> vector<256xi32>
    %broadcast_in_dim3A_210 = vector.shape_cast %argmax3A_209 : vector<256xi32> to vector<1x256xi32>
    %squeeze3A_211 = vector.shape_cast %broadcast_in_dim3A_210 : vector<1x256xi32> to vector<256xi32>
    %swap3A_212 = arith.constant 0 : index
    %swap3A_213 = arith.constant 8 : index
    %swap3A_214 = arith.constant 0 : index
    %swap3A_215 = vector.load %arg3[%swap3A_212, %swap3A_213, %swap3A_214] : memref<1x20x256xi32, #tpu.memory_space<vmem>>, vector<1x1x256xi32>
    %swap3A_216 = vector.shape_cast %swap3A_215 : vector<1x1x256xi32> to vector<256xi32>
    %swap3A_217 = vector.shape_cast %squeeze3A_211 : vector<256xi32> to vector<1x1x256xi32>
    tpu.vector_store %arg3[%swap3A_212, %swap3A_213, %swap3A_214], %swap3A_217 {strides = array<i32>} : memref<1x20x256xi32, #tpu.memory_space<vmem>>, vector<1x1x256xi32>,
    %swap3A_218 = arith.constant 0 : index
    %swap3A_219 = arith.constant 0 : index
    %swap3A_220 = arith.constant 8 : index
    %swap3A_221 = arith.constant 0 : index
    %swap3A_222 = vector.load %arg4[%swap3A_218, %swap3A_219, %swap3A_220, %swap3A_221] : memref<1x64x20x256xf32, #tpu.memory_space<vmem>>, vector<1x64x1x256xf32>
    %swap3A_223 = vector.shape_cast %swap3A_222 : vector<1x64x1x256xf32> to vector<64x256xf32>
    %swap3A_224 = vector.shape_cast %get3A_44 : vector<64x256xf32> to vector<1x64x1x256xf32>
    tpu.vector_store %arg4[%swap3A_218, %swap3A_219, %swap3A_220, %swap3A_221], %swap3A_224 {strides = array<i32>} : memref<1x64x20x256xf32, #tpu.memory_space<vmem>>, vector<1x64x1x256xf32>,
    %eq3A_225 = vector.broadcast %broadcast_in_dim3A_210 : vector<1x256xi32> to vector<2048x256xi32>
    %eq3A_226 = arith.cmpi eq, %iota3A_39, %eq3A_225 : vector<2048x256xi32>
    %jit3A_227 = arith.constant 0xFF800000 : f32
    %broadcast_in_dim3A_228 = vector.broadcast %jit3A_227 : f32 to vector<2048x256xf32>
    %select_n3A_229 = arith.select %eq3A_226, %broadcast_in_dim3A_228, %select_n3A_208 : vector<2048x256xi1>, vector<2048x256xf32>
    %argmax3A_230 = tpu.reduce_index %select_n3A_229 {axis = 0 : i32, kind = #tpu.reduction_kind<arg_max>} : vector<2048x256xf32> -> vector<256xi32>
    %broadcast_in_dim3A_231 = vector.shape_cast %argmax3A_230 : vector<256xi32> to vector<1x256xi32>
    %squeeze3A_232 = vector.shape_cast %broadcast_in_dim3A_231 : vector<1x256xi32> to vector<256xi32>
    %swap3A_233 = arith.constant 0 : index
    %swap3A_234 = arith.constant 9 : index
    %swap3A_235 = arith.constant 0 : index
    %swap3A_236 = vector.load %arg3[%swap3A_233, %swap3A_234, %swap3A_235] : memref<1x20x256xi32, #tpu.memory_space<vmem>>, vector<1x1x256xi32>
    %swap3A_237 = vector.shape_cast %swap3A_236 : vector<1x1x256xi32> to vector<256xi32>
    %swap3A_238 = vector.shape_cast %squeeze3A_232 : vector<256xi32> to vector<1x1x256xi32>
    tpu.vector_store %arg3[%swap3A_233, %swap3A_234, %swap3A_235], %swap3A_238 {strides = array<i32>} : memref<1x20x256xi32, #tpu.memory_space<vmem>>, vector<1x1x256xi32>,
    %swap3A_239 = arith.constant 0 : index
    %swap3A_240 = arith.constant 0 : index
    %swap3A_241 = arith.constant 9 : index
    %swap3A_242 = arith.constant 0 : index
    %swap3A_243 = vector.load %arg4[%swap3A_239, %swap3A_240, %swap3A_241, %swap3A_242] : memref<1x64x20x256xf32, #tpu.memory_space<vmem>>, vector<1x64x1x256xf32>
    %swap3A_244 = vector.shape_cast %swap3A_243 : vector<1x64x1x256xf32> to vector<64x256xf32>
    %swap3A_245 = vector.shape_cast %get3A_44 : vector<64x256xf32> to vector<1x64x1x256xf32>
    tpu.vector_store %arg4[%swap3A_239, %swap3A_240, %swap3A_241, %swap3A_242], %swap3A_245 {strides = array<i32>} : memref<1x64x20x256xf32, #tpu.memory_space<vmem>>, vector<1x64x1x256xf32>,
    %eq3A_246 = vector.broadcast %broadcast_in_dim3A_231 : vector<1x256xi32> to vector<2048x256xi32>
    %eq3A_247 = arith.cmpi eq, %iota3A_39, %eq3A_246 : vector<2048x256xi32>
    %jit3A_248 = arith.constant 0xFF800000 : f32
    %broadcast_in_dim3A_249 = vector.broadcast %jit3A_248 : f32 to vector<2048x256xf32>
    %select_n3A_250 = arith.select %eq3A_247, %broadcast_in_dim3A_249, %select_n3A_229 : vector<2048x256xi1>, vector<2048x256xf32>
    %argmax3A_251 = tpu.reduce_index %select_n3A_250 {axis = 0 : i32, kind = #tpu.reduction_kind<arg_max>} : vector<2048x256xf32> -> vector<256xi32>
    %broadcast_in_dim3A_252 = vector.shape_cast %argmax3A_251 : vector<256xi32> to vector<1x256xi32>
    %squeeze3A_253 = vector.shape_cast %broadcast_in_dim3A_252 : vector<1x256xi32> to vector<256xi32>
    %swap3A_254 = arith.constant 0 : index
    %swap3A_255 = arith.constant 10 : index
    %swap3A_256 = arith.constant 0 : index
    %swap3A_257 = vector.load %arg3[%swap3A_254, %swap3A_255, %swap3A_256] : memref<1x20x256xi32, #tpu.memory_space<vmem>>, vector<1x1x256xi32>
    %swap3A_258 = vector.shape_cast %swap3A_257 : vector<1x1x256xi32> to vector<256xi32>
    %swap3A_259 = vector.shape_cast %squeeze3A_253 : vector<256xi32> to vector<1x1x256xi32>
    tpu.vector_store %arg3[%swap3A_254, %swap3A_255, %swap3A_256], %swap3A_259 {strides = array<i32>} : memref<1x20x256xi32, #tpu.memory_space<vmem>>, vector<1x1x256xi32>,
    %swap3A_260 = arith.constant 0 : index
    %swap3A_261 = arith.constant 0 : index
    %swap3A_262 = arith.constant 10 : index
    %swap3A_263 = arith.constant 0 : index
    %swap3A_264 = vector.load %arg4[%swap3A_260, %swap3A_261, %swap3A_262, %swap3A_263] : memref<1x64x20x256xf32, #tpu.memory_space<vmem>>, vector<1x64x1x256xf32>
    %swap3A_265 = vector.shape_cast %swap3A_264 : vector<1x64x1x256xf32> to vector<64x256xf32>
    %swap3A_266 = vector.shape_cast %get3A_44 : vector<64x256xf32> to vector<1x64x1x256xf32>
    tpu.vector_store %arg4[%swap3A_260, %swap3A_261, %swap3A_262, %swap3A_263], %swap3A_266 {strides = array<i32>} : memref<1x64x20x256xf32, #tpu.memory_space<vmem>>, vector<1x64x1x256xf32>,
    %eq3A_267 = vector.broadcast %broadcast_in_dim3A_252 : vector<1x256xi32> to vector<2048x256xi32>
    %eq3A_268 = arith.cmpi eq, %iota3A_39, %eq3A_267 : vector<2048x256xi32>
    %jit3A_269 = arith.constant 0xFF800000 : f32
    %broadcast_in_dim3A_270 = vector.broadcast %jit3A_269 : f32 to vector<2048x256xf32>
    %select_n3A_271 = arith.select %eq3A_268, %broadcast_in_dim3A_270, %select_n3A_250 : vector<2048x256xi1>, vector<2048x256xf32>
    %argmax3A_272 = tpu.reduce_index %select_n3A_271 {axis = 0 : i32, kind = #tpu.reduction_kind<arg_max>} : vector<2048x256xf32> -> vector<256xi32>
    %broadcast_in_dim3A_273 = vector.shape_cast %argmax3A_272 : vector<256xi32> to vector<1x256xi32>
    %squeeze3A_274 = vector.shape_cast %broadcast_in_dim3A_273 : vector<1x256xi32> to vector<256xi32>
    %swap3A_275 = arith.constant 0 : index
    %swap3A_276 = arith.constant 11 : index
    %swap3A_277 = arith.constant 0 : index
    %swap3A_278 = vector.load %arg3[%swap3A_275, %swap3A_276, %swap3A_277] : memref<1x20x256xi32, #tpu.memory_space<vmem>>, vector<1x1x256xi32>
    %swap3A_279 = vector.shape_cast %swap3A_278 : vector<1x1x256xi32> to vector<256xi32>
    %swap3A_280 = vector.shape_cast %squeeze3A_274 : vector<256xi32> to vector<1x1x256xi32>
    tpu.vector_store %arg3[%swap3A_275, %swap3A_276, %swap3A_277], %swap3A_280 {strides = array<i32>} : memref<1x20x256xi32, #tpu.memory_space<vmem>>, vector<1x1x256xi32>,
    %swap3A_281 = arith.constant 0 : index
    %swap3A_282 = arith.constant 0 : index
    %swap3A_283 = arith.constant 11 : index
    %swap3A_284 = arith.constant 0 : index
    %swap3A_285 = vector.load %arg4[%swap3A_281, %swap3A_282, %swap3A_283, %swap3A_284] : memref<1x64x20x256xf32, #tpu.memory_space<vmem>>, vector<1x64x1x256xf32>
    %swap3A_286 = vector.shape_cast %swap3A_285 : vector<1x64x1x256xf32> to vector<64x256xf32>
    %swap3A_287 = vector.shape_cast %get3A_44 : vector<64x256xf32> to vector<1x64x1x256xf32>
    tpu.vector_store %arg4[%swap3A_281, %swap3A_282, %swap3A_283, %swap3A_284], %swap3A_287 {strides = array<i32>} : memref<1x64x20x256xf32, #tpu.memory_space<vmem>>, vector<1x64x1x256xf32>,
    %eq3A_288 = vector.broadcast %broadcast_in_dim3A_273 : vector<1x256xi32> to vector<2048x256xi32>
    %eq3A_289 = arith.cmpi eq, %iota3A_39, %eq3A_288 : vector<2048x256xi32>
    %jit3A_290 = arith.constant 0xFF800000 : f32
    %broadcast_in_dim3A_291 = vector.broadcast %jit3A_290 : f32 to vector<2048x256xf32>
    %select_n3A_292 = arith.select %eq3A_289, %broadcast_in_dim3A_291, %select_n3A_271 : vector<2048x256xi1>, vector<2048x256xf32>
    %argmax3A_293 = tpu.reduce_index %select_n3A_292 {axis = 0 : i32, kind = #tpu.reduction_kind<arg_max>} : vector<2048x256xf32> -> vector<256xi32>
    %broadcast_in_dim3A_294 = vector.shape_cast %argmax3A_293 : vector<256xi32> to vector<1x256xi32>
    %squeeze3A_295 = vector.shape_cast %broadcast_in_dim3A_294 : vector<1x256xi32> to vector<256xi32>
    %swap3A_296 = arith.constant 0 : index
    %swap3A_297 = arith.constant 12 : index
    %swap3A_298 = arith.constant 0 : index
    %swap3A_299 = vector.load %arg3[%swap3A_296, %swap3A_297, %swap3A_298] : memref<1x20x256xi32, #tpu.memory_space<vmem>>, vector<1x1x256xi32>
    %swap3A_300 = vector.shape_cast %swap3A_299 : vector<1x1x256xi32> to vector<256xi32>
    %swap3A_301 = vector.shape_cast %squeeze3A_295 : vector<256xi32> to vector<1x1x256xi32>
    tpu.vector_store %arg3[%swap3A_296, %swap3A_297, %swap3A_298], %swap3A_301 {strides = array<i32>} : memref<1x20x256xi32, #tpu.memory_space<vmem>>, vector<1x1x256xi32>,
    %swap3A_302 = arith.constant 0 : index
    %swap3A_303 = arith.constant 0 : index
    %swap3A_304 = arith.constant 12 : index
    %swap3A_305 = arith.constant 0 : index
    %swap3A_306 = vector.load %arg4[%swap3A_302, %swap3A_303, %swap3A_304, %swap3A_305] : memref<1x64x20x256xf32, #tpu.memory_space<vmem>>, vector<1x64x1x256xf32>
    %swap3A_307 = vector.shape_cast %swap3A_306 : vector<1x64x1x256xf32> to vector<64x256xf32>
    %swap3A_308 = vector.shape_cast %get3A_44 : vector<64x256xf32> to vector<1x64x1x256xf32>
    tpu.vector_store %arg4[%swap3A_302, %swap3A_303, %swap3A_304, %swap3A_305], %swap3A_308 {strides = array<i32>} : memref<1x64x20x256xf32, #tpu.memory_space<vmem>>, vector<1x64x1x256xf32>,
    %eq3A_309 = vector.broadcast %broadcast_in_dim3A_294 : vector<1x256xi32> to vector<2048x256xi32>
    %eq3A_310 = arith.cmpi eq, %iota3A_39, %eq3A_309 : vector<2048x256xi32>
    %jit3A_311 = arith.constant 0xFF800000 : f32
    %broadcast_in_dim3A_312 = vector.broadcast %jit3A_311 : f32 to vector<2048x256xf32>
    %select_n3A_313 = arith.select %eq3A_310, %broadcast_in_dim3A_312, %select_n3A_292 : vector<2048x256xi1>, vector<2048x256xf32>
    %argmax3A_314 = tpu.reduce_index %select_n3A_313 {axis = 0 : i32, kind = #tpu.reduction_kind<arg_max>} : vector<2048x256xf32> -> vector<256xi32>
    %broadcast_in_dim3A_315 = vector.shape_cast %argmax3A_314 : vector<256xi32> to vector<1x256xi32>
    %squeeze3A_316 = vector.shape_cast %broadcast_in_dim3A_315 : vector<1x256xi32> to vector<256xi32>
    %swap3A_317 = arith.constant 0 : index
    %swap3A_318 = arith.constant 13 : index
    %swap3A_319 = arith.constant 0 : index
    %swap3A_320 = vector.load %arg3[%swap3A_317, %swap3A_318, %swap3A_319] : memref<1x20x256xi32, #tpu.memory_space<vmem>>, vector<1x1x256xi32>
    %swap3A_321 = vector.shape_cast %swap3A_320 : vector<1x1x256xi32> to vector<256xi32>
    %swap3A_322 = vector.shape_cast %squeeze3A_316 : vector<256xi32> to vector<1x1x256xi32>
    tpu.vector_store %arg3[%swap3A_317, %swap3A_318, %swap3A_319], %swap3A_322 {strides = array<i32>} : memref<1x20x256xi32, #tpu.memory_space<vmem>>, vector<1x1x256xi32>,
    %swap3A_323 = arith.constant 0 : index
    %swap3A_324 = arith.constant 0 : index
    %swap3A_325 = arith.constant 13 : index
    %swap3A_326 = arith.constant 0 : index
    %swap3A_327 = vector.load %arg4[%swap3A_323, %swap3A_324, %swap3A_325, %swap3A_326] : memref<1x64x20x256xf32, #tpu.memory_space<vmem>>, vector<1x64x1x256xf32>
    %swap3A_328 = vector.shape_cast %swap3A_327 : vector<1x64x1x256xf32> to vector<64x256xf32>
    %swap3A_329 = vector.shape_cast %get3A_44 : vector<64x256xf32> to vector<1x64x1x256xf32>
    tpu.vector_store %arg4[%swap3A_323, %swap3A_324, %swap3A_325, %swap3A_326], %swap3A_329 {strides = array<i32>} : memref<1x64x20x256xf32, #tpu.memory_space<vmem>>, vector<1x64x1x256xf32>,
    %eq3A_330 = vector.broadcast %broadcast_in_dim3A_315 : vector<1x256xi32> to vector<2048x256xi32>
    %eq3A_331 = arith.cmpi eq, %iota3A_39, %eq3A_330 : vector<2048x256xi32>
    %jit3A_332 = arith.constant 0xFF800000 : f32
    %broadcast_in_dim3A_333 = vector.broadcast %jit3A_332 : f32 to vector<2048x256xf32>
    %select_n3A_334 = arith.select %eq3A_331, %broadcast_in_dim3A_333, %select_n3A_313 : vector<2048x256xi1>, vector<2048x256xf32>
    %argmax3A_335 = tpu.reduce_index %select_n3A_334 {axis = 0 : i32, kind = #tpu.reduction_kind<arg_max>} : vector<2048x256xf32> -> vector<256xi32>
    %broadcast_in_dim3A_336 = vector.shape_cast %argmax3A_335 : vector<256xi32> to vector<1x256xi32>
    %squeeze3A_337 = vector.shape_cast %broadcast_in_dim3A_336 : vector<1x256xi32> to vector<256xi32>
    %swap3A_338 = arith.constant 0 : index
    %swap3A_339 = arith.constant 14 : index
    %swap3A_340 = arith.constant 0 : index
    %swap3A_341 = vector.load %arg3[%swap3A_338, %swap3A_339, %swap3A_340] : memref<1x20x256xi32, #tpu.memory_space<vmem>>, vector<1x1x256xi32>
    %swap3A_342 = vector.shape_cast %swap3A_341 : vector<1x1x256xi32> to vector<256xi32>
    %swap3A_343 = vector.shape_cast %squeeze3A_337 : vector<256xi32> to vector<1x1x256xi32>
    tpu.vector_store %arg3[%swap3A_338, %swap3A_339, %swap3A_340], %swap3A_343 {strides = array<i32>} : memref<1x20x256xi32, #tpu.memory_space<vmem>>, vector<1x1x256xi32>,
    %swap3A_344 = arith.constant 0 : index
    %swap3A_345 = arith.constant 0 : index
    %swap3A_346 = arith.constant 14 : index
    %swap3A_347 = arith.constant 0 : index
    %swap3A_348 = vector.load %arg4[%swap3A_344, %swap3A_345, %swap3A_346, %swap3A_347] : memref<1x64x20x256xf32, #tpu.memory_space<vmem>>, vector<1x64x1x256xf32>
    %swap3A_349 = vector.shape_cast %swap3A_348 : vector<1x64x1x256xf32> to vector<64x256xf32>
    %swap3A_350 = vector.shape_cast %get3A_44 : vector<64x256xf32> to vector<1x64x1x256xf32>
    tpu.vector_store %arg4[%swap3A_344, %swap3A_345, %swap3A_346, %swap3A_347], %swap3A_350 {strides = array<i32>} : memref<1x64x20x256xf32, #tpu.memory_space<vmem>>, vector<1x64x1x256xf32>,
    %eq3A_351 = vector.broadcast %broadcast_in_dim3A_336 : vector<1x256xi32> to vector<2048x256xi32>
    %eq3A_352 = arith.cmpi eq, %iota3A_39, %eq3A_351 : vector<2048x256xi32>
    %jit3A_353 = arith.constant 0xFF800000 : f32
    %broadcast_in_dim3A_354 = vector.broadcast %jit3A_353 : f32 to vector<2048x256xf32>
    %select_n3A_355 = arith.select %eq3A_352, %broadcast_in_dim3A_354, %select_n3A_334 : vector<2048x256xi1>, vector<2048x256xf32>
    %argmax3A_356 = tpu.reduce_index %select_n3A_355 {axis = 0 : i32, kind = #tpu.reduction_kind<arg_max>} : vector<2048x256xf32> -> vector<256xi32>
    %broadcast_in_dim3A_357 = vector.shape_cast %argmax3A_356 : vector<256xi32> to vector<1x256xi32>
    %squeeze3A_358 = vector.shape_cast %broadcast_in_dim3A_357 : vector<1x256xi32> to vector<256xi32>
    %swap3A_359 = arith.constant 0 : index
    %swap3A_360 = arith.constant 15 : index
    %swap3A_361 = arith.constant 0 : index
    %swap3A_362 = vector.load %arg3[%swap3A_359, %swap3A_360, %swap3A_361] : memref<1x20x256xi32, #tpu.memory_space<vmem>>, vector<1x1x256xi32>
    %swap3A_363 = vector.shape_cast %swap3A_362 : vector<1x1x256xi32> to vector<256xi32>
    %swap3A_364 = vector.shape_cast %squeeze3A_358 : vector<256xi32> to vector<1x1x256xi32>
    tpu.vector_store %arg3[%swap3A_359, %swap3A_360, %swap3A_361], %swap3A_364 {strides = array<i32>} : memref<1x20x256xi32, #tpu.memory_space<vmem>>, vector<1x1x256xi32>,
    %swap3A_365 = arith.constant 0 : index
    %swap3A_366 = arith.constant 0 : index
    %swap3A_367 = arith.constant 15 : index
    %swap3A_368 = arith.constant 0 : index
    %swap3A_369 = vector.load %arg4[%swap3A_365, %swap3A_366, %swap3A_367, %swap3A_368] : memref<1x64x20x256xf32, #tpu.memory_space<vmem>>, vector<1x64x1x256xf32>
    %swap3A_370 = vector.shape_cast %swap3A_369 : vector<1x64x1x256xf32> to vector<64x256xf32>
    %swap3A_371 = vector.shape_cast %get3A_44 : vector<64x256xf32> to vector<1x64x1x256xf32>
    tpu.vector_store %arg4[%swap3A_365, %swap3A_366, %swap3A_367, %swap3A_368], %swap3A_371 {strides = array<i32>} : memref<1x64x20x256xf32, #tpu.memory_space<vmem>>, vector<1x64x1x256xf32>,
    %eq3A_372 = vector.broadcast %broadcast_in_dim3A_357 : vector<1x256xi32> to vector<2048x256xi32>
    %eq3A_373 = arith.cmpi eq, %iota3A_39, %eq3A_372 : vector<2048x256xi32>
    %jit3A_374 = arith.constant 0xFF800000 : f32
    %broadcast_in_dim3A_375 = vector.broadcast %jit3A_374 : f32 to vector<2048x256xf32>
    %select_n3A_376 = arith.select %eq3A_373, %broadcast_in_dim3A_375, %select_n3A_355 : vector<2048x256xi1>, vector<2048x256xf32>
    %argmax3A_377 = tpu.reduce_index %select_n3A_376 {axis = 0 : i32, kind = #tpu.reduction_kind<arg_max>} : vector<2048x256xf32> -> vector<256xi32>
    %broadcast_in_dim3A_378 = vector.shape_cast %argmax3A_377 : vector<256xi32> to vector<1x256xi32>
    %squeeze3A_379 = vector.shape_cast %broadcast_in_dim3A_378 : vector<1x256xi32> to vector<256xi32>
    %swap3A_380 = arith.constant 0 : index
    %swap3A_381 = arith.constant 16 : index
    %swap3A_382 = arith.constant 0 : index
    %swap3A_383 = vector.load %arg3[%swap3A_380, %swap3A_381, %swap3A_382] : memref<1x20x256xi32, #tpu.memory_space<vmem>>, vector<1x1x256xi32>
    %swap3A_384 = vector.shape_cast %swap3A_383 : vector<1x1x256xi32> to vector<256xi32>
    %swap3A_385 = vector.shape_cast %squeeze3A_379 : vector<256xi32> to vector<1x1x256xi32>
    tpu.vector_store %arg3[%swap3A_380, %swap3A_381, %swap3A_382], %swap3A_385 {strides = array<i32>} : memref<1x20x256xi32, #tpu.memory_space<vmem>>, vector<1x1x256xi32>,
    %swap3A_386 = arith.constant 0 : index
    %swap3A_387 = arith.constant 0 : index
    %swap3A_388 = arith.constant 16 : index
    %swap3A_389 = arith.constant 0 : index
    %swap3A_390 = vector.load %arg4[%swap3A_386, %swap3A_387, %swap3A_388, %swap3A_389] : memref<1x64x20x256xf32, #tpu.memory_space<vmem>>, vector<1x64x1x256xf32>
    %swap3A_391 = vector.shape_cast %swap3A_390 : vector<1x64x1x256xf32> to vector<64x256xf32>
    %swap3A_392 = vector.shape_cast %get3A_44 : vector<64x256xf32> to vector<1x64x1x256xf32>
    tpu.vector_store %arg4[%swap3A_386, %swap3A_387, %swap3A_388, %swap3A_389], %swap3A_392 {strides = array<i32>} : memref<1x64x20x256xf32, #tpu.memory_space<vmem>>, vector<1x64x1x256xf32>,
    %eq3A_393 = vector.broadcast %broadcast_in_dim3A_378 : vector<1x256xi32> to vector<2048x256xi32>
    %eq3A_394 = arith.cmpi eq, %iota3A_39, %eq3A_393 : vector<2048x256xi32>
    %jit3A_395 = arith.constant 0xFF800000 : f32
    %broadcast_in_dim3A_396 = vector.broadcast %jit3A_395 : f32 to vector<2048x256xf32>
    %select_n3A_397 = arith.select %eq3A_394, %broadcast_in_dim3A_396, %select_n3A_376 : vector<2048x256xi1>, vector<2048x256xf32>
    %argmax3A_398 = tpu.reduce_index %select_n3A_397 {axis = 0 : i32, kind = #tpu.reduction_kind<arg_max>} : vector<2048x256xf32> -> vector<256xi32>
    %broadcast_in_dim3A_399 = vector.shape_cast %argmax3A_398 : vector<256xi32> to vector<1x256xi32>
    %squeeze3A_400 = vector.shape_cast %broadcast_in_dim3A_399 : vector<1x256xi32> to vector<256xi32>
    %swap3A_401 = arith.constant 0 : index
    %swap3A_402 = arith.constant 17 : index
    %swap3A_403 = arith.constant 0 : index
    %swap3A_404 = vector.load %arg3[%swap3A_401, %swap3A_402, %swap3A_403] : memref<1x20x256xi32, #tpu.memory_space<vmem>>, vector<1x1x256xi32>
    %swap3A_405 = vector.shape_cast %swap3A_404 : vector<1x1x256xi32> to vector<256xi32>
    %swap3A_406 = vector.shape_cast %squeeze3A_400 : vector<256xi32> to vector<1x1x256xi32>
    tpu.vector_store %arg3[%swap3A_401, %swap3A_402, %swap3A_403], %swap3A_406 {strides = array<i32>} : memref<1x20x256xi32, #tpu.memory_space<vmem>>, vector<1x1x256xi32>,
    %swap3A_407 = arith.constant 0 : index
    %swap3A_408 = arith.constant 0 : index
    %swap3A_409 = arith.constant 17 : index
    %swap3A_410 = arith.constant 0 : index
    %swap3A_411 = vector.load %arg4[%swap3A_407, %swap3A_408, %swap3A_409, %swap3A_410] : memref<1x64x20x256xf32, #tpu.memory_space<vmem>>, vector<1x64x1x256xf32>
    %swap3A_412 = vector.shape_cast %swap3A_411 : vector<1x64x1x256xf32> to vector<64x256xf32>
    %swap3A_413 = vector.shape_cast %get3A_44 : vector<64x256xf32> to vector<1x64x1x256xf32>
    tpu.vector_store %arg4[%swap3A_407, %swap3A_408, %swap3A_409, %swap3A_410], %swap3A_413 {strides = array<i32>} : memref<1x64x20x256xf32, #tpu.memory_space<vmem>>, vector<1x64x1x256xf32>,
    %eq3A_414 = vector.broadcast %broadcast_in_dim3A_399 : vector<1x256xi32> to vector<2048x256xi32>
    %eq3A_415 = arith.cmpi eq, %iota3A_39, %eq3A_414 : vector<2048x256xi32>
    %jit3A_416 = arith.constant 0xFF800000 : f32
    %broadcast_in_dim3A_417 = vector.broadcast %jit3A_416 : f32 to vector<2048x256xf32>
    %select_n3A_418 = arith.select %eq3A_415, %broadcast_in_dim3A_417, %select_n3A_397 : vector<2048x256xi1>, vector<2048x256xf32>
    %argmax3A_419 = tpu.reduce_index %select_n3A_418 {axis = 0 : i32, kind = #tpu.reduction_kind<arg_max>} : vector<2048x256xf32> -> vector<256xi32>
    %broadcast_in_dim3A_420 = vector.shape_cast %argmax3A_419 : vector<256xi32> to vector<1x256xi32>
    %squeeze3A_421 = vector.shape_cast %broadcast_in_dim3A_420 : vector<1x256xi32> to vector<256xi32>
    %swap3A_422 = arith.constant 0 : index
    %swap3A_423 = arith.constant 18 : index
    %swap3A_424 = arith.constant 0 : index
    %swap3A_425 = vector.load %arg3[%swap3A_422, %swap3A_423, %swap3A_424] : memref<1x20x256xi32, #tpu.memory_space<vmem>>, vector<1x1x256xi32>
    %swap3A_426 = vector.shape_cast %swap3A_425 : vector<1x1x256xi32> to vector<256xi32>
    %swap3A_427 = vector.shape_cast %squeeze3A_421 : vector<256xi32> to vector<1x1x256xi32>
    tpu.vector_store %arg3[%swap3A_422, %swap3A_423, %swap3A_424], %swap3A_427 {strides = array<i32>} : memref<1x20x256xi32, #tpu.memory_space<vmem>>, vector<1x1x256xi32>,
    %swap3A_428 = arith.constant 0 : index
    %swap3A_429 = arith.constant 0 : index
    %swap3A_430 = arith.constant 18 : index
    %swap3A_431 = arith.constant 0 : index
    %swap3A_432 = vector.load %arg4[%swap3A_428, %swap3A_429, %swap3A_430, %swap3A_431] : memref<1x64x20x256xf32, #tpu.memory_space<vmem>>, vector<1x64x1x256xf32>
    %swap3A_433 = vector.shape_cast %swap3A_432 : vector<1x64x1x256xf32> to vector<64x256xf32>
    %swap3A_434 = vector.shape_cast %get3A_44 : vector<64x256xf32> to vector<1x64x1x256xf32>
    tpu.vector_store %arg4[%swap3A_428, %swap3A_429, %swap3A_430, %swap3A_431], %swap3A_434 {strides = array<i32>} : memref<1x64x20x256xf32, #tpu.memory_space<vmem>>, vector<1x64x1x256xf32>,
    %eq3A_435 = vector.broadcast %broadcast_in_dim3A_420 : vector<1x256xi32> to vector<2048x256xi32>
    %eq3A_436 = arith.cmpi eq, %iota3A_39, %eq3A_435 : vector<2048x256xi32>
    %jit3A_437 = arith.constant 0xFF800000 : f32
    %broadcast_in_dim3A_438 = vector.broadcast %jit3A_437 : f32 to vector<2048x256xf32>
    %select_n3A_439 = arith.select %eq3A_436, %broadcast_in_dim3A_438, %select_n3A_418 : vector<2048x256xi1>, vector<2048x256xf32>
    %argmax3A_440 = tpu.reduce_index %select_n3A_439 {axis = 0 : i32, kind = #tpu.reduction_kind<arg_max>} : vector<2048x256xf32> -> vector<256xi32>
    %broadcast_in_dim3A_441 = vector.shape_cast %argmax3A_440 : vector<256xi32> to vector<1x256xi32>
    %squeeze3A_442 = vector.shape_cast %broadcast_in_dim3A_441 : vector<1x256xi32> to vector<256xi32>
    %swap3A_443 = arith.constant 0 : index
    %swap3A_444 = arith.constant 19 : index
    %swap3A_445 = arith.constant 0 : index
    %swap3A_446 = vector.load %arg3[%swap3A_443, %swap3A_444, %swap3A_445] : memref<1x20x256xi32, #tpu.memory_space<vmem>>, vector<1x1x256xi32>
    %swap3A_447 = vector.shape_cast %swap3A_446 : vector<1x1x256xi32> to vector<256xi32>
    %swap3A_448 = vector.shape_cast %squeeze3A_442 : vector<256xi32> to vector<1x1x256xi32>
    tpu.vector_store %arg3[%swap3A_443, %swap3A_444, %swap3A_445], %swap3A_448 {strides = array<i32>} : memref<1x20x256xi32, #tpu.memory_space<vmem>>, vector<1x1x256xi32>,
    %swap3A_449 = arith.constant 0 : index
    %swap3A_450 = arith.constant 0 : index
    %swap3A_451 = arith.constant 19 : index
    %swap3A_452 = arith.constant 0 : index
    %swap3A_453 = vector.load %arg4[%swap3A_449, %swap3A_450, %swap3A_451, %swap3A_452] : memref<1x64x20x256xf32, #tpu.memory_space<vmem>>, vector<1x64x1x256xf32>
    %swap3A_454 = vector.shape_cast %swap3A_453 : vector<1x64x1x256xf32> to vector<64x256xf32>
    %swap3A_455 = vector.shape_cast %get3A_44 : vector<64x256xf32> to vector<1x64x1x256xf32>
    tpu.vector_store %arg4[%swap3A_449, %swap3A_450, %swap3A_451, %swap3A_452], %swap3A_455 {strides = array<i32>} : memref<1x64x20x256xf32, #tpu.memory_space<vmem>>, vector<1x64x1x256xf32>,
    return
  }
  func.func @transform_0(%arg0: i32, %arg1: i32) -> (i32, i32, i32) {
    %c0_i32 = arith.constant 0 : i32
    %c0_i32_0 = arith.constant 0 : i32
    %c0_i32_1 = arith.constant 0 : i32
    return %arg0, %c0_i32, %c0_i32_0 : i32, i32, i32
  }
  func.func @transform_1(%arg0: i32, %arg1: i32) -> (i32, i32, i32) {
    %c0_i32 = arith.constant 0 : i32
    %c0_i32_0 = arith.constant 0 : i32
    return %arg0, %c0_i32, %arg1 : i32, i32, i32
  }
  func.func @transform_2(%arg0: i32, %arg1: i32) -> (i32, i32, i32, i32) {
    %c0_i32 = arith.constant 0 : i32
    %c0_i32_0 = arith.constant 0 : i32
    %c0_i32_1 = arith.constant 0 : i32
    return %arg0, %c0_i32, %c0_i32_0, %arg1 : i32, i32, i32, i32
  }
}

</mosaic_0001>

<sc_bundles>
// kernel: kernel.4.cloned.1.call-start
scs
__scs_entry_jumppad:
0x0: {  	(pc) =	sbr.rel $0x88, $3  }
0x1: {  	(tag) =	ssettag $0x0;
	lr =	simm.s32 $0x1  }
0x2: {  	[smem:$0x3FA0] =	sst lr;
	_ =	strace $0xD0000000  }
0x3: {  	_ = 	snop  }
0x4: {  	_ = 	snop  }
0x5: {  	_ = 	snop  }
0x6: {  	_ = 	snop  }
0x7: {  	_ = 	snop  }
__scs_overlays_trampoline_lowered:
0x8: {  	[smem:$0x3FAF] =	sst s0  }
0x9: {  	[smem:$0x3FB0] =	sst s1  }
0xa: {  	[smem:$0x3FB1] =	sst s2  }
0xb: {  	[smem:$0x3FB2] =	sst s3  }
0xc: {  	[smem:$0x3FB3] =	sst s4  }
0xd: {  	[smem:$0x3FB4] =	sst s5  }
0xe: {  	[smem:$0x3FB5] =	sst s6  }
0xf: {  	[smem:$0x3FB6] =	sst s7  }
0x10: {  	[smem:$0x3FB7] =	sst s8  }
0x11: {  	[smem:$0x3FB8] =	sst s9;
	s0 =	simm.s32 @!p0 $0x0  }
0x12: {  	s1 =	sld [smem:$0x3F9E];
	s0 =	simm.s32 @p0 $0x1  }
0x13: {  	[smem:$0x3FB9] =	sst s0;
	s0 =	simm.s32 @!p1 $0x0  }
0x14: {  	s2 =	sld [smem:$0x3F9D];
	s0 =	simm.s32 @p1 $0x1  }
0x15: {  	[smem:$0x3FBA] =	sst s0;
	s0 =	simm.s32 @!p2 $0x0  }
0x16: {  	s3 =	sld [smem:$0x3FDB];
	s0 =	simm.s32 @p2 $0x1  }
0x17: {  	s4 =	simm.s32 $0x1BF5;
	[smem:$0x3FBC] =	sst s0  }
0x18: {  	s0 =	sld [smem:$0x3F9F];
	_ =	swait.ge [sflag:s4], $0x0  }
0x19: {  	s7 =	sld [smem:$0x3FA0]  }
0x1a: {  	s8 =	sadd.s32 $0xFFFFE003, lr  }
0x1b: {  	s9 =	sadd.s32 $0xFFFFFEF7, lr;
	s5 =	simm.s32 $0xFFFFFFFF;
	p2 =	slt.u32 s8, $0xFFFFF086  }
0x1c: {  	p1 =	slt.u32 s9, $0xF7A;
	s5 =	simm.s32 @!p2 $0x0  }
0x1d: {  	s5 =	simm.s32 @p1 $0x1;
	p0 =	seq.s32 s7, s2  }
0x1e: {  	s7 =	smul.u32 @!p0 $0xF7A, s2;
	p2 =	seq.s32 @!p0 s5, $0x0  }
0x1f: {  	s9 =	smul.u32 $0xF7A, s1;
	s8 =	simm.s32 @!p0 $0x1BF5;
	p2 =	por !p2, p0  }
0x20: {  	[sflag:s8] =	ssyncset.s32 @!p0 $0xFFFFF086;
	s6 =	sadd.s32 @!p0 s3, s7;
	s7 =	simm.s32 @!p0 $0x108  }
0x21: {  	s3 =	sadd.s32 s3, s9;
	s6 =	sadd.s32 @!p0 $0x88, s6;
	s7 =	simm.s32 @p2 $0x1082  }
0x22: {  	[simem:s7], [sflag:s8] =	dma.local @!p0 [hbm:s6], $0xF7A  }
0x23: {  	s9 =	sor.u32 $0xD0000000, s2;
	s6 =	simm.s32 $0x108;
	_ =	swait.ge @!p0 [sflag:s8], $0x0  }
0x24: {  	s3 =	sadd.s32 $0x88, s3;
	s6 =	simm.s32 @!p1 $0x1082;
	[sflag:s4] =	ssyncset.s32 $0xFFFFF086  }
0x25: {  	[simem:s6], [sflag:s4] =	dma.local [hbm:s3], $0xF7A  }
0x26: {  	[smem:$0x3FA0] =	sst s1;
	(tag) =	ssettag s2;
	_ =	strace s9  }
0x27: {  	s1 =	sld [smem:$0x3FB0]  }
0x28: {  	s2 =	sld [smem:$0x3FB1]  }
0x29: {  	s4 =	sld [smem:$0x3FB3]  }
0x2a: {  	p0 =	seq.s32 s5, $0x0;
	s5 =	sld [smem:$0x3FB4]  }
0x2b: {  	s6 =	sld [smem:$0x3FB5]  }
0x2c: {  	s7 =	sld [smem:$0x3FB6]  }
0x2d: {  	s3 =	simm.s32 $0x108;
	s8 =	sld [smem:$0x3FB7]  }
0x2e: {  	s3 =	simm.s32 @!p0 $0x1082;
	s9 =	sld [smem:$0x3FB8]  }
0x2f: {  	lr =	sadd.s32 s0, s3;
	s0 =	sld [smem:$0x3FAF]  }
0x30: {  	s3 =	sld [smem:$0x3FB2]  }
0x31: {  	[smem:$0x3FBB] =	sst s10  }
0x32: {  	s10 =	sld [smem:$0x3FB9];
	_ =	sdelay $0x3  }
0x33: {  	p0 =	seq.s32 s10, $0x1;
	s10 =	sld [smem:$0x3FBB];
	_ =	sdelay $0x3  }
0x34: {  	[smem:$0x3FBB] =	sst s10  }
0x35: {  	s10 =	sld [smem:$0x3FBA];
	_ =	sdelay $0x3  }
0x36: {  	p1 =	seq.s32 s10, $0x1;
	s10 =	sld [smem:$0x3FBB];
	_ =	sdelay $0x3  }
0x37: {  	[smem:$0x3FBB] =	sst s10  }
0x38: {  	s10 =	sld [smem:$0x3FBC]  }
0x39: {  	_ = 	snop;
	(pc) =	sbr.ind lr, $3  }
0x3a: {  	_ = 	snop  }
0x3b: {  	_ = 	snop  }
0x3c: {  	p2 =	seq.s32 s10, $0x1;
	s10 =	sld [smem:$0x3FBB]  }
0x3d: {  	_ =	shalt  }
0x3e: {  	_ =	shalt  }
0x3f: {  	_ =	shalt  }
0x40: {  	_ =	shalt  }
0x41: {  	_ =	shalt  }
0x42: {  	_ =	shalt  }
0x43: {  	_ =	shalt  }
0x44: {  	_ =	shalt  }
0x45: {  	_ =	shalt  }
0x46: {  	_ =	shalt  }
0x47: {  	_ =	shalt  }
0x48: {  	_ =	shalt  }
0x49: {  	_ =	shalt  }
0x4a: {  	_ =	shalt  }
0x4b: {  	_ =	shalt  }
0x4c: {  	_ =	shalt  }
0x4d: {  	_ =	shalt  }
0x4e: {  	_ =	shalt  }
0x4f: {  	_ =	shalt  }
0x50: {  	_ =	shalt  }
0x51: {  	_ =	shalt  }
0x52: {  	_ =	shalt  }
0x53: {  	_ =	shalt  }
0x54: {  	_ =	shalt  }
0x55: {  	_ =	shalt  }
0x56: {  	_ =	shalt  }
0x57: {  	_ =	shalt  }
0x58: {  	_ =	shalt  }
0x59: {  	_ =	shalt  }
0x5a: {  	_ =	shalt  }
0x5b: {  	_ =	shalt  }
0x5c: {  	_ =	shalt  }
0x5d: {  	_ =	shalt  }
0x5e: {  	_ =	shalt  }
0x5f: {  	_ =	shalt  }
0x60: {  	_ =	shalt  }
0x61: {  	_ =	shalt  }
0x62: {  	_ =	shalt  }
0x63: {  	_ =	shalt  }
0x64: {  	_ =	shalt  }
0x65: {  	_ =	shalt  }
0x66: {  	_ =	shalt  }
0x67: {  	_ =	shalt  }
0x68: {  	_ =	shalt  }
0x69: {  	_ =	shalt  }
0x6a: {  	_ =	shalt  }
0x6b: {  	_ =	shalt  }
0x6c: {  	_ =	shalt  }
0x6d: {  	_ =	shalt  }
0x6e: {  	_ =	shalt  }
0x6f: {  	_ =	shalt  }
0x70: {  	_ =	shalt  }
0x71: {  	_ =	shalt  }
0x72: {  	_ =	shalt  }
0x73: {  	_ =	shalt  }
0x74: {  	_ =	shalt  }
0x75: {  	_ =	shalt  }
0x76: {  	_ =	shalt  }
0x77: {  	_ =	shalt  }
0x78: {  	_ =	shalt  }
0x79: {  	_ =	shalt  }
0x7a: {  	_ =	shalt  }
0x7b: {  	_ =	shalt  }
0x7c: {  	_ =	shalt  }
0x7d: {  	_ =	shalt  }
0x7e: {  	_ =	shalt  }
0x7f: {  	_ =	shalt  }
0x80: {  	_ =	shalt  }
0x81: {  	_ =	shalt  }
0x82: {  	_ =	shalt  }
0x83: {  	_ =	shalt  }
0x84: {  	_ =	shalt  }
0x85: {  	_ =	shalt  }
0x86: {  	_ =	shalt  }
0x87: {  	_ =	shalt  }
.Lfunc_end0:
.L_simem_size_0:
called_computation.1_lowered:
.L_overlay_start_0:
0x88: {  	s2 =	sld [smem:$0x3FD9]  }
0x89: {  	s3 =	sld [smem:$0x3FFE];
	_ =	sdelay $0x1  }
0x8a: {  	s1 =	srdreg.scid  }
0x8b: {  	s0 =	sand.u32 $0x1, s1  }
0x8c: {  	s16 =	sshll.u32 s0, $0xA;
	s2 =	sadd.s32 s3, s2  }
0x8d: {  	s2 =	sadd.s32 s2, s16  }
0x8e: {  	[smem:$0x3FC7] =	sst s2  }
0x8f: {  	_ = 	snop  }
0x90: {  	(tm) =	ssettm $0x1  }
0x91: {  	s17 =	sld [smem:$0x3FFB];
	_ =	sdelay $0x3  }
0x92: {  	_ =	strace s17  }
0x93: {  	s2 =	sld [smem:$0x3FFC];
	_ =	sdelay $0x3  }
0x94: {  	_ =	strace s2  }
0x95: {  	s2 =	sld [smem:$0x3FFD];
	_ =	sdelay $0x3  }
0x96: {  	_ =	strace s2  }
0x97: {  	_ =	strace $0x8FFFFFFF  }
0x98: {  	s18 =	sld [smem:$0x3FDB];
	_ =	sdelay $0x1  }
0x99: {  	s19 =	simm.s32 $_scs_section_size  }
0x9a: {  	s4 =	simm.s32 $_size__tile_overlayer_lowered;
	s5 =	simm.s32 $_tile_overlayer_lowered  }
0x9b: {  	s22 =	simm.s32 $0x1BFF;
	s21 =	sshll.u32 s5, $0x1;
	s2 =	sadd.s32 s19, s18  }
0x9c: {  	s6 =	simm.s32 $0x0;
	s20 =	sshll.u32 s4, $0x1;
	s4 =	sadd.s32 s21, s2  }
0x9d: {  	[timem:s6], [sflag:s22] =	dma.local [hbm:s4], s20  }
0x9e: {  	_ =	swait.ge [sflag:s22], s20  }
0x9f: {  	s3 =	ssub.s32 $0x0, s20;
	[sflag:s22] =	ssyncset.done $0x0  }
0xa0: {  	[sflag:s22] =	ssyncadd.s32 s3;
	_ =	sdelay $0x1  }
0xa1: {  	s23 =	simm.s32 $0x1B8B  }
0xa2: {  	_ =	swait.ge [sflag:s23], $0x1  }
0xa3: {  	[sflag:s23] =	ssyncset.done $0x0  }
0xa4: {  	s25 =	simm.s32 $0x1B8E;
	s24 =	sld [smem:$0x3FFE];
	[sflag:s23] =	ssyncadd.s32 $0xFFFFFFFF  }
0xa5: {  	s26 =	simm.s32 $execute0_lowered;
	[smem:$0x3FD2] =	sst s25  }
0xa6: {  	s4 =	sshll.u32 s26, $0x1;
	_ =	strace $0x80000046;
	[dreg:$0x1] =	wrdreg $0xFFFFFFFF  }
0xa7: {  	s28 =	simm.s32 $_size_execute0_lowered;
	s2 =	sadd.s32 s2, s4;
	[dreg:$0x0] =	wrdreg $0x0  }
0xa8: {  	s4 =	sshll.u32 s28, $0x1;
	[dreg:$0x2] =	wrdreg s2  }
0xa9: {  	[dreg:$0x3] =	wrdreg s4  }
0xaa: {  	[dreg:$0x4] =	wrdreg $0xC0  }
0xab: {  	_ =	task [dreg:s6], $0x5FFFF  }
0xac: {  	[dreg:$0x1] =	wrdreg $0xFFFFFFFF  }
0xad: {  	[dreg:$0x0] =	wrdreg $0x60  }
0xae: {  	[dreg:$0x2] =	wrdreg s24  }
0xaf: {  	[dreg:$0x3] =	wrdreg $0x9  }
0xb0: {  	_ =	task.clear_ibuf [dreg:s6], $0x4FFFF;
	_ =	strace $0x90000046  }
0xb1: {  	s29 =	simm.s32 $0x9;
	_ =	strace $0x80000048  }
0xb2: {  	_ =	swait.ge [sflag:s29], $0x1  }
0xb3: {  	[sflag:s29] =	ssyncadd.s32 $0xFFFFFFFF  }
0xb4: {  	_ =	strace $0x90000048  }
0xb5: {  	_ =	sfence  }
0xb6: {  	s30 =	sld [smem:$0x0];
	_ =	sdelay $0x2  }
0xb7: {  	s31 =	sshll.u32 s1, $0xD;
	s1 =	sshrl.u32 s1, $0x2  }
0xb8: {  	s3 =	sand.u32 $0x4000, s31;
	s1 =	sadd.s32 s1, s30  }
0xb9: {  	s0 =	sor.u32 s3, s0;
	s1 =	sshll.u32 s1, $0x11  }
0xba: {  	s0 =	sor.u32 s1, s0  }
0xbb: {  	s0 =	sadd.s32 $0x8F2B, s0  }
0xbc: {  	[sflag:s0] =	ssyncadd.remote.s32 $0x1  }
0xbd: {  	_ =	sfence.sel $0xFFFF  }
0xbe: {  	[dreg:$0x0] =	wrdreg $0xFFFFFFFF;
	(pc) =	sbr.abs _section_cstart, $3  }
0xbf: {  	[dreg:$0x1] =	wrdreg $0xFFFFFFFF  }
0xc0: {  	_ =	task.clear_ibuf [dreg:s6], $0x2FFFF;
	_ =	strace $0x9FFFFFFF  }
0xc1: {  	(tm) =	ssettm $0x7FFFFFFF  }
tec
execute0_lowered:
.L_overlay_start_1:
0x0: {  	(tag) =	ssettag $0x1  }
0x1: {  	s3 =	stileid.u32;
	s0 =	srdreg.scid  }
0x2: {  	s1 =	sshll.u32 s3, $0x1;
	s2 =	sand.u32 $0x1, s0  }
0x3: {  	s0 =	rddreg [dreg:$0x0];
	s3 =	sshrl.u32 s3, $0x1;
	s1 =	sand.u32 $0x2, s1  }
0x4: {  	s4 =	sshll.u32 s3, $0x6;
	s3 =	smul.u32 $0x1400, s3;
	s1 =	sor.u32 s2, s1  }
0x5: {  	s5 =	sadd.s32 $0xC00, s0;
	s2 =	ssub.s32 $0x2, s2;
	s1 =	sshll.u32 s1, $0x4  }
0x6: {  	s6 =	sshrl.u32 s2, $0x1;
	s3 =	sadd.s32 s3, s0;
	s1 =	sor.u32 s4, s1  }
0x7: {  	s4 =	ssub.s32 s2, s6;
	s3 =	sadd.s32 $0x20C00, s3;
	s16 =	sor.u32 $0x1, s1  }
0x8: {  	s17 =	sshll.u32 s1, $0x8;
	s8 =	sor.u32 $0x2, s1;
	s20 =	sor.u32 $0x3, s1  }
0x9: {  	s9 =	sor.u32 $0x4, s1;
	s10 =	sor.u32 $0x5, s1;
	s24 =	sor.u32 $0x6, s1  }
0xa: {  	s12 =	sor.u32 $0x7, s1;
	s26 =	sor.u32 $0x8, s1;
	s14 =	sor.u32 $0x9, s1  }
0xb: {  	s15 =	sor.u32 $0xA, s1;
	s4 =	smax.u32 s4, $0x1;
	s7 =	sshll.u32 s16, $0x8  }
0xc: {  	s6 =	sadd.s32 s5, s17;
	s19 =	sshll.u32 s8, $0x8;
	s2 =	smul.u32 $0x1400, s16  }
0xd: {  	s21 =	sshll.u32 s20, $0x8;
	s22 =	sshll.u32 s9, $0x8;
	s9 =	smul.u32 $0x1400, s9  }
0xe: {  	s23 =	sshll.u32 s10, $0x8;
	s10 =	smul.u32 $0x1400, s10;
	s11 =	sshll.u32 s24, $0x8  }
0xf: {  	s25 =	sshll.u32 s12, $0x8;
	[dreg:$0x2] =	wrdreg s6;
	s18 =	sadd.s32 s5, s7  }
0x10: {  	s13 =	sshll.u32 s26, $0x8;
	s6 =	sadd.s32 s5, s19;
	[dreg:$0x3] =	wrdreg s18  }
0x11: {  	s7 =	smul.u32 $0x1400, s8;
	s8 =	sadd.s32 s5, s21;
	[dreg:$0x4] =	wrdreg s6  }
0x12: {  	s16 =	sshll.u32 s15, $0x8;
	s11 =	sadd.s32 s5, s11;
	[dreg:$0x5] =	wrdreg s8  }
0x13: {  	s17 =	sor.u32 $0xC, s1;
	s13 =	sadd.s32 s5, s13;
	[dreg:$0x8] =	wrdreg s11  }
0x14: {  	s21 =	sadd.s32 s5, s16;
	s6 =	smul.u32 $0x1400, s20;
	[dreg:$0xa] =	wrdreg s13  }
0x15: {  	s8 =	sadd.s32 s5, s22;
	s11 =	sadd.s32 s5, s25;
	[dreg:$0xc] =	wrdreg s21  }
0x16: {  	s20 =	sshll.u32 s14, $0x8;
	s18 =	sor.u32 $0xD, s1;
	[dreg:$0x6] =	wrdreg s8  }
0x17: {  	s8 =	sadd.s32 s5, s23;
	[dreg:$0x9] =	wrdreg s11;
	s11 =	smul.u32 $0x1400, s12  }
0x18: {  	s13 =	sadd.s32 s5, s20;
	s19 =	sshll.u32 s18, $0x8;
	s20 =	smul.u32 $0x1400, s1  }
0x19: {  	s12 =	sadd.s32 $0x2AC00, s0;
	s0 =	smul.u32 $0x1400, s14;
	[dreg:$0x7] =	wrdreg s8  }
0x1a: {  	s8 =	smul.u32 $0x1400, s24;
	[dreg:$0xb] =	wrdreg s13;
	s2 =	sadd.s32 s12, s2  }
0x1b: {  	s13 =	sor.u32 $0xB, s1;
	[dreg:$0x13] =	wrdreg s2;
	s2 =	smul.u32 $0x1400, s15  }
0x1c: {  	s23 =	sshll.u32 s17, $0x8;
	s24 =	sadd.s32 s5, s19;
	s14 =	smul.u32 $0x1400, s13  }
0x1d: {  	s19 =	sor.u32 $0xE, s1;
	s1 =	sor.u32 $0xF, s1;
	s15 =	smul.u32 $0x1400, s17  }
0x1e: {  	s22 =	sshll.u32 s13, $0x8;
	[dreg:$0xf] =	wrdreg s24;
	s17 =	smul.u32 $0x1400, s18  }
0x1f: {  	s25 =	sshll.u32 s19, $0x8;
	s21 =	sshll.u32 s1, $0x8;
	s18 =	smul.u32 $0x1400, s19  }
0x20: {  	s28 =	sadd.s32 s12, s0;
	s19 =	smul.u32 $0x1400, s1;
	s16 =	sadd.s32 s5, s22  }
0x21: {  	s22 =	sadd.s32 s12, s9;
	s24 =	sadd.s32 s12, s8;
	s8 =	simm.s32 $0x14800  }
0x22: {  	s9 =	simm.s32 $0x1;
	[dreg:$0xd] =	wrdreg s16;
	s16 =	sadd.s32 s5, s23  }
0x23: {  	s23 =	sadd.s32 s12, s10;
	s30 =	sadd.s32 s12, s2;
	s31 =	sadd.s32 s12, s14  }
0x24: {  	s29 =	sadd.s32 s12, s15;
	s0 =	sadd.s32 s12, s17;
	s1 =	sadd.s32 s12, s18  }
0x25: {  	s2 =	sadd.s32 s12, s19;
	s10 =	simm.s32 $0x2;
	[dreg:$0xe] =	wrdreg s16  }
0x26: {  	s16 =	sadd.s32 s5, s25;
	s5 =	sadd.s32 s5, s21;
	s21 =	sadd.s32 s12, s6  }
0x27: {  	s25 =	sadd.s32 s12, s11;
	s6 =	simm.s32 $0xA000;
	[dreg:$0x10] =	wrdreg s16  }
0x28: {  	s11 =	simm.s32 $0x0;
	s16 =	simm.s32 $0x0;
	[dreg:$0x11] =	wrdreg s5  }
0x29: {  	s5 =	smul.u32 $0x1400, s26;
	s26 =	sadd.s32 s12, s20;
	[smem:$0x7FF] =	sst s16  }
0x2a: {  	s20 =	sadd.s32 s12, s7;
	s7 =	simm.s32 $0xA800;
	[dreg:$0x12] =	wrdreg s26  }
0x2b: {  	s26 =	sadd.s32 s12, s5;
	_ =	strace $0x80000047;
	s5 =	simm.s32 $0x3  }
.LBB2_1:
0x2c: {  	[tilespmem:s16], [sflag:$0x3] =	stream.linear.gather [hbm4b:s3+s16], $0xA000, $0x38;
	[tilespmem:$0x1E800] =	vst v63  }
0x2d: {  	_ =	swait.ge [sflag:s5], $0xA000  }
0x2e: {  	[sflag:s5] =	ssyncset.done $0x0  }
0x2f: {  	s12 =	rddreg [dreg:$0x2];
	[sflag:s5] =	ssyncadd.s32 $0xFFFF6000  }
0x30: {  	[tilespmem:s6], [sflag:$0x3] =	stream.linear.gather [hbm4b:s12+s16], $0x800, $0x38;
	[tilespmem:$0x1E800] =	vst v63  }
0x31: {  	_ =	swait.ge [sflag:s5], $0x800  }
0x32: {  	s17 =	simm.s32 $0xA840;
	[sflag:s5] =	ssyncset.done $0x0  }
0x33: {  	s14 =	simm.s32 $0x0;
	s12 =	simm.s32 $0x40;
	[sflag:s5] =	ssyncadd.s32 $0xFFFFF800  }
.LBB2_2:
0x34: {  	v0 =	vld [tilespmem:s12+$0x30]  }
0x35: {  	v1 =	vld [tilespmem:s12+$0xFFFFFFD0]  }
0x36: {  	v2 =	vld [tilespmem:s12+$0xFFFFFFE0]  }
0x37: {  	v3 =	vld [tilespmem:s12+$0xFFFFFFF0]  }
0x38: {  	v5 =	vld [tilespmem:s12+$0x0]  }
0x39: {  	v6 =	vld [tilespmem:s12+$0x10]  }
0x3a: {  	v7 =	vld [tilespmem:s12+$0x20]  }
0x3b: {  	v8 =	vld [tilespmem:s12+$0xFFFFFFC0];
	s15 =	simm.s32 $0xA040  }
0x3c: {  	v11 =	vld [tilespmem:s15+$0x30]  }
0x3d: {  	v14 =	vld [tilespmem:s15+$0xFFFFFFD0]  }
0x3e: {  	v9 =	vld [tilespmem:s15+$0xFFFFFFE0]  }
0x3f: {  	v10 =	vld.idx.msk [tilespmem:v0+s6+$0x0], $0xffff  }
0x40: {  	v12 =	vld.idx.msk [tilespmem:v1+s6+$0x0], $0xffff  }
0x41: {  	v4 =	vld.idx.msk [tilespmem:v2+s6+$0x0], $0xffff  }
0x42: {  	v3 =	vld.idx.msk [tilespmem:v3+s6+$0x0], $0xffff  }
0x43: {  	v13 =	vld.idx.msk [tilespmem:v8+s6+$0x0], $0xffff  }
0x44: {  	v1 =	vld.idx.msk [tilespmem:v7+s6+$0x0], $0xffff  }
0x45: {  	v7 =	vld [tilespmem:s15+$0xFFFFFFC0]  }
0x46: {  	v2 =	vld.idx.msk [tilespmem:v5+s6+$0x0], $0xffff  }
0x47: {  	v0 =	vld.idx.msk [tilespmem:v6+s6+$0x0], $0xffff  }
0x48: {  	v8 =	vld [tilespmem:s15+$0xFFFFFFF0]  }
0x49: {  	v6 =	vld [tilespmem:s15+$0x0];
	v10 =	vsub.f32 v10, v11  }
0x4a: {  	v5 =	vld [tilespmem:s15+$0x10];
	v11 =	vsub.f32 v13, v7  }
0x4b: {  	s18 =	simm.s32 $0x0;
	s19 =	sadd.s32 $0x80, s12;
	s13 =	smov.u32 s17;
	v7 =	vld [tilespmem:s15+$0x20];
	[tilespmem:s17+$0x30] =	vst v10;
	v10 =	vsub.f32 v12, v14  }
.LBB2_3:
0x4c: {  	v12 =	vld [tilespmem:s19+$0x30];
	s18 =	sadd.s32 $0x80, s18;
	[tilespmem:s13+$0xFFFFFFC0] =	vst v11;
	v4 =	vsub.f32 v4, v9  }
0x4d: {  	v9 =	vld [tilespmem:s19+$0xFFFFFFD0];
	p0 =	slt.u32 s18, $0x780;
	[tilespmem:s13+$0xFFFFFFD0] =	vst v10;
	v3 =	vsub.f32 v3, v8  }
0x4e: {  	v8 =	vld [tilespmem:s19+$0xFFFFFFE0];
	[tilespmem:s13+$0xFFFFFFE0] =	vst v4;
	v2 =	vsub.f32 v2, v6  }
0x4f: {  	v6 =	vld [tilespmem:s19+$0xFFFFFFF0];
	[tilespmem:s13+$0xFFFFFFF0] =	vst v3;
	v0 =	vsub.f32 v0, v5  }
0x50: {  	v5 =	vld [tilespmem:s19+$0x0];
	[tilespmem:s13+$0x0] =	vst v2;
	v1 =	vsub.f32 v1, v7  }
0x51: {  	v7 =	vld [tilespmem:s19+$0x10];
	[tilespmem:s13+$0x10] =	vst v0  }
0x52: {  	v10 =	vld [tilespmem:s19+$0x20];
	[tilespmem:s13+$0x20] =	vst v1  }
0x53: {  	v1 =	vld [tilespmem:s19+$0xFFFFFFC0]  }
0x54: {  	s15 =	sadd.s32 $0x80, s15;
	v11 =	vld.idx.msk [tilespmem:v12+s6+$0x0], $0xffff  }
0x55: {  	v12 =	vld [tilespmem:s15+$0x30]  }
0x56: {  	v13 =	vld.idx.msk [tilespmem:v9+s6+$0x0], $0xffff  }
0x57: {  	v4 =	vld.idx.msk [tilespmem:v8+s6+$0x0], $0xffff  }
0x58: {  	v3 =	vld.idx.msk [tilespmem:v6+s6+$0x0], $0xffff  }
0x59: {  	v2 =	vld.idx.msk [tilespmem:v5+s6+$0x0], $0xffff  }
0x5a: {  	v0 =	vld.idx.msk [tilespmem:v7+s6+$0x0], $0xffff;
	v5 =	vsub.f32 v11, v12  }
0x5b: {  	s13 =	sadd.s32 $0x80, s13;
	v7 =	vld.idx.msk [tilespmem:v1+s6+$0x0], $0xffff  }
0x5c: {  	v1 =	vld.idx.msk [tilespmem:v10+s6+$0x0], $0xffff;
	[tilespmem:s13+$0x30] =	vst v5  }
0x5d: {  	v5 =	vld [tilespmem:s15+$0xFFFFFFC0]  }
0x5e: {  	v10 =	vld [tilespmem:s15+$0xFFFFFFD0]  }
.Ltmp0:
0x5f: {  	v9 =	vld [tilespmem:s15+$0xFFFFFFE0];
	(pc) =	sbr.rel @p0 .LBB2_3-.Ltmp0, $4  }
0x60: {  	v8 =	vld [tilespmem:s15+$0xFFFFFFF0]  }
0x61: {  	v6 =	vld [tilespmem:s15+$0x0]  }
0x62: {  	v11 =	vsub.f32 v7, v5;
	v5 =	vld [tilespmem:s15+$0x10]  }
0x63: {  	s19 =	sadd.s32 $0x80, s19;
	v10 =	vsub.f32 v13, v10;
	v7 =	vld [tilespmem:s15+$0x20]  }
0x64: {  	[tilespmem:s13+$0xFFFFFFC0] =	vst v11;
	v4 =	vsub.f32 v4, v9;
	s14 =	sadd.s32 $0x1, s14  }
0x65: {  	[tilespmem:s13+$0xFFFFFFD0] =	vst v10;
	v3 =	vsub.f32 v3, v8;
	p0 =	sne.s32 s14, $0x14  }
.Ltmp1:
0x66: {  	[tilespmem:s13+$0xFFFFFFE0] =	vst v4;
	v2 =	vsub.f32 v2, v6;
	(pc) =	sbr.rel @p0 .LBB2_2-.Ltmp1, $4  }
0x67: {  	[tilespmem:s13+$0xFFFFFFF0] =	vst v3;
	v0 =	vsub.f32 v0, v5  }
0x68: {  	[tilespmem:s13+$0x0] =	vst v2;
	v1 =	vsub.f32 v1, v7  }
0x69: {  	[tilespmem:s13+$0x10] =	vst v0  }
0x6a: {  	s12 =	sadd.s32 $0x800, s12;
	s17 =	sadd.s32 $0x800, s17;
	[tilespmem:s13+$0x20] =	vst v1  }
0x6b: {  	s12 =	simm.s32 $0x0;
	s13 =	rddreg [dreg:$0x12]  }
0x6c: {  	[hbm4b:s13+s12] =	stream.linear.scatter [tilespmem:s7], [sflag:$0x1], $0xA000, $0x38;
	[tilespmem:$0x1E800] =	vst v63  }
0x6d: {  	s19 =	rddreg [dreg:$0x3]  }
0x6e: {  	[tilespmem:s6], [sflag:$0x3] =	stream.linear.gather [hbm4b:s19+s12], $0x800, $0x38;
	[tilespmem:$0x1E800] =	vst v63  }
0x6f: {  	_ =	swait.ge [sflag:s5], $0x800  }
0x70: {  	[sflag:s5] =	ssyncset.done $0x0  }
0x71: {  	s14 =	simm.s32 $0x14840;
	s13 =	simm.s32 $0x40;
	[sflag:s5] =	ssyncadd.s32 $0xFFFFF800  }
.LBB2_6:
0x72: {  	v0 =	vld [tilespmem:s13+$0x30]  }
0x73: {  	v1 =	vld [tilespmem:s13+$0xFFFFFFD0]  }
0x74: {  	v2 =	vld [tilespmem:s13+$0xFFFFFFE0]  }
0x75: {  	v3 =	vld [tilespmem:s13+$0xFFFFFFF0]  }
0x76: {  	v5 =	vld [tilespmem:s13+$0x0]  }
0x77: {  	v6 =	vld [tilespmem:s13+$0x10]  }
0x78: {  	v7 =	vld [tilespmem:s13+$0x20]  }
0x79: {  	v8 =	vld [tilespmem:s13+$0xFFFFFFC0];
	s15 =	simm.s32 $0xA040  }
0x7a: {  	v11 =	vld [tilespmem:s15+$0x30]  }
0x7b: {  	v14 =	vld [tilespmem:s15+$0xFFFFFFD0]  }
0x7c: {  	v9 =	vld [tilespmem:s15+$0xFFFFFFE0]  }
0x7d: {  	v10 =	vld.idx.msk [tilespmem:v0+s6+$0x0], $0xffff  }
0x7e: {  	v12 =	vld.idx.msk [tilespmem:v1+s6+$0x0], $0xffff  }
0x7f: {  	v4 =	vld.idx.msk [tilespmem:v2+s6+$0x0], $0xffff  }
0x80: {  	v3 =	vld.idx.msk [tilespmem:v3+s6+$0x0], $0xffff  }
0x81: {  	v13 =	vld.idx.msk [tilespmem:v8+s6+$0x0], $0xffff  }
0x82: {  	v1 =	vld.idx.msk [tilespmem:v7+s6+$0x0], $0xffff  }
0x83: {  	v7 =	vld [tilespmem:s15+$0xFFFFFFC0]  }
0x84: {  	v2 =	vld.idx.msk [tilespmem:v5+s6+$0x0], $0xffff  }
0x85: {  	v0 =	vld.idx.msk [tilespmem:v6+s6+$0x0], $0xffff  }
0x86: {  	v8 =	vld [tilespmem:s15+$0xFFFFFFF0]  }
0x87: {  	v6 =	vld [tilespmem:s15+$0x0];
	v10 =	vsub.f32 v10, v11  }
0x88: {  	v5 =	vld [tilespmem:s15+$0x10];
	v11 =	vsub.f32 v13, v7  }
0x89: {  	s18 =	simm.s32 $0x0;
	s19 =	sadd.s32 $0x80, s13;
	s17 =	smov.u32 s14;
	v7 =	vld [tilespmem:s15+$0x20];
	[tilespmem:s14+$0x30] =	vst v10;
	v10 =	vsub.f32 v12, v14  }
.LBB2_7:
0x8a: {  	v12 =	vld [tilespmem:s19+$0x30];
	s18 =	sadd.s32 $0x80, s18;
	[tilespmem:s17+$0xFFFFFFC0] =	vst v11;
	v4 =	vsub.f32 v4, v9  }
0x8b: {  	v9 =	vld [tilespmem:s19+$0xFFFFFFD0];
	p0 =	slt.u32 s18, $0x780;
	[tilespmem:s17+$0xFFFFFFD0] =	vst v10;
	v3 =	vsub.f32 v3, v8  }
0x8c: {  	v8 =	vld [tilespmem:s19+$0xFFFFFFE0];
	[tilespmem:s17+$0xFFFFFFE0] =	vst v4;
	v2 =	vsub.f32 v2, v6  }
0x8d: {  	v6 =	vld [tilespmem:s19+$0xFFFFFFF0];
	[tilespmem:s17+$0xFFFFFFF0] =	vst v3;
	v0 =	vsub.f32 v0, v5  }
0x8e: {  	v5 =	vld [tilespmem:s19+$0x0];
	[tilespmem:s17+$0x0] =	vst v2;
	v1 =	vsub.f32 v1, v7  }
0x8f: {  	v7 =	vld [tilespmem:s19+$0x10];
	[tilespmem:s17+$0x10] =	vst v0  }
0x90: {  	v10 =	vld [tilespmem:s19+$0x20];
	[tilespmem:s17+$0x20] =	vst v1  }
0x91: {  	v1 =	vld [tilespmem:s19+$0xFFFFFFC0]  }
0x92: {  	s15 =	sadd.s32 $0x80, s15;
	v11 =	vld.idx.msk [tilespmem:v12+s6+$0x0], $0xffff  }
0x93: {  	v12 =	vld [tilespmem:s15+$0x30]  }
0x94: {  	v13 =	vld.idx.msk [tilespmem:v9+s6+$0x0], $0xffff  }
0x95: {  	v4 =	vld.idx.msk [tilespmem:v8+s6+$0x0], $0xffff  }
0x96: {  	v3 =	vld.idx.msk [tilespmem:v6+s6+$0x0], $0xffff  }
0x97: {  	v2 =	vld.idx.msk [tilespmem:v5+s6+$0x0], $0xffff  }
0x98: {  	v0 =	vld.idx.msk [tilespmem:v7+s6+$0x0], $0xffff;
	v5 =	vsub.f32 v11, v12  }
0x99: {  	s17 =	sadd.s32 $0x80, s17;
	v7 =	vld.idx.msk [tilespmem:v1+s6+$0x0], $0xffff  }
0x9a: {  	v1 =	vld.idx.msk [tilespmem:v10+s6+$0x0], $0xffff;
	[tilespmem:s17+$0x30] =	vst v5  }
0x9b: {  	v5 =	vld [tilespmem:s15+$0xFFFFFFC0]  }
0x9c: {  	v10 =	vld [tilespmem:s15+$0xFFFFFFD0]  }
.Ltmp2:
0x9d: {  	v9 =	vld [tilespmem:s15+$0xFFFFFFE0];
	(pc) =	sbr.rel @p0 .LBB2_7-.Ltmp2, $4  }
0x9e: {  	v8 =	vld [tilespmem:s15+$0xFFFFFFF0]  }
0x9f: {  	v6 =	vld [tilespmem:s15+$0x0]  }
0xa0: {  	v11 =	vsub.f32 v7, v5;
	v5 =	vld [tilespmem:s15+$0x10]  }
0xa1: {  	s19 =	sadd.s32 $0x80, s19;
	v10 =	vsub.f32 v13, v10;
	v7 =	vld [tilespmem:s15+$0x20]  }
0xa2: {  	[tilespmem:s17+$0xFFFFFFC0] =	vst v11;
	v4 =	vsub.f32 v4, v9;
	s12 =	sadd.s32 $0x1, s12  }
0xa3: {  	[tilespmem:s17+$0xFFFFFFD0] =	vst v10;
	v3 =	vsub.f32 v3, v8;
	p0 =	sne.s32 s12, $0x14  }
.Ltmp3:
0xa4: {  	[tilespmem:s17+$0xFFFFFFE0] =	vst v4;
	v2 =	vsub.f32 v2, v6;
	(pc) =	sbr.rel @p0 .LBB2_6-.Ltmp3, $4  }
0xa5: {  	[tilespmem:s17+$0xFFFFFFF0] =	vst v3;
	v0 =	vsub.f32 v0, v5  }
0xa6: {  	[tilespmem:s17+$0x0] =	vst v2;
	v1 =	vsub.f32 v1, v7  }
0xa7: {  	[tilespmem:s17+$0x10] =	vst v0  }
0xa8: {  	s13 =	sadd.s32 $0x800, s13;
	s14 =	sadd.s32 $0x800, s14;
	[tilespmem:s17+$0x20] =	vst v1  }
0xa9: {  	s12 =	simm.s32 $0x0;
	s13 =	rddreg [dreg:$0x13]  }
0xaa: {  	[hbm4b:s13+s12] =	stream.linear.scatter [tilespmem:s8], [sflag:$0x2], $0xA000, $0x38;
	[tilespmem:$0x1E800] =	vst v63  }
0xab: {  	s19 =	rddreg [dreg:$0x4]  }
0xac: {  	[tilespmem:s6], [sflag:$0x3] =	stream.linear.gather [hbm4b:s19+s12], $0x800, $0x38;
	[tilespmem:$0x1E800] =	vst v63  }
0xad: {  	_ =	swait.ge [sflag:s5], $0x800  }
0xae: {  	[sflag:s5] =	ssyncset.done $0x0  }
0xaf: {  	[sflag:s5] =	ssyncadd.s32 $0xFFFFF800  }
0xb0: {  	_ =	swait.ge [sflag:s9], $0xA000  }
0xb1: {  	[sflag:s9] =	ssyncset.done $0x0  }
0xb2: {  	s14 =	simm.s32 $0xA840;
	s13 =	simm.s32 $0x40;
	[sflag:s9] =	ssyncadd.s32 $0xFFFF6000  }
.LBB2_10:
0xb3: {  	v0 =	vld [tilespmem:s13+$0x30]  }
0xb4: {  	v1 =	vld [tilespmem:s13+$0xFFFFFFD0]  }
0xb5: {  	v2 =	vld [tilespmem:s13+$0xFFFFFFE0]  }
0xb6: {  	v3 =	vld [tilespmem:s13+$0xFFFFFFF0]  }
0xb7: {  	v5 =	vld [tilespmem:s13+$0x0]  }
0xb8: {  	v6 =	vld [tilespmem:s13+$0x10]  }
0xb9: {  	v7 =	vld [tilespmem:s13+$0x20]  }
0xba: {  	v8 =	vld [tilespmem:s13+$0xFFFFFFC0];
	s15 =	simm.s32 $0xA040  }
0xbb: {  	v11 =	vld [tilespmem:s15+$0x30]  }
0xbc: {  	v14 =	vld [tilespmem:s15+$0xFFFFFFD0]  }
0xbd: {  	v9 =	vld [tilespmem:s15+$0xFFFFFFE0]  }
0xbe: {  	v10 =	vld.idx.msk [tilespmem:v0+s6+$0x0], $0xffff  }
0xbf: {  	v12 =	vld.idx.msk [tilespmem:v1+s6+$0x0], $0xffff  }
0xc0: {  	v4 =	vld.idx.msk [tilespmem:v2+s6+$0x0], $0xffff  }
0xc1: {  	v3 =	vld.idx.msk [tilespmem:v3+s6+$0x0], $0xffff  }
0xc2: {  	v13 =	vld.idx.msk [tilespmem:v8+s6+$0x0], $0xffff  }
0xc3: {  	v1 =	vld.idx.msk [tilespmem:v7+s6+$0x0], $0xffff  }
0xc4: {  	v7 =	vld [tilespmem:s15+$0xFFFFFFC0]  }
0xc5: {  	v2 =	vld.idx.msk [tilespmem:v5+s6+$0x0], $0xffff  }
0xc6: {  	v0 =	vld.idx.msk [tilespmem:v6+s6+$0x0], $0xffff  }
0xc7: {  	v8 =	vld [tilespmem:s15+$0xFFFFFFF0]  }
0xc8: {  	v6 =	vld [tilespmem:s15+$0x0];
	v10 =	vsub.f32 v10, v11  }
0xc9: {  	v5 =	vld [tilespmem:s15+$0x10];
	v11 =	vsub.f32 v13, v7  }
0xca: {  	s18 =	simm.s32 $0x0;
	s19 =	sadd.s32 $0x80, s13;
	s17 =	smov.u32 s14;
	v7 =	vld [tilespmem:s15+$0x20];
	[tilespmem:s14+$0x30] =	vst v10;
	v10 =	vsub.f32 v12, v14  }
.LBB2_11:
0xcb: {  	v12 =	vld [tilespmem:s19+$0x30];
	s18 =	sadd.s32 $0x80, s18;
	[tilespmem:s17+$0xFFFFFFC0] =	vst v11;
	v4 =	vsub.f32 v4, v9  }
0xcc: {  	v9 =	vld [tilespmem:s19+$0xFFFFFFD0];
	p0 =	slt.u32 s18, $0x780;
	[tilespmem:s17+$0xFFFFFFD0] =	vst v10;
	v3 =	vsub.f32 v3, v8  }
0xcd: {  	v8 =	vld [tilespmem:s19+$0xFFFFFFE0];
	[tilespmem:s17+$0xFFFFFFE0] =	vst v4;
	v2 =	vsub.f32 v2, v6  }
0xce: {  	v6 =	vld [tilespmem:s19+$0xFFFFFFF0];
	[tilespmem:s17+$0xFFFFFFF0] =	vst v3;
	v0 =	vsub.f32 v0, v5  }
0xcf: {  	v5 =	vld [tilespmem:s19+$0x0];
	[tilespmem:s17+$0x0] =	vst v2;
	v1 =	vsub.f32 v1, v7  }
0xd0: {  	v7 =	vld [tilespmem:s19+$0x10];
	[tilespmem:s17+$0x10] =	vst v0  }
0xd1: {  	v10 =	vld [tilespmem:s19+$0x20];
	[tilespmem:s17+$0x20] =	vst v1  }
0xd2: {  	v1 =	vld [tilespmem:s19+$0xFFFFFFC0]  }
0xd3: {  	s15 =	sadd.s32 $0x80, s15;
	v11 =	vld.idx.msk [tilespmem:v12+s6+$0x0], $0xffff  }
0xd4: {  	v12 =	vld [tilespmem:s15+$0x30]  }
0xd5: {  	v13 =	vld.idx.msk [tilespmem:v9+s6+$0x0], $0xffff  }
0xd6: {  	v4 =	vld.idx.msk [tilespmem:v8+s6+$0x0], $0xffff  }
0xd7: {  	v3 =	vld.idx.msk [tilespmem:v6+s6+$0x0], $0xffff  }
0xd8: {  	v2 =	vld.idx.msk [tilespmem:v5+s6+$0x0], $0xffff  }
0xd9: {  	v0 =	vld.idx.msk [tilespmem:v7+s6+$0x0], $0xffff;
	v5 =	vsub.f32 v11, v12  }
0xda: {  	s17 =	sadd.s32 $0x80, s17;
	v7 =	vld.idx.msk [tilespmem:v1+s6+$0x0], $0xffff  }
0xdb: {  	v1 =	vld.idx.msk [tilespmem:v10+s6+$0x0], $0xffff;
	[tilespmem:s17+$0x30] =	vst v5  }
0xdc: {  	v5 =	vld [tilespmem:s15+$0xFFFFFFC0]  }
0xdd: {  	v10 =	vld [tilespmem:s15+$0xFFFFFFD0]  }
.Ltmp4:
0xde: {  	v9 =	vld [tilespmem:s15+$0xFFFFFFE0];
	(pc) =	sbr.rel @p0 .LBB2_11-.Ltmp4, $4  }
0xdf: {  	v8 =	vld [tilespmem:s15+$0xFFFFFFF0]  }
0xe0: {  	v6 =	vld [tilespmem:s15+$0x0]  }
0xe1: {  	v11 =	vsub.f32 v7, v5;
	v5 =	vld [tilespmem:s15+$0x10]  }
0xe2: {  	s19 =	sadd.s32 $0x80, s19;
	v10 =	vsub.f32 v13, v10;
	v7 =	vld [tilespmem:s15+$0x20]  }
0xe3: {  	[tilespmem:s17+$0xFFFFFFC0] =	vst v11;
	v4 =	vsub.f32 v4, v9;
	s12 =	sadd.s32 $0x1, s12  }
0xe4: {  	[tilespmem:s17+$0xFFFFFFD0] =	vst v10;
	v3 =	vsub.f32 v3, v8;
	p0 =	sne.s32 s12, $0x14  }
.Ltmp5:
0xe5: {  	[tilespmem:s17+$0xFFFFFFE0] =	vst v4;
	v2 =	vsub.f32 v2, v6;
	(pc) =	sbr.rel @p0 .LBB2_10-.Ltmp5, $4  }
0xe6: {  	[tilespmem:s17+$0xFFFFFFF0] =	vst v3;
	v0 =	vsub.f32 v0, v5  }
0xe7: {  	[tilespmem:s17+$0x0] =	vst v2;
	v1 =	vsub.f32 v1, v7  }
0xe8: {  	[tilespmem:s17+$0x10] =	vst v0  }
0xe9: {  	s13 =	sadd.s32 $0x800, s13;
	s14 =	sadd.s32 $0x800, s14;
	[tilespmem:s17+$0x20] =	vst v1  }
0xea: {  	s12 =	simm.s32 $0x0  }
0xeb: {  	[hbm4b:s20+s12] =	stream.linear.scatter [tilespmem:s7], [sflag:$0x1], $0xA000, $0x38;
	[tilespmem:$0x1E800] =	vst v63  }
0xec: {  	s13 =	rddreg [dreg:$0x5]  }
0xed: {  	[tilespmem:s6], [sflag:$0x3] =	stream.linear.gather [hbm4b:s13+s12], $0x800, $0x38;
	[tilespmem:$0x1E800] =	vst v63  }
0xee: {  	_ =	swait.ge [sflag:s5], $0x800  }
0xef: {  	[sflag:s5] =	ssyncset.done $0x0  }
0xf0: {  	[sflag:s5] =	ssyncadd.s32 $0xFFFFF800  }
0xf1: {  	_ =	swait.ge [sflag:s10], $0xA000  }
0xf2: {  	[sflag:s10] =	ssyncset.done $0x0  }
0xf3: {  	s14 =	simm.s32 $0x14840;
	s13 =	simm.s32 $0x40;
	[sflag:s10] =	ssyncadd.s32 $0xFFFF6000  }
.LBB2_14:
0xf4: {  	v0 =	vld [tilespmem:s13+$0x30]  }
0xf5: {  	v1 =	vld [tilespmem:s13+$0xFFFFFFD0]  }
0xf6: {  	v2 =	vld [tilespmem:s13+$0xFFFFFFE0]  }
0xf7: {  	v3 =	vld [tilespmem:s13+$0xFFFFFFF0]  }
0xf8: {  	v5 =	vld [tilespmem:s13+$0x0]  }
0xf9: {  	v6 =	vld [tilespmem:s13+$0x10]  }
0xfa: {  	v7 =	vld [tilespmem:s13+$0x20]  }
0xfb: {  	v8 =	vld [tilespmem:s13+$0xFFFFFFC0];
	s15 =	simm.s32 $0xA040  }
0xfc: {  	v11 =	vld [tilespmem:s15+$0x30]  }
0xfd: {  	v14 =	vld [tilespmem:s15+$0xFFFFFFD0]  }
0xfe: {  	v9 =	vld [tilespmem:s15+$0xFFFFFFE0]  }
0xff: {  	v10 =	vld.idx.msk [tilespmem:v0+s6+$0x0], $0xffff  }
0x100: {  	v12 =	vld.idx.msk [tilespmem:v1+s6+$0x0], $0xffff  }
0x101: {  	v4 =	vld.idx.msk [tilespmem:v2+s6+$0x0], $0xffff  }
0x102: {  	v3 =	vld.idx.msk [tilespmem:v3+s6+$0x0], $0xffff  }
0x103: {  	v13 =	vld.idx.msk [tilespmem:v8+s6+$0x0], $0xffff  }
0x104: {  	v1 =	vld.idx.msk [tilespmem:v7+s6+$0x0], $0xffff  }
0x105: {  	v7 =	vld [tilespmem:s15+$0xFFFFFFC0]  }
0x106: {  	v2 =	vld.idx.msk [tilespmem:v5+s6+$0x0], $0xffff  }
0x107: {  	v0 =	vld.idx.msk [tilespmem:v6+s6+$0x0], $0xffff  }
0x108: {  	v8 =	vld [tilespmem:s15+$0xFFFFFFF0]  }
0x109: {  	v6 =	vld [tilespmem:s15+$0x0];
	v10 =	vsub.f32 v10, v11  }
0x10a: {  	v5 =	vld [tilespmem:s15+$0x10];
	v11 =	vsub.f32 v13, v7  }
0x10b: {  	s18 =	simm.s32 $0x0;
	s19 =	sadd.s32 $0x80, s13;
	s17 =	smov.u32 s14;
	v7 =	vld [tilespmem:s15+$0x20];
	[tilespmem:s14+$0x30] =	vst v10;
	v10 =	vsub.f32 v12, v14  }
.LBB2_15:
0x10c: {  	v12 =	vld [tilespmem:s19+$0x30];
	s18 =	sadd.s32 $0x80, s18;
	[tilespmem:s17+$0xFFFFFFC0] =	vst v11;
	v4 =	vsub.f32 v4, v9  }
0x10d: {  	v9 =	vld [tilespmem:s19+$0xFFFFFFD0];
	p0 =	slt.u32 s18, $0x780;
	[tilespmem:s17+$0xFFFFFFD0] =	vst v10;
	v3 =	vsub.f32 v3, v8  }
0x10e: {  	v8 =	vld [tilespmem:s19+$0xFFFFFFE0];
	[tilespmem:s17+$0xFFFFFFE0] =	vst v4;
	v2 =	vsub.f32 v2, v6  }
0x10f: {  	v6 =	vld [tilespmem:s19+$0xFFFFFFF0];
	[tilespmem:s17+$0xFFFFFFF0] =	vst v3;
	v0 =	vsub.f32 v0, v5  }
0x110: {  	v5 =	vld [tilespmem:s19+$0x0];
	[tilespmem:s17+$0x0] =	vst v2;
	v1 =	vsub.f32 v1, v7  }
0x111: {  	v7 =	vld [tilespmem:s19+$0x10];
	[tilespmem:s17+$0x10] =	vst v0  }
0x112: {  	v10 =	vld [tilespmem:s19+$0x20];
	[tilespmem:s17+$0x20] =	vst v1  }
0x113: {  	v1 =	vld [tilespmem:s19+$0xFFFFFFC0]  }
0x114: {  	s15 =	sadd.s32 $0x80, s15;
	v11 =	vld.idx.msk [tilespmem:v12+s6+$0x0], $0xffff  }
0x115: {  	v12 =	vld [tilespmem:s15+$0x30]  }
0x116: {  	v13 =	vld.idx.msk [tilespmem:v9+s6+$0x0], $0xffff  }
0x117: {  	v4 =	vld.idx.msk [tilespmem:v8+s6+$0x0], $0xffff  }
0x118: {  	v3 =	vld.idx.msk [tilespmem:v6+s6+$0x0], $0xffff  }
0x119: {  	v2 =	vld.idx.msk [tilespmem:v5+s6+$0x0], $0xffff  }
0x11a: {  	v0 =	vld.idx.msk [tilespmem:v7+s6+$0x0], $0xffff;
	v5 =	vsub.f32 v11, v12  }
0x11b: {  	s17 =	sadd.s32 $0x80, s17;
	v7 =	vld.idx.msk [tilespmem:v1+s6+$0x0], $0xffff  }
0x11c: {  	v1 =	vld.idx.msk [tilespmem:v10+s6+$0x0], $0xffff;
	[tilespmem:s17+$0x30] =	vst v5  }
0x11d: {  	v5 =	vld [tilespmem:s15+$0xFFFFFFC0]  }
0x11e: {  	v10 =	vld [tilespmem:s15+$0xFFFFFFD0]  }
.Ltmp6:
0x11f: {  	v9 =	vld [tilespmem:s15+$0xFFFFFFE0];
	(pc) =	sbr.rel @p0 .LBB2_15-.Ltmp6, $4  }
0x120: {  	v8 =	vld [tilespmem:s15+$0xFFFFFFF0]  }
0x121: {  	v6 =	vld [tilespmem:s15+$0x0]  }
0x122: {  	v11 =	vsub.f32 v7, v5;
	v5 =	vld [tilespmem:s15+$0x10]  }
0x123: {  	s19 =	sadd.s32 $0x80, s19;
	v10 =	vsub.f32 v13, v10;
	v7 =	vld [tilespmem:s15+$0x20]  }
0x124: {  	[tilespmem:s17+$0xFFFFFFC0] =	vst v11;
	v4 =	vsub.f32 v4, v9;
	s12 =	sadd.s32 $0x1, s12  }
0x125: {  	[tilespmem:s17+$0xFFFFFFD0] =	vst v10;
	v3 =	vsub.f32 v3, v8;
	p0 =	sne.s32 s12, $0x14  }
.Ltmp7:
0x126: {  	[tilespmem:s17+$0xFFFFFFE0] =	vst v4;
	v2 =	vsub.f32 v2, v6;
	(pc) =	sbr.rel @p0 .LBB2_14-.Ltmp7, $4  }
0x127: {  	[tilespmem:s17+$0xFFFFFFF0] =	vst v3;
	v0 =	vsub.f32 v0, v5  }
0x128: {  	[tilespmem:s17+$0x0] =	vst v2;
	v1 =	vsub.f32 v1, v7  }
0x129: {  	[tilespmem:s17+$0x10] =	vst v0  }
0x12a: {  	s13 =	sadd.s32 $0x800, s13;
	s14 =	sadd.s32 $0x800, s14;
	[tilespmem:s17+$0x20] =	vst v1  }
0x12b: {  	s12 =	simm.s32 $0x0  }
0x12c: {  	[hbm4b:s21+s12] =	stream.linear.scatter [tilespmem:s8], [sflag:$0x2], $0xA000, $0x38;
	[tilespmem:$0x1E800] =	vst v63  }
0x12d: {  	s13 =	rddreg [dreg:$0x6]  }
0x12e: {  	[tilespmem:s6], [sflag:$0x3] =	stream.linear.gather [hbm4b:s13+s12], $0x800, $0x38;
	[tilespmem:$0x1E800] =	vst v63  }
0x12f: {  	_ =	swait.ge [sflag:s5], $0x800  }
0x130: {  	[sflag:s5] =	ssyncset.done $0x0  }
0x131: {  	[sflag:s5] =	ssyncadd.s32 $0xFFFFF800  }
0x132: {  	_ =	swait.ge [sflag:s9], $0xA000  }
0x133: {  	[sflag:s9] =	ssyncset.done $0x0  }
0x134: {  	s14 =	simm.s32 $0xA840;
	s13 =	simm.s32 $0x40;
	[sflag:s9] =	ssyncadd.s32 $0xFFFF6000  }
.LBB2_18:
0x135: {  	v0 =	vld [tilespmem:s13+$0x30]  }
0x136: {  	v1 =	vld [tilespmem:s13+$0xFFFFFFD0]  }
0x137: {  	v2 =	vld [tilespmem:s13+$0xFFFFFFE0]  }
0x138: {  	v3 =	vld [tilespmem:s13+$0xFFFFFFF0]  }
0x139: {  	v5 =	vld [tilespmem:s13+$0x0]  }
0x13a: {  	v6 =	vld [tilespmem:s13+$0x10]  }
0x13b: {  	v7 =	vld [tilespmem:s13+$0x20]  }
0x13c: {  	v8 =	vld [tilespmem:s13+$0xFFFFFFC0];
	s15 =	simm.s32 $0xA040  }
0x13d: {  	v11 =	vld [tilespmem:s15+$0x30]  }
0x13e: {  	v14 =	vld [tilespmem:s15+$0xFFFFFFD0]  }
0x13f: {  	v9 =	vld [tilespmem:s15+$0xFFFFFFE0]  }
0x140: {  	v10 =	vld.idx.msk [tilespmem:v0+s6+$0x0], $0xffff  }
0x141: {  	v12 =	vld.idx.msk [tilespmem:v1+s6+$0x0], $0xffff  }
0x142: {  	v4 =	vld.idx.msk [tilespmem:v2+s6+$0x0], $0xffff  }
0x143: {  	v3 =	vld.idx.msk [tilespmem:v3+s6+$0x0], $0xffff  }
0x144: {  	v13 =	vld.idx.msk [tilespmem:v8+s6+$0x0], $0xffff  }
0x145: {  	v1 =	vld.idx.msk [tilespmem:v7+s6+$0x0], $0xffff  }
0x146: {  	v7 =	vld [tilespmem:s15+$0xFFFFFFC0]  }
0x147: {  	v2 =	vld.idx.msk [tilespmem:v5+s6+$0x0], $0xffff  }
0x148: {  	v0 =	vld.idx.msk [tilespmem:v6+s6+$0x0], $0xffff  }
0x149: {  	v8 =	vld [tilespmem:s15+$0xFFFFFFF0]  }
0x14a: {  	v6 =	vld [tilespmem:s15+$0x0];
	v10 =	vsub.f32 v10, v11  }
0x14b: {  	v5 =	vld [tilespmem:s15+$0x10];
	v11 =	vsub.f32 v13, v7  }
0x14c: {  	s18 =	simm.s32 $0x0;
	s19 =	sadd.s32 $0x80, s13;
	s17 =	smov.u32 s14;
	v7 =	vld [tilespmem:s15+$0x20];
	[tilespmem:s14+$0x30] =	vst v10;
	v10 =	vsub.f32 v12, v14  }
.LBB2_19:
0x14d: {  	v12 =	vld [tilespmem:s19+$0x30];
	s18 =	sadd.s32 $0x80, s18;
	[tilespmem:s17+$0xFFFFFFC0] =	vst v11;
	v4 =	vsub.f32 v4, v9  }
0x14e: {  	v9 =	vld [tilespmem:s19+$0xFFFFFFD0];
	p0 =	slt.u32 s18, $0x780;
	[tilespmem:s17+$0xFFFFFFD0] =	vst v10;
	v3 =	vsub.f32 v3, v8  }
0x14f: {  	v8 =	vld [tilespmem:s19+$0xFFFFFFE0];
	[tilespmem:s17+$0xFFFFFFE0] =	vst v4;
	v2 =	vsub.f32 v2, v6  }
0x150: {  	v6 =	vld [tilespmem:s19+$0xFFFFFFF0];
	[tilespmem:s17+$0xFFFFFFF0] =	vst v3;
	v0 =	vsub.f32 v0, v5  }
0x151: {  	v5 =	vld [tilespmem:s19+$0x0];
	[tilespmem:s17+$0x0] =	vst v2;
	v1 =	vsub.f32 v1, v7  }
0x152: {  	v7 =	vld [tilespmem:s19+$0x10];
	[tilespmem:s17+$0x10] =	vst v0  }
0x153: {  	v10 =	vld [tilespmem:s19+$0x20];
	[tilespmem:s17+$0x20] =	vst v1  }
0x154: {  	v1 =	vld [tilespmem:s19+$0xFFFFFFC0]  }
0x155: {  	s15 =	sadd.s32 $0x80, s15;
	v11 =	vld.idx.msk [tilespmem:v12+s6+$0x0], $0xffff  }
0x156: {  	v12 =	vld [tilespmem:s15+$0x30]  }
0x157: {  	v13 =	vld.idx.msk [tilespmem:v9+s6+$0x0], $0xffff  }
0x158: {  	v4 =	vld.idx.msk [tilespmem:v8+s6+$0x0], $0xffff  }
0x159: {  	v3 =	vld.idx.msk [tilespmem:v6+s6+$0x0], $0xffff  }
0x15a: {  	v2 =	vld.idx.msk [tilespmem:v5+s6+$0x0], $0xffff  }
0x15b: {  	v0 =	vld.idx.msk [tilespmem:v7+s6+$0x0], $0xffff;
	v5 =	vsub.f32 v11, v12  }
0x15c: {  	s17 =	sadd.s32 $0x80, s17;
	v7 =	vld.idx.msk [tilespmem:v1+s6+$0x0], $0xffff  }
0x15d: {  	v1 =	vld.idx.msk [tilespmem:v10+s6+$0x0], $0xffff;
	[tilespmem:s17+$0x30] =	vst v5  }
0x15e: {  	v5 =	vld [tilespmem:s15+$0xFFFFFFC0]  }
0x15f: {  	v10 =	vld [tilespmem:s15+$0xFFFFFFD0]  }
.Ltmp8:
0x160: {  	v9 =	vld [tilespmem:s15+$0xFFFFFFE0];
	(pc) =	sbr.rel @p0 .LBB2_19-.Ltmp8, $4  }
0x161: {  	v8 =	vld [tilespmem:s15+$0xFFFFFFF0]  }
0x162: {  	v6 =	vld [tilespmem:s15+$0x0]  }
0x163: {  	v11 =	vsub.f32 v7, v5;
	v5 =	vld [tilespmem:s15+$0x10]  }
0x164: {  	s19 =	sadd.s32 $0x80, s19;
	v10 =	vsub.f32 v13, v10;
	v7 =	vld [tilespmem:s15+$0x20]  }
0x165: {  	[tilespmem:s17+$0xFFFFFFC0] =	vst v11;
	v4 =	vsub.f32 v4, v9;
	s12 =	sadd.s32 $0x1, s12  }
0x166: {  	[tilespmem:s17+$0xFFFFFFD0] =	vst v10;
	v3 =	vsub.f32 v3, v8;
	p0 =	sne.s32 s12, $0x14  }
.Ltmp9:
0x167: {  	[tilespmem:s17+$0xFFFFFFE0] =	vst v4;
	v2 =	vsub.f32 v2, v6;
	(pc) =	sbr.rel @p0 .LBB2_18-.Ltmp9, $4  }
0x168: {  	[tilespmem:s17+$0xFFFFFFF0] =	vst v3;
	v0 =	vsub.f32 v0, v5  }
0x169: {  	[tilespmem:s17+$0x0] =	vst v2;
	v1 =	vsub.f32 v1, v7  }
0x16a: {  	[tilespmem:s17+$0x10] =	vst v0  }
0x16b: {  	s13 =	sadd.s32 $0x800, s13;
	s14 =	sadd.s32 $0x800, s14;
	[tilespmem:s17+$0x20] =	vst v1  }
0x16c: {  	s12 =	simm.s32 $0x0  }
0x16d: {  	[hbm4b:s22+s12] =	stream.linear.scatter [tilespmem:s7], [sflag:$0x1], $0xA000, $0x38;
	[tilespmem:$0x1E800] =	vst v63  }
0x16e: {  	s13 =	rddreg [dreg:$0x7]  }
0x16f: {  	[tilespmem:s6], [sflag:$0x3] =	stream.linear.gather [hbm4b:s13+s12], $0x800, $0x38;
	[tilespmem:$0x1E800] =	vst v63  }
0x170: {  	_ =	swait.ge [sflag:s5], $0x800  }
0x171: {  	[sflag:s5] =	ssyncset.done $0x0  }
0x172: {  	[sflag:s5] =	ssyncadd.s32 $0xFFFFF800  }
0x173: {  	_ =	swait.ge [sflag:s10], $0xA000  }
0x174: {  	[sflag:s10] =	ssyncset.done $0x0  }
0x175: {  	s14 =	simm.s32 $0x14840;
	s13 =	simm.s32 $0x40;
	[sflag:s10] =	ssyncadd.s32 $0xFFFF6000  }
.LBB2_22:
0x176: {  	v0 =	vld [tilespmem:s13+$0x30]  }
0x177: {  	v1 =	vld [tilespmem:s13+$0xFFFFFFD0]  }
0x178: {  	v2 =	vld [tilespmem:s13+$0xFFFFFFE0]  }
0x179: {  	v3 =	vld [tilespmem:s13+$0xFFFFFFF0]  }
0x17a: {  	v5 =	vld [tilespmem:s13+$0x0]  }
0x17b: {  	v6 =	vld [tilespmem:s13+$0x10]  }
0x17c: {  	v7 =	vld [tilespmem:s13+$0x20]  }
0x17d: {  	v8 =	vld [tilespmem:s13+$0xFFFFFFC0];
	s15 =	simm.s32 $0xA040  }
0x17e: {  	v11 =	vld [tilespmem:s15+$0x30]  }
0x17f: {  	v14 =	vld [tilespmem:s15+$0xFFFFFFD0]  }
0x180: {  	v9 =	vld [tilespmem:s15+$0xFFFFFFE0]  }
0x181: {  	v10 =	vld.idx.msk [tilespmem:v0+s6+$0x0], $0xffff  }
0x182: {  	v12 =	vld.idx.msk [tilespmem:v1+s6+$0x0], $0xffff  }
0x183: {  	v4 =	vld.idx.msk [tilespmem:v2+s6+$0x0], $0xffff  }
0x184: {  	v3 =	vld.idx.msk [tilespmem:v3+s6+$0x0], $0xffff  }
0x185: {  	v13 =	vld.idx.msk [tilespmem:v8+s6+$0x0], $0xffff  }
0x186: {  	v1 =	vld.idx.msk [tilespmem:v7+s6+$0x0], $0xffff  }
0x187: {  	v7 =	vld [tilespmem:s15+$0xFFFFFFC0]  }
0x188: {  	v2 =	vld.idx.msk [tilespmem:v5+s6+$0x0], $0xffff  }
0x189: {  	v0 =	vld.idx.msk [tilespmem:v6+s6+$0x0], $0xffff  }
0x18a: {  	v8 =	vld [tilespmem:s15+$0xFFFFFFF0]  }
0x18b: {  	v6 =	vld [tilespmem:s15+$0x0];
	v10 =	vsub.f32 v10, v11  }
0x18c: {  	v5 =	vld [tilespmem:s15+$0x10];
	v11 =	vsub.f32 v13, v7  }
0x18d: {  	s18 =	simm.s32 $0x0;
	s19 =	sadd.s32 $0x80, s13;
	s17 =	smov.u32 s14;
	v7 =	vld [tilespmem:s15+$0x20];
	[tilespmem:s14+$0x30] =	vst v10;
	v10 =	vsub.f32 v12, v14  }
.LBB2_23:
0x18e: {  	v12 =	vld [tilespmem:s19+$0x30];
	s18 =	sadd.s32 $0x80, s18;
	[tilespmem:s17+$0xFFFFFFC0] =	vst v11;
	v4 =	vsub.f32 v4, v9  }
0x18f: {  	v9 =	vld [tilespmem:s19+$0xFFFFFFD0];
	p0 =	slt.u32 s18, $0x780;
	[tilespmem:s17+$0xFFFFFFD0] =	vst v10;
	v3 =	vsub.f32 v3, v8  }
0x190: {  	v8 =	vld [tilespmem:s19+$0xFFFFFFE0];
	[tilespmem:s17+$0xFFFFFFE0] =	vst v4;
	v2 =	vsub.f32 v2, v6  }
0x191: {  	v6 =	vld [tilespmem:s19+$0xFFFFFFF0];
	[tilespmem:s17+$0xFFFFFFF0] =	vst v3;
	v0 =	vsub.f32 v0, v5  }
0x192: {  	v5 =	vld [tilespmem:s19+$0x0];
	[tilespmem:s17+$0x0] =	vst v2;
	v1 =	vsub.f32 v1, v7  }
0x193: {  	v7 =	vld [tilespmem:s19+$0x10];
	[tilespmem:s17+$0x10] =	vst v0  }
0x194: {  	v10 =	vld [tilespmem:s19+$0x20];
	[tilespmem:s17+$0x20] =	vst v1  }
0x195: {  	v1 =	vld [tilespmem:s19+$0xFFFFFFC0]  }
0x196: {  	s15 =	sadd.s32 $0x80, s15;
	v11 =	vld.idx.msk [tilespmem:v12+s6+$0x0], $0xffff  }
0x197: {  	v12 =	vld [tilespmem:s15+$0x30]  }
0x198: {  	v13 =	vld.idx.msk [tilespmem:v9+s6+$0x0], $0xffff  }
0x199: {  	v4 =	vld.idx.msk [tilespmem:v8+s6+$0x0], $0xffff  }
0x19a: {  	v3 =	vld.idx.msk [tilespmem:v6+s6+$0x0], $0xffff  }
0x19b: {  	v2 =	vld.idx.msk [tilespmem:v5+s6+$0x0], $0xffff  }
0x19c: {  	v0 =	vld.idx.msk [tilespmem:v7+s6+$0x0], $0xffff;
	v5 =	vsub.f32 v11, v12  }
0x19d: {  	s17 =	sadd.s32 $0x80, s17;
	v7 =	vld.idx.msk [tilespmem:v1+s6+$0x0], $0xffff  }
0x19e: {  	v1 =	vld.idx.msk [tilespmem:v10+s6+$0x0], $0xffff;
	[tilespmem:s17+$0x30] =	vst v5  }
0x19f: {  	v5 =	vld [tilespmem:s15+$0xFFFFFFC0]  }
0x1a0: {  	v10 =	vld [tilespmem:s15+$0xFFFFFFD0]  }
.Ltmp10:
0x1a1: {  	v9 =	vld [tilespmem:s15+$0xFFFFFFE0];
	(pc) =	sbr.rel @p0 .LBB2_23-.Ltmp10, $4  }
0x1a2: {  	v8 =	vld [tilespmem:s15+$0xFFFFFFF0]  }
0x1a3: {  	v6 =	vld [tilespmem:s15+$0x0]  }
0x1a4: {  	v11 =	vsub.f32 v7, v5;
	v5 =	vld [tilespmem:s15+$0x10]  }
0x1a5: {  	s19 =	sadd.s32 $0x80, s19;
	v10 =	vsub.f32 v13, v10;
	v7 =	vld [tilespmem:s15+$0x20]  }
0x1a6: {  	[tilespmem:s17+$0xFFFFFFC0] =	vst v11;
	v4 =	vsub.f32 v4, v9;
	s12 =	sadd.s32 $0x1, s12  }
0x1a7: {  	[tilespmem:s17+$0xFFFFFFD0] =	vst v10;
	v3 =	vsub.f32 v3, v8;
	p0 =	sne.s32 s12, $0x14  }
.Ltmp11:
0x1a8: {  	[tilespmem:s17+$0xFFFFFFE0] =	vst v4;
	v2 =	vsub.f32 v2, v6;
	(pc) =	sbr.rel @p0 .LBB2_22-.Ltmp11, $4  }
0x1a9: {  	[tilespmem:s17+$0xFFFFFFF0] =	vst v3;
	v0 =	vsub.f32 v0, v5  }
0x1aa: {  	[tilespmem:s17+$0x0] =	vst v2;
	v1 =	vsub.f32 v1, v7  }
0x1ab: {  	[tilespmem:s17+$0x10] =	vst v0  }
0x1ac: {  	s13 =	sadd.s32 $0x800, s13;
	s14 =	sadd.s32 $0x800, s14;
	[tilespmem:s17+$0x20] =	vst v1  }
0x1ad: {  	s12 =	simm.s32 $0x0  }
0x1ae: {  	[hbm4b:s23+s12] =	stream.linear.scatter [tilespmem:s8], [sflag:$0x2], $0xA000, $0x38;
	[tilespmem:$0x1E800] =	vst v63  }
0x1af: {  	s13 =	rddreg [dreg:$0x8]  }
0x1b0: {  	[tilespmem:s6], [sflag:$0x3] =	stream.linear.gather [hbm4b:s13+s12], $0x800, $0x38;
	[tilespmem:$0x1E800] =	vst v63  }
0x1b1: {  	_ =	swait.ge [sflag:s5], $0x800  }
0x1b2: {  	[sflag:s5] =	ssyncset.done $0x0  }
0x1b3: {  	[sflag:s5] =	ssyncadd.s32 $0xFFFFF800  }
0x1b4: {  	_ =	swait.ge [sflag:s9], $0xA000  }
0x1b5: {  	[sflag:s9] =	ssyncset.done $0x0  }
0x1b6: {  	s14 =	simm.s32 $0xA840;
	s13 =	simm.s32 $0x40;
	[sflag:s9] =	ssyncadd.s32 $0xFFFF6000  }
.LBB2_26:
0x1b7: {  	v0 =	vld [tilespmem:s13+$0x30]  }
0x1b8: {  	v1 =	vld [tilespmem:s13+$0xFFFFFFD0]  }
0x1b9: {  	v2 =	vld [tilespmem:s13+$0xFFFFFFE0]  }
0x1ba: {  	v3 =	vld [tilespmem:s13+$0xFFFFFFF0]  }
0x1bb: {  	v5 =	vld [tilespmem:s13+$0x0]  }
0x1bc: {  	v6 =	vld [tilespmem:s13+$0x10]  }
0x1bd: {  	v7 =	vld [tilespmem:s13+$0x20]  }
0x1be: {  	v8 =	vld [tilespmem:s13+$0xFFFFFFC0];
	s15 =	simm.s32 $0xA040  }
0x1bf: {  	v11 =	vld [tilespmem:s15+$0x30]  }
0x1c0: {  	v14 =	vld [tilespmem:s15+$0xFFFFFFD0]  }
0x1c1: {  	v9 =	vld [tilespmem:s15+$0xFFFFFFE0]  }
0x1c2: {  	v10 =	vld.idx.msk [tilespmem:v0+s6+$0x0], $0xffff  }
0x1c3: {  	v12 =	vld.idx.msk [tilespmem:v1+s6+$0x0], $0xffff  }
0x1c4: {  	v4 =	vld.idx.msk [tilespmem:v2+s6+$0x0], $0xffff  }
0x1c5: {  	v3 =	vld.idx.msk [tilespmem:v3+s6+$0x0], $0xffff  }
0x1c6: {  	v13 =	vld.idx.msk [tilespmem:v8+s6+$0x0], $0xffff  }
0x1c7: {  	v1 =	vld.idx.msk [tilespmem:v7+s6+$0x0], $0xffff  }
0x1c8: {  	v7 =	vld [tilespmem:s15+$0xFFFFFFC0]  }
0x1c9: {  	v2 =	vld.idx.msk [tilespmem:v5+s6+$0x0], $0xffff  }
0x1ca: {  	v0 =	vld.idx.msk [tilespmem:v6+s6+$0x0], $0xffff  }
0x1cb: {  	v8 =	vld [tilespmem:s15+$0xFFFFFFF0]  }
0x1cc: {  	v6 =	vld [tilespmem:s15+$0x0];
	v10 =	vsub.f32 v10, v11  }
0x1cd: {  	v5 =	vld [tilespmem:s15+$0x10];
	v11 =	vsub.f32 v13, v7  }
0x1ce: {  	s18 =	simm.s32 $0x0;
	s19 =	sadd.s32 $0x80, s13;
	s17 =	smov.u32 s14;
	v7 =	vld [tilespmem:s15+$0x20];
	[tilespmem:s14+$0x30] =	vst v10;
	v10 =	vsub.f32 v12, v14  }
.LBB2_27:
0x1cf: {  	v12 =	vld [tilespmem:s19+$0x30];
	s18 =	sadd.s32 $0x80, s18;
	[tilespmem:s17+$0xFFFFFFC0] =	vst v11;
	v4 =	vsub.f32 v4, v9  }
0x1d0: {  	v9 =	vld [tilespmem:s19+$0xFFFFFFD0];
	p0 =	slt.u32 s18, $0x780;
	[tilespmem:s17+$0xFFFFFFD0] =	vst v10;
	v3 =	vsub.f32 v3, v8  }
0x1d1: {  	v8 =	vld [tilespmem:s19+$0xFFFFFFE0];
	[tilespmem:s17+$0xFFFFFFE0] =	vst v4;
	v2 =	vsub.f32 v2, v6  }
0x1d2: {  	v6 =	vld [tilespmem:s19+$0xFFFFFFF0];
	[tilespmem:s17+$0xFFFFFFF0] =	vst v3;
	v0 =	vsub.f32 v0, v5  }
0x1d3: {  	v5 =	vld [tilespmem:s19+$0x0];
	[tilespmem:s17+$0x0] =	vst v2;
	v1 =	vsub.f32 v1, v7  }
0x1d4: {  	v7 =	vld [tilespmem:s19+$0x10];
	[tilespmem:s17+$0x10] =	vst v0  }
0x1d5: {  	v10 =	vld [tilespmem:s19+$0x20];
	[tilespmem:s17+$0x20] =	vst v1  }
0x1d6: {  	v1 =	vld [tilespmem:s19+$0xFFFFFFC0]  }
0x1d7: {  	s15 =	sadd.s32 $0x80, s15;
	v11 =	vld.idx.msk [tilespmem:v12+s6+$0x0], $0xffff  }
0x1d8: {  	v12 =	vld [tilespmem:s15+$0x30]  }
0x1d9: {  	v13 =	vld.idx.msk [tilespmem:v9+s6+$0x0], $0xffff  }
0x1da: {  	v4 =	vld.idx.msk [tilespmem:v8+s6+$0x0], $0xffff  }
0x1db: {  	v3 =	vld.idx.msk [tilespmem:v6+s6+$0x0], $0xffff  }
0x1dc: {  	v2 =	vld.idx.msk [tilespmem:v5+s6+$0x0], $0xffff  }
0x1dd: {  	v0 =	vld.idx.msk [tilespmem:v7+s6+$0x0], $0xffff;
	v5 =	vsub.f32 v11, v12  }
0x1de: {  	s17 =	sadd.s32 $0x80, s17;
	v7 =	vld.idx.msk [tilespmem:v1+s6+$0x0], $0xffff  }
0x1df: {  	v1 =	vld.idx.msk [tilespmem:v10+s6+$0x0], $0xffff;
	[tilespmem:s17+$0x30] =	vst v5  }
0x1e0: {  	v5 =	vld [tilespmem:s15+$0xFFFFFFC0]  }
0x1e1: {  	v10 =	vld [tilespmem:s15+$0xFFFFFFD0]  }
.Ltmp12:
0x1e2: {  	v9 =	vld [tilespmem:s15+$0xFFFFFFE0];
	(pc) =	sbr.rel @p0 .LBB2_27-.Ltmp12, $4  }
0x1e3: {  	v8 =	vld [tilespmem:s15+$0xFFFFFFF0]  }
0x1e4: {  	v6 =	vld [tilespmem:s15+$0x0]  }
0x1e5: {  	v11 =	vsub.f32 v7, v5;
	v5 =	vld [tilespmem:s15+$0x10]  }
0x1e6: {  	s19 =	sadd.s32 $0x80, s19;
	v10 =	vsub.f32 v13, v10;
	v7 =	vld [tilespmem:s15+$0x20]  }
0x1e7: {  	[tilespmem:s17+$0xFFFFFFC0] =	vst v11;
	v4 =	vsub.f32 v4, v9;
	s12 =	sadd.s32 $0x1, s12  }
0x1e8: {  	[tilespmem:s17+$0xFFFFFFD0] =	vst v10;
	v3 =	vsub.f32 v3, v8;
	p0 =	sne.s32 s12, $0x14  }
.Ltmp13:
0x1e9: {  	[tilespmem:s17+$0xFFFFFFE0] =	vst v4;
	v2 =	vsub.f32 v2, v6;
	(pc) =	sbr.rel @p0 .LBB2_26-.Ltmp13, $4  }
0x1ea: {  	[tilespmem:s17+$0xFFFFFFF0] =	vst v3;
	v0 =	vsub.f32 v0, v5  }
0x1eb: {  	[tilespmem:s17+$0x0] =	vst v2;
	v1 =	vsub.f32 v1, v7  }
0x1ec: {  	[tilespmem:s17+$0x10] =	vst v0  }
0x1ed: {  	s13 =	sadd.s32 $0x800, s13;
	s14 =	sadd.s32 $0x800, s14;
	[tilespmem:s17+$0x20] =	vst v1  }
0x1ee: {  	s12 =	simm.s32 $0x0  }
0x1ef: {  	[hbm4b:s24+s12] =	stream.linear.scatter [tilespmem:s7], [sflag:$0x1], $0xA000, $0x38;
	[tilespmem:$0x1E800] =	vst v63  }
0x1f0: {  	s13 =	rddreg [dreg:$0x9]  }
0x1f1: {  	[tilespmem:s6], [sflag:$0x3] =	stream.linear.gather [hbm4b:s13+s12], $0x800, $0x38;
	[tilespmem:$0x1E800] =	vst v63  }
0x1f2: {  	_ =	swait.ge [sflag:s5], $0x800  }
0x1f3: {  	[sflag:s5] =	ssyncset.done $0x0  }
0x1f4: {  	[sflag:s5] =	ssyncadd.s32 $0xFFFFF800  }
0x1f5: {  	_ =	swait.ge [sflag:s10], $0xA000  }
0x1f6: {  	[sflag:s10] =	ssyncset.done $0x0  }
0x1f7: {  	s14 =	simm.s32 $0x14840;
	s13 =	simm.s32 $0x40;
	[sflag:s10] =	ssyncadd.s32 $0xFFFF6000  }
.LBB2_30:
0x1f8: {  	v0 =	vld [tilespmem:s13+$0x30]  }
0x1f9: {  	v1 =	vld [tilespmem:s13+$0xFFFFFFD0]  }
0x1fa: {  	v2 =	vld [tilespmem:s13+$0xFFFFFFE0]  }
0x1fb: {  	v3 =	vld [tilespmem:s13+$0xFFFFFFF0]  }
0x1fc: {  	v5 =	vld [tilespmem:s13+$0x0]  }
0x1fd: {  	v6 =	vld [tilespmem:s13+$0x10]  }
0x1fe: {  	v7 =	vld [tilespmem:s13+$0x20]  }
0x1ff: {  	v8 =	vld [tilespmem:s13+$0xFFFFFFC0];
	s15 =	simm.s32 $0xA040  }
0x200: {  	v11 =	vld [tilespmem:s15+$0x30]  }
0x201: {  	v14 =	vld [tilespmem:s15+$0xFFFFFFD0]  }
0x202: {  	v9 =	vld [tilespmem:s15+$0xFFFFFFE0]  }
0x203: {  	v10 =	vld.idx.msk [tilespmem:v0+s6+$0x0], $0xffff  }
0x204: {  	v12 =	vld.idx.msk [tilespmem:v1+s6+$0x0], $0xffff  }
0x205: {  	v4 =	vld.idx.msk [tilespmem:v2+s6+$0x0], $0xffff  }
0x206: {  	v3 =	vld.idx.msk [tilespmem:v3+s6+$0x0], $0xffff  }
0x207: {  	v13 =	vld.idx.msk [tilespmem:v8+s6+$0x0], $0xffff  }
0x208: {  	v1 =	vld.idx.msk [tilespmem:v7+s6+$0x0], $0xffff  }
0x209: {  	v7 =	vld [tilespmem:s15+$0xFFFFFFC0]  }
0x20a: {  	v2 =	vld.idx.msk [tilespmem:v5+s6+$0x0], $0xffff  }
0x20b: {  	v0 =	vld.idx.msk [tilespmem:v6+s6+$0x0], $0xffff  }
0x20c: {  	v8 =	vld [tilespmem:s15+$0xFFFFFFF0]  }
0x20d: {  	v6 =	vld [tilespmem:s15+$0x0];
	v10 =	vsub.f32 v10, v11  }
0x20e: {  	v5 =	vld [tilespmem:s15+$0x10];
	v11 =	vsub.f32 v13, v7  }
0x20f: {  	s18 =	simm.s32 $0x0;
	s19 =	sadd.s32 $0x80, s13;
	s17 =	smov.u32 s14;
	v7 =	vld [tilespmem:s15+$0x20];
	[tilespmem:s14+$0x30] =	vst v10;
	v10 =	vsub.f32 v12, v14  }
.LBB2_31:
0x210: {  	v12 =	vld [tilespmem:s19+$0x30];
	s18 =	sadd.s32 $0x80, s18;
	[tilespmem:s17+$0xFFFFFFC0] =	vst v11;
	v4 =	vsub.f32 v4, v9  }
0x211: {  	v9 =	vld [tilespmem:s19+$0xFFFFFFD0];
	p0 =	slt.u32 s18, $0x780;
	[tilespmem:s17+$0xFFFFFFD0] =	vst v10;
	v3 =	vsub.f32 v3, v8  }
0x212: {  	v8 =	vld [tilespmem:s19+$0xFFFFFFE0];
	[tilespmem:s17+$0xFFFFFFE0] =	vst v4;
	v2 =	vsub.f32 v2, v6  }
0x213: {  	v6 =	vld [tilespmem:s19+$0xFFFFFFF0];
	[tilespmem:s17+$0xFFFFFFF0] =	vst v3;
	v0 =	vsub.f32 v0, v5  }
0x214: {  	v5 =	vld [tilespmem:s19+$0x0];
	[tilespmem:s17+$0x0] =	vst v2;
	v1 =	vsub.f32 v1, v7  }
0x215: {  	v7 =	vld [tilespmem:s19+$0x10];
	[tilespmem:s17+$0x10] =	vst v0  }
0x216: {  	v10 =	vld [tilespmem:s19+$0x20];
	[tilespmem:s17+$0x20] =	vst v1  }
0x217: {  	v1 =	vld [tilespmem:s19+$0xFFFFFFC0]  }
0x218: {  	s15 =	sadd.s32 $0x80, s15;
	v11 =	vld.idx.msk [tilespmem:v12+s6+$0x0], $0xffff  }
0x219: {  	v12 =	vld [tilespmem:s15+$0x30]  }
0x21a: {  	v13 =	vld.idx.msk [tilespmem:v9+s6+$0x0], $0xffff  }
0x21b: {  	v4 =	vld.idx.msk [tilespmem:v8+s6+$0x0], $0xffff  }
0x21c: {  	v3 =	vld.idx.msk [tilespmem:v6+s6+$0x0], $0xffff  }
0x21d: {  	v2 =	vld.idx.msk [tilespmem:v5+s6+$0x0], $0xffff  }
0x21e: {  	v0 =	vld.idx.msk [tilespmem:v7+s6+$0x0], $0xffff;
	v5 =	vsub.f32 v11, v12  }
0x21f: {  	s17 =	sadd.s32 $0x80, s17;
	v7 =	vld.idx.msk [tilespmem:v1+s6+$0x0], $0xffff  }
0x220: {  	v1 =	vld.idx.msk [tilespmem:v10+s6+$0x0], $0xffff;
	[tilespmem:s17+$0x30] =	vst v5  }
0x221: {  	v5 =	vld [tilespmem:s15+$0xFFFFFFC0]  }
0x222: {  	v10 =	vld [tilespmem:s15+$0xFFFFFFD0]  }
.Ltmp14:
0x223: {  	v9 =	vld [tilespmem:s15+$0xFFFFFFE0];
	(pc) =	sbr.rel @p0 .LBB2_31-.Ltmp14, $4  }
0x224: {  	v8 =	vld [tilespmem:s15+$0xFFFFFFF0]  }
0x225: {  	v6 =	vld [tilespmem:s15+$0x0]  }
0x226: {  	v11 =	vsub.f32 v7, v5;
	v5 =	vld [tilespmem:s15+$0x10]  }
0x227: {  	s19 =	sadd.s32 $0x80, s19;
	v10 =	vsub.f32 v13, v10;
	v7 =	vld [tilespmem:s15+$0x20]  }
0x228: {  	[tilespmem:s17+$0xFFFFFFC0] =	vst v11;
	v4 =	vsub.f32 v4, v9;
	s12 =	sadd.s32 $0x1, s12  }
0x229: {  	[tilespmem:s17+$0xFFFFFFD0] =	vst v10;
	v3 =	vsub.f32 v3, v8;
	p0 =	sne.s32 s12, $0x14  }
.Ltmp15:
0x22a: {  	[tilespmem:s17+$0xFFFFFFE0] =	vst v4;
	v2 =	vsub.f32 v2, v6;
	(pc) =	sbr.rel @p0 .LBB2_30-.Ltmp15, $4  }
0x22b: {  	[tilespmem:s17+$0xFFFFFFF0] =	vst v3;
	v0 =	vsub.f32 v0, v5  }
0x22c: {  	[tilespmem:s17+$0x0] =	vst v2;
	v1 =	vsub.f32 v1, v7  }
0x22d: {  	[tilespmem:s17+$0x10] =	vst v0  }
0x22e: {  	s13 =	sadd.s32 $0x800, s13;
	s14 =	sadd.s32 $0x800, s14;
	[tilespmem:s17+$0x20] =	vst v1  }
0x22f: {  	s12 =	simm.s32 $0x0  }
0x230: {  	[hbm4b:s25+s12] =	stream.linear.scatter [tilespmem:s8], [sflag:$0x2], $0xA000, $0x38;
	[tilespmem:$0x1E800] =	vst v63  }
0x231: {  	s13 =	rddreg [dreg:$0xa]  }
0x232: {  	[tilespmem:s6], [sflag:$0x3] =	stream.linear.gather [hbm4b:s13+s12], $0x800, $0x38;
	[tilespmem:$0x1E800] =	vst v63  }
0x233: {  	_ =	swait.ge [sflag:s5], $0x800  }
0x234: {  	[sflag:s5] =	ssyncset.done $0x0  }
0x235: {  	[sflag:s5] =	ssyncadd.s32 $0xFFFFF800  }
0x236: {  	_ =	swait.ge [sflag:s9], $0xA000  }
0x237: {  	[sflag:s9] =	ssyncset.done $0x0  }
0x238: {  	s14 =	simm.s32 $0xA840;
	s13 =	simm.s32 $0x40;
	[sflag:s9] =	ssyncadd.s32 $0xFFFF6000  }
.LBB2_34:
0x239: {  	v0 =	vld [tilespmem:s13+$0x30]  }
0x23a: {  	v1 =	vld [tilespmem:s13+$0xFFFFFFD0]  }
0x23b: {  	v2 =	vld [tilespmem:s13+$0xFFFFFFE0]  }
0x23c: {  	v3 =	vld [tilespmem:s13+$0xFFFFFFF0]  }
0x23d: {  	v5 =	vld [tilespmem:s13+$0x0]  }
0x23e: {  	v6 =	vld [tilespmem:s13+$0x10]  }
0x23f: {  	v7 =	vld [tilespmem:s13+$0x20]  }
0x240: {  	v8 =	vld [tilespmem:s13+$0xFFFFFFC0];
	s15 =	simm.s32 $0xA040  }
0x241: {  	v11 =	vld [tilespmem:s15+$0x30]  }
0x242: {  	v14 =	vld [tilespmem:s15+$0xFFFFFFD0]  }
0x243: {  	v9 =	vld [tilespmem:s15+$0xFFFFFFE0]  }
0x244: {  	v10 =	vld.idx.msk [tilespmem:v0+s6+$0x0], $0xffff  }
0x245: {  	v12 =	vld.idx.msk [tilespmem:v1+s6+$0x0], $0xffff  }
0x246: {  	v4 =	vld.idx.msk [tilespmem:v2+s6+$0x0], $0xffff  }
0x247: {  	v3 =	vld.idx.msk [tilespmem:v3+s6+$0x0], $0xffff  }
0x248: {  	v13 =	vld.idx.msk [tilespmem:v8+s6+$0x0], $0xffff  }
0x249: {  	v1 =	vld.idx.msk [tilespmem:v7+s6+$0x0], $0xffff  }
0x24a: {  	v7 =	vld [tilespmem:s15+$0xFFFFFFC0]  }
0x24b: {  	v2 =	vld.idx.msk [tilespmem:v5+s6+$0x0], $0xffff  }
0x24c: {  	v0 =	vld.idx.msk [tilespmem:v6+s6+$0x0], $0xffff  }
0x24d: {  	v8 =	vld [tilespmem:s15+$0xFFFFFFF0]  }
0x24e: {  	v6 =	vld [tilespmem:s15+$0x0];
	v10 =	vsub.f32 v10, v11  }
0x24f: {  	v5 =	vld [tilespmem:s15+$0x10];
	v11 =	vsub.f32 v13, v7  }
0x250: {  	s18 =	simm.s32 $0x0;
	s19 =	sadd.s32 $0x80, s13;
	s17 =	smov.u32 s14;
	v7 =	vld [tilespmem:s15+$0x20];
	[tilespmem:s14+$0x30] =	vst v10;
	v10 =	vsub.f32 v12, v14  }
.LBB2_35:
0x251: {  	v12 =	vld [tilespmem:s19+$0x30];
	s18 =	sadd.s32 $0x80, s18;
	[tilespmem:s17+$0xFFFFFFC0] =	vst v11;
	v4 =	vsub.f32 v4, v9  }
0x252: {  	v9 =	vld [tilespmem:s19+$0xFFFFFFD0];
	p0 =	slt.u32 s18, $0x780;
	[tilespmem:s17+$0xFFFFFFD0] =	vst v10;
	v3 =	vsub.f32 v3, v8  }
0x253: {  	v8 =	vld [tilespmem:s19+$0xFFFFFFE0];
	[tilespmem:s17+$0xFFFFFFE0] =	vst v4;
	v2 =	vsub.f32 v2, v6  }
0x254: {  	v6 =	vld [tilespmem:s19+$0xFFFFFFF0];
	[tilespmem:s17+$0xFFFFFFF0] =	vst v3;
	v0 =	vsub.f32 v0, v5  }
0x255: {  	v5 =	vld [tilespmem:s19+$0x0];
	[tilespmem:s17+$0x0] =	vst v2;
	v1 =	vsub.f32 v1, v7  }
0x256: {  	v7 =	vld [tilespmem:s19+$0x10];
	[tilespmem:s17+$0x10] =	vst v0  }
0x257: {  	v10 =	vld [tilespmem:s19+$0x20];
	[tilespmem:s17+$0x20] =	vst v1  }
0x258: {  	v1 =	vld [tilespmem:s19+$0xFFFFFFC0]  }
0x259: {  	s15 =	sadd.s32 $0x80, s15;
	v11 =	vld.idx.msk [tilespmem:v12+s6+$0x0], $0xffff  }
0x25a: {  	v12 =	vld [tilespmem:s15+$0x30]  }
0x25b: {  	v13 =	vld.idx.msk [tilespmem:v9+s6+$0x0], $0xffff  }
0x25c: {  	v4 =	vld.idx.msk [tilespmem:v8+s6+$0x0], $0xffff  }
0x25d: {  	v3 =	vld.idx.msk [tilespmem:v6+s6+$0x0], $0xffff  }
0x25e: {  	v2 =	vld.idx.msk [tilespmem:v5+s6+$0x0], $0xffff  }
0x25f: {  	v0 =	vld.idx.msk [tilespmem:v7+s6+$0x0], $0xffff;
	v5 =	vsub.f32 v11, v12  }
0x260: {  	s17 =	sadd.s32 $0x80, s17;
	v7 =	vld.idx.msk [tilespmem:v1+s6+$0x0], $0xffff  }
0x261: {  	v1 =	vld.idx.msk [tilespmem:v10+s6+$0x0], $0xffff;
	[tilespmem:s17+$0x30] =	vst v5  }
0x262: {  	v5 =	vld [tilespmem:s15+$0xFFFFFFC0]  }
0x263: {  	v10 =	vld [tilespmem:s15+$0xFFFFFFD0]  }
.Ltmp16:
0x264: {  	v9 =	vld [tilespmem:s15+$0xFFFFFFE0];
	(pc) =	sbr.rel @p0 .LBB2_35-.Ltmp16, $4  }
0x265: {  	v8 =	vld [tilespmem:s15+$0xFFFFFFF0]  }
0x266: {  	v6 =	vld [tilespmem:s15+$0x0]  }
0x267: {  	v11 =	vsub.f32 v7, v5;
	v5 =	vld [tilespmem:s15+$0x10]  }
0x268: {  	s19 =	sadd.s32 $0x80, s19;
	v10 =	vsub.f32 v13, v10;
	v7 =	vld [tilespmem:s15+$0x20]  }
0x269: {  	[tilespmem:s17+$0xFFFFFFC0] =	vst v11;
	v4 =	vsub.f32 v4, v9;
	s12 =	sadd.s32 $0x1, s12  }
0x26a: {  	[tilespmem:s17+$0xFFFFFFD0] =	vst v10;
	v3 =	vsub.f32 v3, v8;
	p0 =	sne.s32 s12, $0x14  }
.Ltmp17:
0x26b: {  	[tilespmem:s17+$0xFFFFFFE0] =	vst v4;
	v2 =	vsub.f32 v2, v6;
	(pc) =	sbr.rel @p0 .LBB2_34-.Ltmp17, $4  }
0x26c: {  	[tilespmem:s17+$0xFFFFFFF0] =	vst v3;
	v0 =	vsub.f32 v0, v5  }
0x26d: {  	[tilespmem:s17+$0x0] =	vst v2;
	v1 =	vsub.f32 v1, v7  }
0x26e: {  	[tilespmem:s17+$0x10] =	vst v0  }
0x26f: {  	s13 =	sadd.s32 $0x800, s13;
	s14 =	sadd.s32 $0x800, s14;
	[tilespmem:s17+$0x20] =	vst v1  }
0x270: {  	s12 =	simm.s32 $0x0  }
0x271: {  	[hbm4b:s26+s12] =	stream.linear.scatter [tilespmem:s7], [sflag:$0x1], $0xA000, $0x38;
	[tilespmem:$0x1E800] =	vst v63  }
0x272: {  	s13 =	rddreg [dreg:$0xb]  }
0x273: {  	[tilespmem:s6], [sflag:$0x3] =	stream.linear.gather [hbm4b:s13+s12], $0x800, $0x38;
	[tilespmem:$0x1E800] =	vst v63  }
0x274: {  	_ =	swait.ge [sflag:s5], $0x800  }
0x275: {  	[sflag:s5] =	ssyncset.done $0x0  }
0x276: {  	[sflag:s5] =	ssyncadd.s32 $0xFFFFF800  }
0x277: {  	_ =	swait.ge [sflag:s10], $0xA000  }
0x278: {  	[sflag:s10] =	ssyncset.done $0x0  }
0x279: {  	s14 =	simm.s32 $0x14840;
	s13 =	simm.s32 $0x40;
	[sflag:s10] =	ssyncadd.s32 $0xFFFF6000  }
.LBB2_38:
0x27a: {  	v0 =	vld [tilespmem:s13+$0x30]  }
0x27b: {  	v1 =	vld [tilespmem:s13+$0xFFFFFFD0]  }
0x27c: {  	v2 =	vld [tilespmem:s13+$0xFFFFFFE0]  }
0x27d: {  	v3 =	vld [tilespmem:s13+$0xFFFFFFF0]  }
0x27e: {  	v5 =	vld [tilespmem:s13+$0x0]  }
0x27f: {  	v6 =	vld [tilespmem:s13+$0x10]  }
0x280: {  	v7 =	vld [tilespmem:s13+$0x20]  }
0x281: {  	v8 =	vld [tilespmem:s13+$0xFFFFFFC0];
	s15 =	simm.s32 $0xA040  }
0x282: {  	v11 =	vld [tilespmem:s15+$0x30]  }
0x283: {  	v14 =	vld [tilespmem:s15+$0xFFFFFFD0]  }
0x284: {  	v9 =	vld [tilespmem:s15+$0xFFFFFFE0]  }
0x285: {  	v10 =	vld.idx.msk [tilespmem:v0+s6+$0x0], $0xffff  }
0x286: {  	v12 =	vld.idx.msk [tilespmem:v1+s6+$0x0], $0xffff  }
0x287: {  	v4 =	vld.idx.msk [tilespmem:v2+s6+$0x0], $0xffff  }
0x288: {  	v3 =	vld.idx.msk [tilespmem:v3+s6+$0x0], $0xffff  }
0x289: {  	v13 =	vld.idx.msk [tilespmem:v8+s6+$0x0], $0xffff  }
0x28a: {  	v1 =	vld.idx.msk [tilespmem:v7+s6+$0x0], $0xffff  }
0x28b: {  	v7 =	vld [tilespmem:s15+$0xFFFFFFC0]  }
0x28c: {  	v2 =	vld.idx.msk [tilespmem:v5+s6+$0x0], $0xffff  }
0x28d: {  	v0 =	vld.idx.msk [tilespmem:v6+s6+$0x0], $0xffff  }
0x28e: {  	v8 =	vld [tilespmem:s15+$0xFFFFFFF0]  }
0x28f: {  	v6 =	vld [tilespmem:s15+$0x0];
	v10 =	vsub.f32 v10, v11  }
0x290: {  	v5 =	vld [tilespmem:s15+$0x10];
	v11 =	vsub.f32 v13, v7  }
0x291: {  	s18 =	simm.s32 $0x0;
	s19 =	sadd.s32 $0x80, s13;
	s17 =	smov.u32 s14;
	v7 =	vld [tilespmem:s15+$0x20];
	[tilespmem:s14+$0x30] =	vst v10;
	v10 =	vsub.f32 v12, v14  }
.LBB2_39:
0x292: {  	v12 =	vld [tilespmem:s19+$0x30];
	s18 =	sadd.s32 $0x80, s18;
	[tilespmem:s17+$0xFFFFFFC0] =	vst v11;
	v4 =	vsub.f32 v4, v9  }
0x293: {  	v9 =	vld [tilespmem:s19+$0xFFFFFFD0];
	p0 =	slt.u32 s18, $0x780;
	[tilespmem:s17+$0xFFFFFFD0] =	vst v10;
	v3 =	vsub.f32 v3, v8  }
0x294: {  	v8 =	vld [tilespmem:s19+$0xFFFFFFE0];
	[tilespmem:s17+$0xFFFFFFE0] =	vst v4;
	v2 =	vsub.f32 v2, v6  }
0x295: {  	v6 =	vld [tilespmem:s19+$0xFFFFFFF0];
	[tilespmem:s17+$0xFFFFFFF0] =	vst v3;
	v0 =	vsub.f32 v0, v5  }
0x296: {  	v5 =	vld [tilespmem:s19+$0x0];
	[tilespmem:s17+$0x0] =	vst v2;
	v1 =	vsub.f32 v1, v7  }
0x297: {  	v7 =	vld [tilespmem:s19+$0x10];
	[tilespmem:s17+$0x10] =	vst v0  }
0x298: {  	v10 =	vld [tilespmem:s19+$0x20];
	[tilespmem:s17+$0x20] =	vst v1  }
0x299: {  	v1 =	vld [tilespmem:s19+$0xFFFFFFC0]  }
0x29a: {  	s15 =	sadd.s32 $0x80, s15;
	v11 =	vld.idx.msk [tilespmem:v12+s6+$0x0], $0xffff  }
0x29b: {  	v12 =	vld [tilespmem:s15+$0x30]  }
0x29c: {  	v13 =	vld.idx.msk [tilespmem:v9+s6+$0x0], $0xffff  }
0x29d: {  	v4 =	vld.idx.msk [tilespmem:v8+s6+$0x0], $0xffff  }
0x29e: {  	v3 =	vld.idx.msk [tilespmem:v6+s6+$0x0], $0xffff  }
0x29f: {  	v2 =	vld.idx.msk [tilespmem:v5+s6+$0x0], $0xffff  }
0x2a0: {  	v0 =	vld.idx.msk [tilespmem:v7+s6+$0x0], $0xffff;
	v5 =	vsub.f32 v11, v12  }
0x2a1: {  	s17 =	sadd.s32 $0x80, s17;
	v7 =	vld.idx.msk [tilespmem:v1+s6+$0x0], $0xffff  }
0x2a2: {  	v1 =	vld.idx.msk [tilespmem:v10+s6+$0x0], $0xffff;
	[tilespmem:s17+$0x30] =	vst v5  }
0x2a3: {  	v5 =	vld [tilespmem:s15+$0xFFFFFFC0]  }
0x2a4: {  	v10 =	vld [tilespmem:s15+$0xFFFFFFD0]  }
.Ltmp18:
0x2a5: {  	v9 =	vld [tilespmem:s15+$0xFFFFFFE0];
	(pc) =	sbr.rel @p0 .LBB2_39-.Ltmp18, $4  }
0x2a6: {  	v8 =	vld [tilespmem:s15+$0xFFFFFFF0]  }
0x2a7: {  	v6 =	vld [tilespmem:s15+$0x0]  }
0x2a8: {  	v11 =	vsub.f32 v7, v5;
	v5 =	vld [tilespmem:s15+$0x10]  }
0x2a9: {  	s19 =	sadd.s32 $0x80, s19;
	v10 =	vsub.f32 v13, v10;
	v7 =	vld [tilespmem:s15+$0x20]  }
0x2aa: {  	[tilespmem:s17+$0xFFFFFFC0] =	vst v11;
	v4 =	vsub.f32 v4, v9;
	s12 =	sadd.s32 $0x1, s12  }
0x2ab: {  	[tilespmem:s17+$0xFFFFFFD0] =	vst v10;
	v3 =	vsub.f32 v3, v8;
	p0 =	sne.s32 s12, $0x14  }
.Ltmp19:
0x2ac: {  	[tilespmem:s17+$0xFFFFFFE0] =	vst v4;
	v2 =	vsub.f32 v2, v6;
	(pc) =	sbr.rel @p0 .LBB2_38-.Ltmp19, $4  }
0x2ad: {  	[tilespmem:s17+$0xFFFFFFF0] =	vst v3;
	v0 =	vsub.f32 v0, v5  }
0x2ae: {  	[tilespmem:s17+$0x0] =	vst v2;
	v1 =	vsub.f32 v1, v7  }
0x2af: {  	[tilespmem:s17+$0x10] =	vst v0  }
0x2b0: {  	s13 =	sadd.s32 $0x800, s13;
	s14 =	sadd.s32 $0x800, s14;
	[tilespmem:s17+$0x20] =	vst v1  }
0x2b1: {  	s12 =	simm.s32 $0x0  }
0x2b2: {  	[hbm4b:s28+s12] =	stream.linear.scatter [tilespmem:s8], [sflag:$0x2], $0xA000, $0x38;
	[tilespmem:$0x1E800] =	vst v63  }
0x2b3: {  	s13 =	rddreg [dreg:$0xc]  }
0x2b4: {  	[tilespmem:s6], [sflag:$0x3] =	stream.linear.gather [hbm4b:s13+s12], $0x800, $0x38;
	[tilespmem:$0x1E800] =	vst v63  }
0x2b5: {  	_ =	swait.ge [sflag:s5], $0x800  }
0x2b6: {  	[sflag:s5] =	ssyncset.done $0x0  }
0x2b7: {  	[sflag:s5] =	ssyncadd.s32 $0xFFFFF800  }
0x2b8: {  	_ =	swait.ge [sflag:s9], $0xA000  }
0x2b9: {  	[sflag:s9] =	ssyncset.done $0x0  }
0x2ba: {  	s14 =	simm.s32 $0xA840;
	s13 =	simm.s32 $0x40;
	[sflag:s9] =	ssyncadd.s32 $0xFFFF6000  }
.LBB2_42:
0x2bb: {  	v0 =	vld [tilespmem:s13+$0x30]  }
0x2bc: {  	v1 =	vld [tilespmem:s13+$0xFFFFFFD0]  }
0x2bd: {  	v2 =	vld [tilespmem:s13+$0xFFFFFFE0]  }
0x2be: {  	v3 =	vld [tilespmem:s13+$0xFFFFFFF0]  }
0x2bf: {  	v5 =	vld [tilespmem:s13+$0x0]  }
0x2c0: {  	v6 =	vld [tilespmem:s13+$0x10]  }
0x2c1: {  	v7 =	vld [tilespmem:s13+$0x20]  }
0x2c2: {  	v8 =	vld [tilespmem:s13+$0xFFFFFFC0];
	s15 =	simm.s32 $0xA040  }
0x2c3: {  	v11 =	vld [tilespmem:s15+$0x30]  }
0x2c4: {  	v14 =	vld [tilespmem:s15+$0xFFFFFFD0]  }
0x2c5: {  	v9 =	vld [tilespmem:s15+$0xFFFFFFE0]  }
0x2c6: {  	v10 =	vld.idx.msk [tilespmem:v0+s6+$0x0], $0xffff  }
0x2c7: {  	v12 =	vld.idx.msk [tilespmem:v1+s6+$0x0], $0xffff  }
0x2c8: {  	v4 =	vld.idx.msk [tilespmem:v2+s6+$0x0], $0xffff  }
0x2c9: {  	v3 =	vld.idx.msk [tilespmem:v3+s6+$0x0], $0xffff  }
0x2ca: {  	v13 =	vld.idx.msk [tilespmem:v8+s6+$0x0], $0xffff  }
0x2cb: {  	v1 =	vld.idx.msk [tilespmem:v7+s6+$0x0], $0xffff  }
0x2cc: {  	v7 =	vld [tilespmem:s15+$0xFFFFFFC0]  }
0x2cd: {  	v2 =	vld.idx.msk [tilespmem:v5+s6+$0x0], $0xffff  }
0x2ce: {  	v0 =	vld.idx.msk [tilespmem:v6+s6+$0x0], $0xffff  }
0x2cf: {  	v8 =	vld [tilespmem:s15+$0xFFFFFFF0]  }
0x2d0: {  	v6 =	vld [tilespmem:s15+$0x0];
	v10 =	vsub.f32 v10, v11  }
0x2d1: {  	v5 =	vld [tilespmem:s15+$0x10];
	v11 =	vsub.f32 v13, v7  }
0x2d2: {  	s18 =	simm.s32 $0x0;
	s19 =	sadd.s32 $0x80, s13;
	s17 =	smov.u32 s14;
	v7 =	vld [tilespmem:s15+$0x20];
	[tilespmem:s14+$0x30] =	vst v10;
	v10 =	vsub.f32 v12, v14  }
.LBB2_43:
0x2d3: {  	v12 =	vld [tilespmem:s19+$0x30];
	s18 =	sadd.s32 $0x80, s18;
	[tilespmem:s17+$0xFFFFFFC0] =	vst v11;
	v4 =	vsub.f32 v4, v9  }
0x2d4: {  	v9 =	vld [tilespmem:s19+$0xFFFFFFD0];
	p0 =	slt.u32 s18, $0x780;
	[tilespmem:s17+$0xFFFFFFD0] =	vst v10;
	v3 =	vsub.f32 v3, v8  }
0x2d5: {  	v8 =	vld [tilespmem:s19+$0xFFFFFFE0];
	[tilespmem:s17+$0xFFFFFFE0] =	vst v4;
	v2 =	vsub.f32 v2, v6  }
0x2d6: {  	v6 =	vld [tilespmem:s19+$0xFFFFFFF0];
	[tilespmem:s17+$0xFFFFFFF0] =	vst v3;
	v0 =	vsub.f32 v0, v5  }
0x2d7: {  	v5 =	vld [tilespmem:s19+$0x0];
	[tilespmem:s17+$0x0] =	vst v2;
	v1 =	vsub.f32 v1, v7  }
0x2d8: {  	v7 =	vld [tilespmem:s19+$0x10];
	[tilespmem:s17+$0x10] =	vst v0  }
0x2d9: {  	v10 =	vld [tilespmem:s19+$0x20];
	[tilespmem:s17+$0x20] =	vst v1  }
0x2da: {  	v1 =	vld [tilespmem:s19+$0xFFFFFFC0]  }
0x2db: {  	s15 =	sadd.s32 $0x80, s15;
	v11 =	vld.idx.msk [tilespmem:v12+s6+$0x0], $0xffff  }
0x2dc: {  	v12 =	vld [tilespmem:s15+$0x30]  }
0x2dd: {  	v13 =	vld.idx.msk [tilespmem:v9+s6+$0x0], $0xffff  }
0x2de: {  	v4 =	vld.idx.msk [tilespmem:v8+s6+$0x0], $0xffff  }
0x2df: {  	v3 =	vld.idx.msk [tilespmem:v6+s6+$0x0], $0xffff  }
0x2e0: {  	v2 =	vld.idx.msk [tilespmem:v5+s6+$0x0], $0xffff  }
0x2e1: {  	v0 =	vld.idx.msk [tilespmem:v7+s6+$0x0], $0xffff;
	v5 =	vsub.f32 v11, v12  }
0x2e2: {  	s17 =	sadd.s32 $0x80, s17;
	v7 =	vld.idx.msk [tilespmem:v1+s6+$0x0], $0xffff  }
0x2e3: {  	v1 =	vld.idx.msk [tilespmem:v10+s6+$0x0], $0xffff;
	[tilespmem:s17+$0x30] =	vst v5  }
0x2e4: {  	v5 =	vld [tilespmem:s15+$0xFFFFFFC0]  }
0x2e5: {  	v10 =	vld [tilespmem:s15+$0xFFFFFFD0]  }
.Ltmp20:
0x2e6: {  	v9 =	vld [tilespmem:s15+$0xFFFFFFE0];
	(pc) =	sbr.rel @p0 .LBB2_43-.Ltmp20, $4  }
0x2e7: {  	v8 =	vld [tilespmem:s15+$0xFFFFFFF0]  }
0x2e8: {  	v6 =	vld [tilespmem:s15+$0x0]  }
0x2e9: {  	v11 =	vsub.f32 v7, v5;
	v5 =	vld [tilespmem:s15+$0x10]  }
0x2ea: {  	s19 =	sadd.s32 $0x80, s19;
	v10 =	vsub.f32 v13, v10;
	v7 =	vld [tilespmem:s15+$0x20]  }
0x2eb: {  	[tilespmem:s17+$0xFFFFFFC0] =	vst v11;
	v4 =	vsub.f32 v4, v9;
	s12 =	sadd.s32 $0x1, s12  }
0x2ec: {  	[tilespmem:s17+$0xFFFFFFD0] =	vst v10;
	v3 =	vsub.f32 v3, v8;
	p0 =	sne.s32 s12, $0x14  }
.Ltmp21:
0x2ed: {  	[tilespmem:s17+$0xFFFFFFE0] =	vst v4;
	v2 =	vsub.f32 v2, v6;
	(pc) =	sbr.rel @p0 .LBB2_42-.Ltmp21, $4  }
0x2ee: {  	[tilespmem:s17+$0xFFFFFFF0] =	vst v3;
	v0 =	vsub.f32 v0, v5  }
0x2ef: {  	[tilespmem:s17+$0x0] =	vst v2;
	v1 =	vsub.f32 v1, v7  }
0x2f0: {  	[tilespmem:s17+$0x10] =	vst v0  }
0x2f1: {  	s13 =	sadd.s32 $0x800, s13;
	s14 =	sadd.s32 $0x800, s14;
	[tilespmem:s17+$0x20] =	vst v1  }
0x2f2: {  	s12 =	simm.s32 $0x0  }
0x2f3: {  	[hbm4b:s30+s12] =	stream.linear.scatter [tilespmem:s7], [sflag:$0x1], $0xA000, $0x38;
	[tilespmem:$0x1E800] =	vst v63  }
0x2f4: {  	s13 =	rddreg [dreg:$0xd]  }
0x2f5: {  	[tilespmem:s6], [sflag:$0x3] =	stream.linear.gather [hbm4b:s13+s12], $0x800, $0x38;
	[tilespmem:$0x1E800] =	vst v63  }
0x2f6: {  	_ =	swait.ge [sflag:s5], $0x800  }
0x2f7: {  	[sflag:s5] =	ssyncset.done $0x0  }
0x2f8: {  	[sflag:s5] =	ssyncadd.s32 $0xFFFFF800  }
0x2f9: {  	_ =	swait.ge [sflag:s10], $0xA000  }
0x2fa: {  	[sflag:s10] =	ssyncset.done $0x0  }
0x2fb: {  	s14 =	simm.s32 $0x14840;
	s13 =	simm.s32 $0x40;
	[sflag:s10] =	ssyncadd.s32 $0xFFFF6000  }
.LBB2_46:
0x2fc: {  	v0 =	vld [tilespmem:s13+$0x30]  }
0x2fd: {  	v1 =	vld [tilespmem:s13+$0xFFFFFFD0]  }
0x2fe: {  	v2 =	vld [tilespmem:s13+$0xFFFFFFE0]  }
0x2ff: {  	v3 =	vld [tilespmem:s13+$0xFFFFFFF0]  }
0x300: {  	v5 =	vld [tilespmem:s13+$0x0]  }
0x301: {  	v6 =	vld [tilespmem:s13+$0x10]  }
0x302: {  	v7 =	vld [tilespmem:s13+$0x20]  }
0x303: {  	v8 =	vld [tilespmem:s13+$0xFFFFFFC0];
	s15 =	simm.s32 $0xA040  }
0x304: {  	v11 =	vld [tilespmem:s15+$0x30]  }
0x305: {  	v14 =	vld [tilespmem:s15+$0xFFFFFFD0]  }
0x306: {  	v9 =	vld [tilespmem:s15+$0xFFFFFFE0]  }
0x307: {  	v10 =	vld.idx.msk [tilespmem:v0+s6+$0x0], $0xffff  }
0x308: {  	v12 =	vld.idx.msk [tilespmem:v1+s6+$0x0], $0xffff  }
0x309: {  	v4 =	vld.idx.msk [tilespmem:v2+s6+$0x0], $0xffff  }
0x30a: {  	v3 =	vld.idx.msk [tilespmem:v3+s6+$0x0], $0xffff  }
0x30b: {  	v13 =	vld.idx.msk [tilespmem:v8+s6+$0x0], $0xffff  }
0x30c: {  	v1 =	vld.idx.msk [tilespmem:v7+s6+$0x0], $0xffff  }
0x30d: {  	v7 =	vld [tilespmem:s15+$0xFFFFFFC0]  }
0x30e: {  	v2 =	vld.idx.msk [tilespmem:v5+s6+$0x0], $0xffff  }
0x30f: {  	v0 =	vld.idx.msk [tilespmem:v6+s6+$0x0], $0xffff  }
0x310: {  	v8 =	vld [tilespmem:s15+$0xFFFFFFF0]  }
0x311: {  	v6 =	vld [tilespmem:s15+$0x0];
	v10 =	vsub.f32 v10, v11  }
0x312: {  	v5 =	vld [tilespmem:s15+$0x10];
	v11 =	vsub.f32 v13, v7  }
0x313: {  	s18 =	simm.s32 $0x0;
	s19 =	sadd.s32 $0x80, s13;
	s17 =	smov.u32 s14;
	v7 =	vld [tilespmem:s15+$0x20];
	[tilespmem:s14+$0x30] =	vst v10;
	v10 =	vsub.f32 v12, v14  }
.LBB2_47:
0x314: {  	v12 =	vld [tilespmem:s19+$0x30];
	s18 =	sadd.s32 $0x80, s18;
	[tilespmem:s17+$0xFFFFFFC0] =	vst v11;
	v4 =	vsub.f32 v4, v9  }
0x315: {  	v9 =	vld [tilespmem:s19+$0xFFFFFFD0];
	p0 =	slt.u32 s18, $0x780;
	[tilespmem:s17+$0xFFFFFFD0] =	vst v10;
	v3 =	vsub.f32 v3, v8  }
0x316: {  	v8 =	vld [tilespmem:s19+$0xFFFFFFE0];
	[tilespmem:s17+$0xFFFFFFE0] =	vst v4;
	v2 =	vsub.f32 v2, v6  }
0x317: {  	v6 =	vld [tilespmem:s19+$0xFFFFFFF0];
	[tilespmem:s17+$0xFFFFFFF0] =	vst v3;
	v0 =	vsub.f32 v0, v5  }
0x318: {  	v5 =	vld [tilespmem:s19+$0x0];
	[tilespmem:s17+$0x0] =	vst v2;
	v1 =	vsub.f32 v1, v7  }
0x319: {  	v7 =	vld [tilespmem:s19+$0x10];
	[tilespmem:s17+$0x10] =	vst v0  }
0x31a: {  	v10 =	vld [tilespmem:s19+$0x20];
	[tilespmem:s17+$0x20] =	vst v1  }
0x31b: {  	v1 =	vld [tilespmem:s19+$0xFFFFFFC0]  }
0x31c: {  	s15 =	sadd.s32 $0x80, s15;
	v11 =	vld.idx.msk [tilespmem:v12+s6+$0x0], $0xffff  }
0x31d: {  	v12 =	vld [tilespmem:s15+$0x30]  }
0x31e: {  	v13 =	vld.idx.msk [tilespmem:v9+s6+$0x0], $0xffff  }
0x31f: {  	v4 =	vld.idx.msk [tilespmem:v8+s6+$0x0], $0xffff  }
0x320: {  	v3 =	vld.idx.msk [tilespmem:v6+s6+$0x0], $0xffff  }
0x321: {  	v2 =	vld.idx.msk [tilespmem:v5+s6+$0x0], $0xffff  }
0x322: {  	v0 =	vld.idx.msk [tilespmem:v7+s6+$0x0], $0xffff;
	v5 =	vsub.f32 v11, v12  }
0x323: {  	s17 =	sadd.s32 $0x80, s17;
	v7 =	vld.idx.msk [tilespmem:v1+s6+$0x0], $0xffff  }
0x324: {  	v1 =	vld.idx.msk [tilespmem:v10+s6+$0x0], $0xffff;
	[tilespmem:s17+$0x30] =	vst v5  }
0x325: {  	v5 =	vld [tilespmem:s15+$0xFFFFFFC0]  }
0x326: {  	v10 =	vld [tilespmem:s15+$0xFFFFFFD0]  }
.Ltmp22:
0x327: {  	v9 =	vld [tilespmem:s15+$0xFFFFFFE0];
	(pc) =	sbr.rel @p0 .LBB2_47-.Ltmp22, $4  }
0x328: {  	v8 =	vld [tilespmem:s15+$0xFFFFFFF0]  }
0x329: {  	v6 =	vld [tilespmem:s15+$0x0]  }
0x32a: {  	v11 =	vsub.f32 v7, v5;
	v5 =	vld [tilespmem:s15+$0x10]  }
0x32b: {  	s19 =	sadd.s32 $0x80, s19;
	v10 =	vsub.f32 v13, v10;
	v7 =	vld [tilespmem:s15+$0x20]  }
0x32c: {  	[tilespmem:s17+$0xFFFFFFC0] =	vst v11;
	v4 =	vsub.f32 v4, v9;
	s12 =	sadd.s32 $0x1, s12  }
0x32d: {  	[tilespmem:s17+$0xFFFFFFD0] =	vst v10;
	v3 =	vsub.f32 v3, v8;
	p0 =	sne.s32 s12, $0x14  }
.Ltmp23:
0x32e: {  	[tilespmem:s17+$0xFFFFFFE0] =	vst v4;
	v2 =	vsub.f32 v2, v6;
	(pc) =	sbr.rel @p0 .LBB2_46-.Ltmp23, $4  }
0x32f: {  	[tilespmem:s17+$0xFFFFFFF0] =	vst v3;
	v0 =	vsub.f32 v0, v5  }
0x330: {  	[tilespmem:s17+$0x0] =	vst v2;
	v1 =	vsub.f32 v1, v7  }
0x331: {  	[tilespmem:s17+$0x10] =	vst v0  }
0x332: {  	s13 =	sadd.s32 $0x800, s13;
	s14 =	sadd.s32 $0x800, s14;
	[tilespmem:s17+$0x20] =	vst v1  }
0x333: {  	s12 =	simm.s32 $0x0  }
0x334: {  	[hbm4b:s31+s12] =	stream.linear.scatter [tilespmem:s8], [sflag:$0x2], $0xA000, $0x38;
	[tilespmem:$0x1E800] =	vst v63  }
0x335: {  	s13 =	rddreg [dreg:$0xe]  }
0x336: {  	[tilespmem:s6], [sflag:$0x3] =	stream.linear.gather [hbm4b:s13+s12], $0x800, $0x38;
	[tilespmem:$0x1E800] =	vst v63  }
0x337: {  	_ =	swait.ge [sflag:s5], $0x800  }
0x338: {  	[sflag:s5] =	ssyncset.done $0x0  }
0x339: {  	[sflag:s5] =	ssyncadd.s32 $0xFFFFF800  }
0x33a: {  	_ =	swait.ge [sflag:s9], $0xA000  }
0x33b: {  	[sflag:s9] =	ssyncset.done $0x0  }
0x33c: {  	s14 =	simm.s32 $0xA840;
	s13 =	simm.s32 $0x40;
	[sflag:s9] =	ssyncadd.s32 $0xFFFF6000  }
.LBB2_50:
0x33d: {  	v0 =	vld [tilespmem:s13+$0x30]  }
0x33e: {  	v1 =	vld [tilespmem:s13+$0xFFFFFFD0]  }
0x33f: {  	v2 =	vld [tilespmem:s13+$0xFFFFFFE0]  }
0x340: {  	v3 =	vld [tilespmem:s13+$0xFFFFFFF0]  }
0x341: {  	v5 =	vld [tilespmem:s13+$0x0]  }
0x342: {  	v6 =	vld [tilespmem:s13+$0x10]  }
0x343: {  	v7 =	vld [tilespmem:s13+$0x20]  }
0x344: {  	v8 =	vld [tilespmem:s13+$0xFFFFFFC0];
	s15 =	simm.s32 $0xA040  }
0x345: {  	v11 =	vld [tilespmem:s15+$0x30]  }
0x346: {  	v14 =	vld [tilespmem:s15+$0xFFFFFFD0]  }
0x347: {  	v9 =	vld [tilespmem:s15+$0xFFFFFFE0]  }
0x348: {  	v10 =	vld.idx.msk [tilespmem:v0+s6+$0x0], $0xffff  }
0x349: {  	v12 =	vld.idx.msk [tilespmem:v1+s6+$0x0], $0xffff  }
0x34a: {  	v4 =	vld.idx.msk [tilespmem:v2+s6+$0x0], $0xffff  }
0x34b: {  	v3 =	vld.idx.msk [tilespmem:v3+s6+$0x0], $0xffff  }
0x34c: {  	v13 =	vld.idx.msk [tilespmem:v8+s6+$0x0], $0xffff  }
0x34d: {  	v1 =	vld.idx.msk [tilespmem:v7+s6+$0x0], $0xffff  }
0x34e: {  	v7 =	vld [tilespmem:s15+$0xFFFFFFC0]  }
0x34f: {  	v2 =	vld.idx.msk [tilespmem:v5+s6+$0x0], $0xffff  }
0x350: {  	v0 =	vld.idx.msk [tilespmem:v6+s6+$0x0], $0xffff  }
0x351: {  	v8 =	vld [tilespmem:s15+$0xFFFFFFF0]  }
0x352: {  	v6 =	vld [tilespmem:s15+$0x0];
	v10 =	vsub.f32 v10, v11  }
0x353: {  	v5 =	vld [tilespmem:s15+$0x10];
	v11 =	vsub.f32 v13, v7  }
0x354: {  	s18 =	simm.s32 $0x0;
	s19 =	sadd.s32 $0x80, s13;
	s17 =	smov.u32 s14;
	v7 =	vld [tilespmem:s15+$0x20];
	[tilespmem:s14+$0x30] =	vst v10;
	v10 =	vsub.f32 v12, v14  }
.LBB2_51:
0x355: {  	v12 =	vld [tilespmem:s19+$0x30];
	s18 =	sadd.s32 $0x80, s18;
	[tilespmem:s17+$0xFFFFFFC0] =	vst v11;
	v4 =	vsub.f32 v4, v9  }
0x356: {  	v9 =	vld [tilespmem:s19+$0xFFFFFFD0];
	p0 =	slt.u32 s18, $0x780;
	[tilespmem:s17+$0xFFFFFFD0] =	vst v10;
	v3 =	vsub.f32 v3, v8  }
0x357: {  	v8 =	vld [tilespmem:s19+$0xFFFFFFE0];
	[tilespmem:s17+$0xFFFFFFE0] =	vst v4;
	v2 =	vsub.f32 v2, v6  }
0x358: {  	v6 =	vld [tilespmem:s19+$0xFFFFFFF0];
	[tilespmem:s17+$0xFFFFFFF0] =	vst v3;
	v0 =	vsub.f32 v0, v5  }
0x359: {  	v5 =	vld [tilespmem:s19+$0x0];
	[tilespmem:s17+$0x0] =	vst v2;
	v1 =	vsub.f32 v1, v7  }
0x35a: {  	v7 =	vld [tilespmem:s19+$0x10];
	[tilespmem:s17+$0x10] =	vst v0  }
0x35b: {  	v10 =	vld [tilespmem:s19+$0x20];
	[tilespmem:s17+$0x20] =	vst v1  }
0x35c: {  	v1 =	vld [tilespmem:s19+$0xFFFFFFC0]  }
0x35d: {  	s15 =	sadd.s32 $0x80, s15;
	v11 =	vld.idx.msk [tilespmem:v12+s6+$0x0], $0xffff  }
0x35e: {  	v12 =	vld [tilespmem:s15+$0x30]  }
0x35f: {  	v13 =	vld.idx.msk [tilespmem:v9+s6+$0x0], $0xffff  }
0x360: {  	v4 =	vld.idx.msk [tilespmem:v8+s6+$0x0], $0xffff  }
0x361: {  	v3 =	vld.idx.msk [tilespmem:v6+s6+$0x0], $0xffff  }
0x362: {  	v2 =	vld.idx.msk [tilespmem:v5+s6+$0x0], $0xffff  }
0x363: {  	v0 =	vld.idx.msk [tilespmem:v7+s6+$0x0], $0xffff;
	v5 =	vsub.f32 v11, v12  }
0x364: {  	s17 =	sadd.s32 $0x80, s17;
	v7 =	vld.idx.msk [tilespmem:v1+s6+$0x0], $0xffff  }
0x365: {  	v1 =	vld.idx.msk [tilespmem:v10+s6+$0x0], $0xffff;
	[tilespmem:s17+$0x30] =	vst v5  }
0x366: {  	v5 =	vld [tilespmem:s15+$0xFFFFFFC0]  }
0x367: {  	v10 =	vld [tilespmem:s15+$0xFFFFFFD0]  }
.Ltmp24:
0x368: {  	v9 =	vld [tilespmem:s15+$0xFFFFFFE0];
	(pc) =	sbr.rel @p0 .LBB2_51-.Ltmp24, $4  }
0x369: {  	v8 =	vld [tilespmem:s15+$0xFFFFFFF0]  }
0x36a: {  	v6 =	vld [tilespmem:s15+$0x0]  }
0x36b: {  	v11 =	vsub.f32 v7, v5;
	v5 =	vld [tilespmem:s15+$0x10]  }
0x36c: {  	s19 =	sadd.s32 $0x80, s19;
	v10 =	vsub.f32 v13, v10;
	v7 =	vld [tilespmem:s15+$0x20]  }
0x36d: {  	[tilespmem:s17+$0xFFFFFFC0] =	vst v11;
	v4 =	vsub.f32 v4, v9;
	s12 =	sadd.s32 $0x1, s12  }
0x36e: {  	[tilespmem:s17+$0xFFFFFFD0] =	vst v10;
	v3 =	vsub.f32 v3, v8;
	p0 =	sne.s32 s12, $0x14  }
.Ltmp25:
0x36f: {  	[tilespmem:s17+$0xFFFFFFE0] =	vst v4;
	v2 =	vsub.f32 v2, v6;
	(pc) =	sbr.rel @p0 .LBB2_50-.Ltmp25, $4  }
0x370: {  	[tilespmem:s17+$0xFFFFFFF0] =	vst v3;
	v0 =	vsub.f32 v0, v5  }
0x371: {  	[tilespmem:s17+$0x0] =	vst v2;
	v1 =	vsub.f32 v1, v7  }
0x372: {  	[tilespmem:s17+$0x10] =	vst v0  }
0x373: {  	s13 =	sadd.s32 $0x800, s13;
	s14 =	sadd.s32 $0x800, s14;
	[tilespmem:s17+$0x20] =	vst v1  }
0x374: {  	s12 =	simm.s32 $0x0  }
0x375: {  	[hbm4b:s29+s12] =	stream.linear.scatter [tilespmem:s7], [sflag:$0x1], $0xA000, $0x38;
	[tilespmem:$0x1E800] =	vst v63  }
0x376: {  	s13 =	rddreg [dreg:$0xf]  }
0x377: {  	[tilespmem:s6], [sflag:$0x3] =	stream.linear.gather [hbm4b:s13+s12], $0x800, $0x38;
	[tilespmem:$0x1E800] =	vst v63  }
0x378: {  	_ =	swait.ge [sflag:s5], $0x800  }
0x379: {  	[sflag:s5] =	ssyncset.done $0x0  }
0x37a: {  	[sflag:s5] =	ssyncadd.s32 $0xFFFFF800  }
0x37b: {  	_ =	swait.ge [sflag:s10], $0xA000  }
0x37c: {  	[sflag:s10] =	ssyncset.done $0x0  }
0x37d: {  	s14 =	simm.s32 $0x14840;
	s13 =	simm.s32 $0x40;
	[sflag:s10] =	ssyncadd.s32 $0xFFFF6000  }
.LBB2_54:
0x37e: {  	v0 =	vld [tilespmem:s13+$0x30]  }
0x37f: {  	v1 =	vld [tilespmem:s13+$0xFFFFFFD0]  }
0x380: {  	v2 =	vld [tilespmem:s13+$0xFFFFFFE0]  }
0x381: {  	v3 =	vld [tilespmem:s13+$0xFFFFFFF0]  }
0x382: {  	v5 =	vld [tilespmem:s13+$0x0]  }
0x383: {  	v6 =	vld [tilespmem:s13+$0x10]  }
0x384: {  	v7 =	vld [tilespmem:s13+$0x20]  }
0x385: {  	v8 =	vld [tilespmem:s13+$0xFFFFFFC0];
	s15 =	simm.s32 $0xA040  }
0x386: {  	v11 =	vld [tilespmem:s15+$0x30]  }
0x387: {  	v14 =	vld [tilespmem:s15+$0xFFFFFFD0]  }
0x388: {  	v9 =	vld [tilespmem:s15+$0xFFFFFFE0]  }
0x389: {  	v10 =	vld.idx.msk [tilespmem:v0+s6+$0x0], $0xffff  }
0x38a: {  	v12 =	vld.idx.msk [tilespmem:v1+s6+$0x0], $0xffff  }
0x38b: {  	v4 =	vld.idx.msk [tilespmem:v2+s6+$0x0], $0xffff  }
0x38c: {  	v3 =	vld.idx.msk [tilespmem:v3+s6+$0x0], $0xffff  }
0x38d: {  	v13 =	vld.idx.msk [tilespmem:v8+s6+$0x0], $0xffff  }
0x38e: {  	v1 =	vld.idx.msk [tilespmem:v7+s6+$0x0], $0xffff  }
0x38f: {  	v7 =	vld [tilespmem:s15+$0xFFFFFFC0]  }
0x390: {  	v2 =	vld.idx.msk [tilespmem:v5+s6+$0x0], $0xffff  }
0x391: {  	v0 =	vld.idx.msk [tilespmem:v6+s6+$0x0], $0xffff  }
0x392: {  	v8 =	vld [tilespmem:s15+$0xFFFFFFF0]  }
0x393: {  	v6 =	vld [tilespmem:s15+$0x0];
	v10 =	vsub.f32 v10, v11  }
0x394: {  	v5 =	vld [tilespmem:s15+$0x10];
	v11 =	vsub.f32 v13, v7  }
0x395: {  	s18 =	simm.s32 $0x0;
	s19 =	sadd.s32 $0x80, s13;
	s17 =	smov.u32 s14;
	v7 =	vld [tilespmem:s15+$0x20];
	[tilespmem:s14+$0x30] =	vst v10;
	v10 =	vsub.f32 v12, v14  }
.LBB2_55:
0x396: {  	v12 =	vld [tilespmem:s19+$0x30];
	s18 =	sadd.s32 $0x80, s18;
	[tilespmem:s17+$0xFFFFFFC0] =	vst v11;
	v4 =	vsub.f32 v4, v9  }
0x397: {  	v9 =	vld [tilespmem:s19+$0xFFFFFFD0];
	p0 =	slt.u32 s18, $0x780;
	[tilespmem:s17+$0xFFFFFFD0] =	vst v10;
	v3 =	vsub.f32 v3, v8  }
0x398: {  	v8 =	vld [tilespmem:s19+$0xFFFFFFE0];
	[tilespmem:s17+$0xFFFFFFE0] =	vst v4;
	v2 =	vsub.f32 v2, v6  }
0x399: {  	v6 =	vld [tilespmem:s19+$0xFFFFFFF0];
	[tilespmem:s17+$0xFFFFFFF0] =	vst v3;
	v0 =	vsub.f32 v0, v5  }
0x39a: {  	v5 =	vld [tilespmem:s19+$0x0];
	[tilespmem:s17+$0x0] =	vst v2;
	v1 =	vsub.f32 v1, v7  }
0x39b: {  	v7 =	vld [tilespmem:s19+$0x10];
	[tilespmem:s17+$0x10] =	vst v0  }
0x39c: {  	v10 =	vld [tilespmem:s19+$0x20];
	[tilespmem:s17+$0x20] =	vst v1  }
0x39d: {  	v1 =	vld [tilespmem:s19+$0xFFFFFFC0]  }
0x39e: {  	s15 =	sadd.s32 $0x80, s15;
	v11 =	vld.idx.msk [tilespmem:v12+s6+$0x0], $0xffff  }
0x39f: {  	v12 =	vld [tilespmem:s15+$0x30]  }
0x3a0: {  	v13 =	vld.idx.msk [tilespmem:v9+s6+$0x0], $0xffff  }
0x3a1: {  	v4 =	vld.idx.msk [tilespmem:v8+s6+$0x0], $0xffff  }
0x3a2: {  	v3 =	vld.idx.msk [tilespmem:v6+s6+$0x0], $0xffff  }
0x3a3: {  	v2 =	vld.idx.msk [tilespmem:v5+s6+$0x0], $0xffff  }
0x3a4: {  	v0 =	vld.idx.msk [tilespmem:v7+s6+$0x0], $0xffff;
	v5 =	vsub.f32 v11, v12  }
0x3a5: {  	s17 =	sadd.s32 $0x80, s17;
	v7 =	vld.idx.msk [tilespmem:v1+s6+$0x0], $0xffff  }
0x3a6: {  	v1 =	vld.idx.msk [tilespmem:v10+s6+$0x0], $0xffff;
	[tilespmem:s17+$0x30] =	vst v5  }
0x3a7: {  	v5 =	vld [tilespmem:s15+$0xFFFFFFC0]  }
0x3a8: {  	v10 =	vld [tilespmem:s15+$0xFFFFFFD0]  }
.Ltmp26:
0x3a9: {  	v9 =	vld [tilespmem:s15+$0xFFFFFFE0];
	(pc) =	sbr.rel @p0 .LBB2_55-.Ltmp26, $4  }
0x3aa: {  	v8 =	vld [tilespmem:s15+$0xFFFFFFF0]  }
0x3ab: {  	v6 =	vld [tilespmem:s15+$0x0]  }
0x3ac: {  	v11 =	vsub.f32 v7, v5;
	v5 =	vld [tilespmem:s15+$0x10]  }
0x3ad: {  	s19 =	sadd.s32 $0x80, s19;
	v10 =	vsub.f32 v13, v10;
	v7 =	vld [tilespmem:s15+$0x20]  }
0x3ae: {  	[tilespmem:s17+$0xFFFFFFC0] =	vst v11;
	v4 =	vsub.f32 v4, v9;
	s12 =	sadd.s32 $0x1, s12  }
0x3af: {  	[tilespmem:s17+$0xFFFFFFD0] =	vst v10;
	v3 =	vsub.f32 v3, v8;
	p0 =	sne.s32 s12, $0x14  }
.Ltmp27:
0x3b0: {  	[tilespmem:s17+$0xFFFFFFE0] =	vst v4;
	v2 =	vsub.f32 v2, v6;
	(pc) =	sbr.rel @p0 .LBB2_54-.Ltmp27, $4  }
0x3b1: {  	[tilespmem:s17+$0xFFFFFFF0] =	vst v3;
	v0 =	vsub.f32 v0, v5  }
0x3b2: {  	[tilespmem:s17+$0x0] =	vst v2;
	v1 =	vsub.f32 v1, v7  }
0x3b3: {  	[tilespmem:s17+$0x10] =	vst v0  }
0x3b4: {  	s13 =	sadd.s32 $0x800, s13;
	s14 =	sadd.s32 $0x800, s14;
	[tilespmem:s17+$0x20] =	vst v1  }
0x3b5: {  	s12 =	simm.s32 $0x0  }
0x3b6: {  	[hbm4b:s0+s12] =	stream.linear.scatter [tilespmem:s8], [sflag:$0x2], $0xA000, $0x38;
	[tilespmem:$0x1E800] =	vst v63  }
0x3b7: {  	s13 =	rddreg [dreg:$0x10]  }
0x3b8: {  	[tilespmem:s6], [sflag:$0x3] =	stream.linear.gather [hbm4b:s13+s12], $0x800, $0x38;
	[tilespmem:$0x1E800] =	vst v63  }
0x3b9: {  	_ =	swait.ge [sflag:s5], $0x800  }
0x3ba: {  	[sflag:s5] =	ssyncset.done $0x0  }
0x3bb: {  	[sflag:s5] =	ssyncadd.s32 $0xFFFFF800  }
0x3bc: {  	_ =	swait.ge [sflag:s9], $0xA000  }
0x3bd: {  	[sflag:s9] =	ssyncset.done $0x0  }
0x3be: {  	s14 =	simm.s32 $0xA840;
	s13 =	simm.s32 $0x40;
	[sflag:s9] =	ssyncadd.s32 $0xFFFF6000  }
.LBB2_58:
0x3bf: {  	v0 =	vld [tilespmem:s13+$0x30]  }
0x3c0: {  	v1 =	vld [tilespmem:s13+$0xFFFFFFD0]  }
0x3c1: {  	v2 =	vld [tilespmem:s13+$0xFFFFFFE0]  }
0x3c2: {  	v3 =	vld [tilespmem:s13+$0xFFFFFFF0]  }
0x3c3: {  	v5 =	vld [tilespmem:s13+$0x0]  }
0x3c4: {  	v6 =	vld [tilespmem:s13+$0x10]  }
0x3c5: {  	v7 =	vld [tilespmem:s13+$0x20]  }
0x3c6: {  	v8 =	vld [tilespmem:s13+$0xFFFFFFC0];
	s15 =	simm.s32 $0xA040  }
0x3c7: {  	v11 =	vld [tilespmem:s15+$0x30]  }
0x3c8: {  	v14 =	vld [tilespmem:s15+$0xFFFFFFD0]  }
0x3c9: {  	v9 =	vld [tilespmem:s15+$0xFFFFFFE0]  }
0x3ca: {  	v10 =	vld.idx.msk [tilespmem:v0+s6+$0x0], $0xffff  }
0x3cb: {  	v12 =	vld.idx.msk [tilespmem:v1+s6+$0x0], $0xffff  }
0x3cc: {  	v4 =	vld.idx.msk [tilespmem:v2+s6+$0x0], $0xffff  }
0x3cd: {  	v3 =	vld.idx.msk [tilespmem:v3+s6+$0x0], $0xffff  }
0x3ce: {  	v13 =	vld.idx.msk [tilespmem:v8+s6+$0x0], $0xffff  }
0x3cf: {  	v1 =	vld.idx.msk [tilespmem:v7+s6+$0x0], $0xffff  }
0x3d0: {  	v7 =	vld [tilespmem:s15+$0xFFFFFFC0]  }
0x3d1: {  	v2 =	vld.idx.msk [tilespmem:v5+s6+$0x0], $0xffff  }
0x3d2: {  	v0 =	vld.idx.msk [tilespmem:v6+s6+$0x0], $0xffff  }
0x3d3: {  	v8 =	vld [tilespmem:s15+$0xFFFFFFF0]  }
0x3d4: {  	v6 =	vld [tilespmem:s15+$0x0];
	v10 =	vsub.f32 v10, v11  }
0x3d5: {  	v5 =	vld [tilespmem:s15+$0x10];
	v11 =	vsub.f32 v13, v7  }
0x3d6: {  	s18 =	simm.s32 $0x0;
	s19 =	sadd.s32 $0x80, s13;
	s17 =	smov.u32 s14;
	v7 =	vld [tilespmem:s15+$0x20];
	[tilespmem:s14+$0x30] =	vst v10;
	v10 =	vsub.f32 v12, v14  }
.LBB2_59:
0x3d7: {  	v12 =	vld [tilespmem:s19+$0x30];
	s18 =	sadd.s32 $0x80, s18;
	[tilespmem:s17+$0xFFFFFFC0] =	vst v11;
	v4 =	vsub.f32 v4, v9  }
0x3d8: {  	v9 =	vld [tilespmem:s19+$0xFFFFFFD0];
	p0 =	slt.u32 s18, $0x780;
	[tilespmem:s17+$0xFFFFFFD0] =	vst v10;
	v3 =	vsub.f32 v3, v8  }
0x3d9: {  	v8 =	vld [tilespmem:s19+$0xFFFFFFE0];
	[tilespmem:s17+$0xFFFFFFE0] =	vst v4;
	v2 =	vsub.f32 v2, v6  }
0x3da: {  	v6 =	vld [tilespmem:s19+$0xFFFFFFF0];
	[tilespmem:s17+$0xFFFFFFF0] =	vst v3;
	v0 =	vsub.f32 v0, v5  }
0x3db: {  	v5 =	vld [tilespmem:s19+$0x0];
	[tilespmem:s17+$0x0] =	vst v2;
	v1 =	vsub.f32 v1, v7  }
0x3dc: {  	v7 =	vld [tilespmem:s19+$0x10];
	[tilespmem:s17+$0x10] =	vst v0  }
0x3dd: {  	v10 =	vld [tilespmem:s19+$0x20];
	[tilespmem:s17+$0x20] =	vst v1  }
0x3de: {  	v1 =	vld [tilespmem:s19+$0xFFFFFFC0]  }
0x3df: {  	s15 =	sadd.s32 $0x80, s15;
	v11 =	vld.idx.msk [tilespmem:v12+s6+$0x0], $0xffff  }
0x3e0: {  	v12 =	vld [tilespmem:s15+$0x30]  }
0x3e1: {  	v13 =	vld.idx.msk [tilespmem:v9+s6+$0x0], $0xffff  }
0x3e2: {  	v4 =	vld.idx.msk [tilespmem:v8+s6+$0x0], $0xffff  }
0x3e3: {  	v3 =	vld.idx.msk [tilespmem:v6+s6+$0x0], $0xffff  }
0x3e4: {  	v2 =	vld.idx.msk [tilespmem:v5+s6+$0x0], $0xffff  }
0x3e5: {  	v0 =	vld.idx.msk [tilespmem:v7+s6+$0x0], $0xffff;
	v5 =	vsub.f32 v11, v12  }
0x3e6: {  	s17 =	sadd.s32 $0x80, s17;
	v7 =	vld.idx.msk [tilespmem:v1+s6+$0x0], $0xffff  }
0x3e7: {  	v1 =	vld.idx.msk [tilespmem:v10+s6+$0x0], $0xffff;
	[tilespmem:s17+$0x30] =	vst v5  }
0x3e8: {  	v5 =	vld [tilespmem:s15+$0xFFFFFFC0]  }
0x3e9: {  	v10 =	vld [tilespmem:s15+$0xFFFFFFD0]  }
.Ltmp28:
0x3ea: {  	v9 =	vld [tilespmem:s15+$0xFFFFFFE0];
	(pc) =	sbr.rel @p0 .LBB2_59-.Ltmp28, $4  }
0x3eb: {  	v8 =	vld [tilespmem:s15+$0xFFFFFFF0]  }
0x3ec: {  	v6 =	vld [tilespmem:s15+$0x0]  }
0x3ed: {  	v11 =	vsub.f32 v7, v5;
	v5 =	vld [tilespmem:s15+$0x10]  }
0x3ee: {  	s19 =	sadd.s32 $0x80, s19;
	v10 =	vsub.f32 v13, v10;
	v7 =	vld [tilespmem:s15+$0x20]  }
0x3ef: {  	[tilespmem:s17+$0xFFFFFFC0] =	vst v11;
	v4 =	vsub.f32 v4, v9;
	s12 =	sadd.s32 $0x1, s12  }
0x3f0: {  	[tilespmem:s17+$0xFFFFFFD0] =	vst v10;
	v3 =	vsub.f32 v3, v8;
	p0 =	sne.s32 s12, $0x14  }
.Ltmp29:
0x3f1: {  	[tilespmem:s17+$0xFFFFFFE0] =	vst v4;
	v2 =	vsub.f32 v2, v6;
	(pc) =	sbr.rel @p0 .LBB2_58-.Ltmp29, $4  }
0x3f2: {  	[tilespmem:s17+$0xFFFFFFF0] =	vst v3;
	v0 =	vsub.f32 v0, v5  }
0x3f3: {  	[tilespmem:s17+$0x0] =	vst v2;
	v1 =	vsub.f32 v1, v7  }
0x3f4: {  	[tilespmem:s17+$0x10] =	vst v0  }
0x3f5: {  	s13 =	sadd.s32 $0x800, s13;
	s14 =	sadd.s32 $0x800, s14;
	[tilespmem:s17+$0x20] =	vst v1  }
0x3f6: {  	s12 =	simm.s32 $0x0  }
0x3f7: {  	[hbm4b:s1+s12] =	stream.linear.scatter [tilespmem:s7], [sflag:$0x1], $0xA000, $0x38;
	[tilespmem:$0x1E800] =	vst v63  }
0x3f8: {  	s13 =	rddreg [dreg:$0x11]  }
0x3f9: {  	[tilespmem:s6], [sflag:$0x3] =	stream.linear.gather [hbm4b:s13+s12], $0x800, $0x38;
	[tilespmem:$0x1E800] =	vst v63  }
0x3fa: {  	_ =	swait.ge [sflag:s5], $0x800  }
0x3fb: {  	[sflag:s5] =	ssyncset.done $0x0  }
0x3fc: {  	[sflag:s5] =	ssyncadd.s32 $0xFFFFF800  }
0x3fd: {  	_ =	swait.ge [sflag:s10], $0xA000  }
0x3fe: {  	[sflag:s10] =	ssyncset.done $0x0  }
0x3ff: {  	s14 =	simm.s32 $0x14840;
	s13 =	simm.s32 $0x40;
	[sflag:s10] =	ssyncadd.s32 $0xFFFF6000  }
.LBB2_62:
0x400: {  	v0 =	vld [tilespmem:s13+$0x30]  }
0x401: {  	v1 =	vld [tilespmem:s13+$0xFFFFFFD0]  }
0x402: {  	v2 =	vld [tilespmem:s13+$0xFFFFFFE0]  }
0x403: {  	v3 =	vld [tilespmem:s13+$0xFFFFFFF0]  }
0x404: {  	v5 =	vld [tilespmem:s13+$0x0]  }
0x405: {  	v6 =	vld [tilespmem:s13+$0x10]  }
0x406: {  	v7 =	vld [tilespmem:s13+$0x20]  }
0x407: {  	v8 =	vld [tilespmem:s13+$0xFFFFFFC0];
	s15 =	simm.s32 $0xA040  }
0x408: {  	v11 =	vld [tilespmem:s15+$0x30]  }
0x409: {  	v14 =	vld [tilespmem:s15+$0xFFFFFFD0]  }
0x40a: {  	v9 =	vld [tilespmem:s15+$0xFFFFFFE0]  }
0x40b: {  	v10 =	vld.idx.msk [tilespmem:v0+s6+$0x0], $0xffff  }
0x40c: {  	v12 =	vld.idx.msk [tilespmem:v1+s6+$0x0], $0xffff  }
0x40d: {  	v4 =	vld.idx.msk [tilespmem:v2+s6+$0x0], $0xffff  }
0x40e: {  	v3 =	vld.idx.msk [tilespmem:v3+s6+$0x0], $0xffff  }
0x40f: {  	v13 =	vld.idx.msk [tilespmem:v8+s6+$0x0], $0xffff  }
0x410: {  	v1 =	vld.idx.msk [tilespmem:v7+s6+$0x0], $0xffff  }
0x411: {  	v7 =	vld [tilespmem:s15+$0xFFFFFFC0]  }
0x412: {  	v2 =	vld.idx.msk [tilespmem:v5+s6+$0x0], $0xffff  }
0x413: {  	v0 =	vld.idx.msk [tilespmem:v6+s6+$0x0], $0xffff  }
0x414: {  	v8 =	vld [tilespmem:s15+$0xFFFFFFF0]  }
0x415: {  	v6 =	vld [tilespmem:s15+$0x0];
	v10 =	vsub.f32 v10, v11  }
0x416: {  	v5 =	vld [tilespmem:s15+$0x10];
	v11 =	vsub.f32 v13, v7  }
0x417: {  	s18 =	simm.s32 $0x0;
	s19 =	sadd.s32 $0x80, s13;
	s17 =	smov.u32 s14;
	v7 =	vld [tilespmem:s15+$0x20];
	[tilespmem:s14+$0x30] =	vst v10;
	v10 =	vsub.f32 v12, v14  }
.LBB2_63:
0x418: {  	v12 =	vld [tilespmem:s19+$0x30];
	s18 =	sadd.s32 $0x80, s18;
	[tilespmem:s17+$0xFFFFFFC0] =	vst v11;
	v4 =	vsub.f32 v4, v9  }
0x419: {  	v9 =	vld [tilespmem:s19+$0xFFFFFFD0];
	p0 =	slt.u32 s18, $0x780;
	[tilespmem:s17+$0xFFFFFFD0] =	vst v10;
	v3 =	vsub.f32 v3, v8  }
0x41a: {  	v8 =	vld [tilespmem:s19+$0xFFFFFFE0];
	[tilespmem:s17+$0xFFFFFFE0] =	vst v4;
	v2 =	vsub.f32 v2, v6  }
0x41b: {  	v6 =	vld [tilespmem:s19+$0xFFFFFFF0];
	[tilespmem:s17+$0xFFFFFFF0] =	vst v3;
	v0 =	vsub.f32 v0, v5  }
0x41c: {  	v5 =	vld [tilespmem:s19+$0x0];
	[tilespmem:s17+$0x0] =	vst v2;
	v1 =	vsub.f32 v1, v7  }
0x41d: {  	v7 =	vld [tilespmem:s19+$0x10];
	[tilespmem:s17+$0x10] =	vst v0  }
0x41e: {  	v10 =	vld [tilespmem:s19+$0x20];
	[tilespmem:s17+$0x20] =	vst v1  }
0x41f: {  	v1 =	vld [tilespmem:s19+$0xFFFFFFC0]  }
0x420: {  	s15 =	sadd.s32 $0x80, s15;
	v11 =	vld.idx.msk [tilespmem:v12+s6+$0x0], $0xffff  }
0x421: {  	v12 =	vld [tilespmem:s15+$0x30]  }
0x422: {  	v13 =	vld.idx.msk [tilespmem:v9+s6+$0x0], $0xffff  }
0x423: {  	v4 =	vld.idx.msk [tilespmem:v8+s6+$0x0], $0xffff  }
0x424: {  	v3 =	vld.idx.msk [tilespmem:v6+s6+$0x0], $0xffff  }
0x425: {  	v2 =	vld.idx.msk [tilespmem:v5+s6+$0x0], $0xffff  }
0x426: {  	v0 =	vld.idx.msk [tilespmem:v7+s6+$0x0], $0xffff;
	v5 =	vsub.f32 v11, v12  }
0x427: {  	s17 =	sadd.s32 $0x80, s17;
	v7 =	vld.idx.msk [tilespmem:v1+s6+$0x0], $0xffff  }
0x428: {  	v1 =	vld.idx.msk [tilespmem:v10+s6+$0x0], $0xffff;
	[tilespmem:s17+$0x30] =	vst v5  }
0x429: {  	v5 =	vld [tilespmem:s15+$0xFFFFFFC0]  }
0x42a: {  	v10 =	vld [tilespmem:s15+$0xFFFFFFD0]  }
.Ltmp30:
0x42b: {  	v9 =	vld [tilespmem:s15+$0xFFFFFFE0];
	(pc) =	sbr.rel @p0 .LBB2_63-.Ltmp30, $4  }
0x42c: {  	v8 =	vld [tilespmem:s15+$0xFFFFFFF0]  }
0x42d: {  	v6 =	vld [tilespmem:s15+$0x0]  }
0x42e: {  	v11 =	vsub.f32 v7, v5;
	v5 =	vld [tilespmem:s15+$0x10]  }
0x42f: {  	s19 =	sadd.s32 $0x80, s19;
	v10 =	vsub.f32 v13, v10;
	v7 =	vld [tilespmem:s15+$0x20]  }
0x430: {  	[tilespmem:s17+$0xFFFFFFC0] =	vst v11;
	v4 =	vsub.f32 v4, v9;
	s12 =	sadd.s32 $0x1, s12  }
0x431: {  	[tilespmem:s17+$0xFFFFFFD0] =	vst v10;
	v3 =	vsub.f32 v3, v8;
	p0 =	sne.s32 s12, $0x14  }
.Ltmp31:
0x432: {  	[tilespmem:s17+$0xFFFFFFE0] =	vst v4;
	v2 =	vsub.f32 v2, v6;
	(pc) =	sbr.rel @p0 .LBB2_62-.Ltmp31, $4  }
0x433: {  	[tilespmem:s17+$0xFFFFFFF0] =	vst v3;
	v0 =	vsub.f32 v0, v5  }
0x434: {  	[tilespmem:s17+$0x0] =	vst v2;
	v1 =	vsub.f32 v1, v7  }
0x435: {  	[tilespmem:s17+$0x10] =	vst v0  }
0x436: {  	s13 =	sadd.s32 $0x800, s13;
	s14 =	sadd.s32 $0x800, s14;
	[tilespmem:s17+$0x20] =	vst v1  }
0x437: {  	[hbm4b:s2+s16] =	stream.linear.scatter [tilespmem:s8], [sflag:$0x2], $0xA000, $0x38;
	[tilespmem:$0x1E800] =	vst v63  }
0x438: {  	s11 =	sadd.s32 $0x1, s11  }
0x439: {  	_ =	swait.ge [sflag:s9], $0xA000;
	p0 =	sne.s32 s11, s4  }
.Ltmp32:
0x43a: {  	[sflag:s9] =	ssyncset.done $0x0;
	(pc) =	sbr.rel @p0 .LBB2_1-.Ltmp32, $4  }
0x43b: {  	[sflag:s9] =	ssyncadd.s32 $0xFFFF6000  }
0x43c: {  	_ =	swait.ge [sflag:s10], $0xA000  }
0x43d: {  	[sflag:s10] =	ssyncset.done $0x0  }
0x43e: {  	[sflag:s10] =	ssyncadd.s32 $0xFFFF6000  }
0x43f: {  	_ =	sfence.sel $0x180000  }
0x440: {  	[bflag:$0x0] =	sbarrier.arrive $0xFFFF  }
0x441: {  	_ =	strace $0x90000047  }
0x442: {  	s0 =	stileid.u32;
	[bflag:$0x2] =	sbarrier.arrive $0xFFFF  }
0x443: {  	p0 =	sne.s32 s0, $0x0;
	s0 =	rddreg [dreg:$0x1]  }
0x444: {  	s0 =	sadd.s32 @!p0 $0x100000, s0  }
0x445: {  	[sflag:s0] =	ssyncadd.tile.s32 @!p0 $0x1;
	_ =	shalt  }
.Lfunc_end2:
_tile_overlayer_lowered:
.L_overlay_start_2:
0x446: {  	(tag) =	ssettag $0x2  }
0x447: {  	s0 =	rddreg [dreg:$0x0];
	s2 =	stileid.u32  }
0x448: {  	s1 =	rddreg [dreg:$0x1];
	p0 =	sne.s32 s2, $0x0  }
0x449: {  	s3 =	rddreg [dreg:$0x2];
	[bflag:$0x3] =	sbarrier.arrive $0xFFFF;
	s2 =	simm.s32 @!p0 $0x1C03  }
0x44a: {  	[timem:s3], [sflag:s2] =	dma.local @!p0 [hbm:s0], s1  }
0x44b: {  	s0 =	simm.s32 @!p0 $0x3  }
0x44c: {  	_ =	swait.ge @!p0 [sflag:s0], s1  }
0x44d: {  	s1 =	ssub.s32 @!p0 $0x0, s1;
	[sflag:s0] =	ssyncset.done @!p0 $0x0  }
0x44e: {  	[sflag:s0] =	ssyncadd.s32 @!p0 s1  }
0x44f: {  	[bflag:$0x3] =	sbarrier.arrive $0xFFFF  }
0x450: {  	_ =	shalt  }

// kernel: sparse-core-data-format-call.cloned.1.call-start
scs
called_computation_lowered:
.L_overlay_start_0:
0x0: {  	s2 =	sld [smem:$0x3FD9]  }
0x1: {  	s3 =	sld [smem:$0x3FFE];
	_ =	sdelay $0x1  }
0x2: {  	s1 =	srdreg.scid  }
0x3: {  	s0 =	sand.u32 $0x1, s1  }
0x4: {  	s18 =	sshll.u32 s0, $0xA;
	s2 =	sadd.s32 s3, s2  }
0x5: {  	s2 =	sadd.s32 s2, s18  }
0x6: {  	[smem:$0x3FC7] =	sst s2  }
0x7: {  	_ = 	snop  }
0x8: {  	s2 =	sld [smem:$0x3FD0];
	(tm) =	ssettm $0x1  }
0x9: {  	s19 =	sld [smem:$0x3FFB];
	_ =	sdelay $0x3  }
0xa: {  	_ =	strace s19  }
0xb: {  	s3 =	sld [smem:$0x3FFC];
	_ =	sdelay $0x3  }
0xc: {  	_ =	strace s3  }
0xd: {  	s3 =	sld [smem:$0x3FFD];
	_ =	sdelay $0x3  }
0xe: {  	_ =	strace s3  }
0xf: {  	_ =	strace $0x8FFFFFFF  }
0x10: {  	s20 =	sld [smem:$0x3FDB];
	_ =	sdelay $0x1  }
0x11: {  	s4 =	simm.s32 $_scs_section_size  }
0x12: {  	s5 =	simm.s32 $_size__tile_overlayer_lowered;
	s6 =	simm.s32 $_tile_overlayer_lowered  }
0x13: {  	s23 =	simm.s32 $0x1BFF;
	s22 =	sshll.u32 s6, $0x1;
	s3 =	sadd.s32 s4, s20  }
0x14: {  	s7 =	simm.s32 $0x0;
	s21 =	sshll.u32 s5, $0x1;
	s5 =	sadd.s32 s22, s3  }
0x15: {  	[timem:s7], [sflag:s23] =	dma.local [hbm:s5], s21  }
0x16: {  	_ =	swait.ge [sflag:s23], s21  }
0x17: {  	s4 =	ssub.s32 $0x0, s21;
	[sflag:s23] =	ssyncset.done $0x0  }
0x18: {  	[sflag:s23] =	ssyncadd.s32 s4;
	_ =	sdelay $0x1  }
0x19: {  	s24 =	simm.s32 $0x1B8B  }
0x1a: {  	_ =	swait.ge [sflag:s24], $0x1  }
0x1b: {  	[sflag:s24] =	ssyncset.done $0x0  }
0x1c: {  	s26 =	simm.s32 $0x1B8E;
	s25 =	sld [smem:$0x3FFE];
	[sflag:s24] =	ssyncadd.s32 $0xFFFFFFFF  }
0x1d: {  	s27 =	simm.s32 $execute0_lowered;
	[smem:$0x3FD2] =	sst s26  }
0x1e: {  	s5 =	sshll.u32 s27, $0x1;
	_ =	strace $0x80000049;
	[dreg:$0x1] =	wrdreg $0xFFFFFFFF  }
0x1f: {  	s28 =	simm.s32 $_size_execute0_lowered;
	s3 =	sadd.s32 s3, s5;
	[dreg:$0x0] =	wrdreg $0x0  }
0x20: {  	s5 =	sshll.u32 s28, $0x1;
	[dreg:$0x2] =	wrdreg s3  }
0x21: {  	[dreg:$0x3] =	wrdreg s5  }
0x22: {  	[dreg:$0x4] =	wrdreg $0xC0  }
0x23: {  	_ =	task [dreg:s7], $0x5FFFF  }
0x24: {  	[dreg:$0x1] =	wrdreg $0xFFFFFFFF  }
0x25: {  	[dreg:$0x0] =	wrdreg $0x60  }
0x26: {  	[dreg:$0x2] =	wrdreg s25  }
0x27: {  	[dreg:$0x3] =	wrdreg s2  }
0x28: {  	[dreg:$0x4] =	wrdreg $0x9  }
0x29: {  	_ =	task.clear_ibuf [dreg:s7], $0x5FFFF;
	_ =	strace $0x90000049  }
0x2a: {  	s29 =	simm.s32 $0x9;
	_ =	strace $0x8000004B  }
0x2b: {  	_ =	swait.ge [sflag:s29], $0x1  }
0x2c: {  	[sflag:s29] =	ssyncadd.s32 $0xFFFFFFFF  }
0x2d: {  	_ =	strace $0x9000004B  }
0x2e: {  	_ =	sfence  }
0x2f: {  	s30 =	sld [smem:$0x0];
	_ =	sdelay $0x2  }
0x30: {  	s31 =	sshll.u32 s1, $0xD;
	s1 =	sshrl.u32 s1, $0x2  }
0x31: {  	s3 =	sand.u32 $0x4000, s31;
	s1 =	sadd.s32 s1, s30  }
0x32: {  	s0 =	sor.u32 s3, s0;
	s1 =	sshll.u32 s1, $0x11  }
0x33: {  	s0 =	sor.u32 s1, s0  }
0x34: {  	s0 =	sadd.s32 $0x8F2B, s0  }
0x35: {  	[sflag:s0] =	ssyncadd.remote.s32 $0x1  }
0x36: {  	_ =	sfence.sel $0xFFFF  }
0x37: {  	[dreg:$0x0] =	wrdreg $0xFFFFFFFF;
	(pc) =	sbr.abs _section_cstart, $3  }
0x38: {  	[dreg:$0x1] =	wrdreg $0xFFFFFFFF  }
0x39: {  	_ =	task.clear_ibuf [dreg:s7], $0x2FFFF;
	_ =	strace $0x9FFFFFFF  }
0x3a: {  	(tm) =	ssettm $0x7FFFFFFF  }
0x3b: {  	_ =	shalt  }
tec
execute0_lowered:
.L_overlay_start_1:
0x0: {  	(tag) =	ssettag $0x1  }
0x1: {  	s0 =	stileid.u32  }
0x2: {  	s1 =	srdreg.scid;
	s6 =	rddreg [dreg:$0x0];
	s4 =	simm.s32 $0x1  }
0x3: {  	s8 =	simm.s32 $0x2;
	s2 =	sshll.u32 s0, $0x4;
	s1 =	sshll.u32 s1, $0x8  }
0x4: {  	s16 =	simm.s32 $0x0;
	s9 =	simm.s32 $0x4000;
	s1 =	sor.u32 s2, s1  }
0x5: {  	s10 =	simm.s32 $0x0;
	s17 =	simm.s32 $0x0;
	s2 =	sand.u32 $0x180, s1  }
0x6: {  	s19 =	simm.s32 $0x0;
	s18 =	simm.s32 $0x0;
	s1 =	ssub.s32 $0x800, s2  }
0x7: {  	s12 =	simm.s32 $0x0;
	s13 =	simm.s32 $0x0;
	s3 =	sand.u32 $0x180, s1  }
0x8: {  	s15 =	simm.s32 $0x0;
	s5 =	sshrl.u32 s1, $0x9;
	p0 =	sne.s32 s3, $0x0  }
.Ltmp0:
0x9: {  	s1 =	rddreg [dreg:$0x2];
	s4 =	simm.s32 @!p0 $0x0;
	(pc) =	sbr.rel .LBB1_1-.Ltmp0, $4  }
0xa: {  	s7 =	sand.u32 $0x7, s0;
	s3 =	rddreg [dreg:$0x1];
	s5 =	sadd.s32 s4, s5  }
0xb: {  	_ =	strace $0x8000004A;
	s4 =	simm.s32 $0x1;
	s5 =	smul.u32 $0x14, s5  }
0xc: {  	s6 =	sadd.s32 $0x5AAC00, s6;
	s14 =	smov.u32 s7;
	[sflag:s4] =	ssyncpa.u1 $0x0  }
0xd: {  	s11 =	smov.u32 s2;
	[sflag:s8] =	ssyncpa.u1 $0x0;
	s8 =	sor.u32 $0x1, s5  }
.LBB1_4:
0xe: {  	_ =	sdelay $0x3  }
0xf: {  	[tilespmem:v0+s22+$0xFFFFFFD0 ss:$0x1] =	vst.idx.msk $0xffff, v6  }
0x10: {  	v56 =	vld.idx.msk [tilespmem:v1+s21+$0x0 ss:$0x1], $0xffff;
	[tilespmem:v0+s22+$0xFFFFFFE0 ss:$0x1] =	vst.idx.msk $0xffff, v4  }
0x11: {  	v57 =	vld.idx.msk [tilespmem:v1+s21+$0xFFFFFF90 ss:$0x1], $0xffff;
	[tilespmem:v0+s22+$0xFFFFFFF0 ss:$0x1] =	vst.idx.msk $0xffff, v2  }
0x12: {  	v58 =	vld.idx.msk [tilespmem:v1+s21+$0xFFFFFFA0 ss:$0x1], $0xffff;
	[tilespmem:v0+s22+$0x0 ss:$0x1] =	vst.idx.msk $0xffff, v3  }
0x13: {  	v59 =	vld.idx.msk [tilespmem:v1+s21+$0xFFFFFFB0 ss:$0x1], $0xffff;
	[tilespmem:v0+s22+$0x10 ss:$0x1] =	vst.idx.msk $0xffff, v5  }
0x14: {  	v60 =	vld.idx.msk [tilespmem:v1+s21+$0xFFFFFFC0 ss:$0x1], $0xffff;
	[tilespmem:v0+s22+$0x20 ss:$0x1] =	vst.idx.msk $0xffff, v7  }
0x15: {  	v61 =	vld.idx.msk [tilespmem:v1+s21+$0xFFFFFFD0 ss:$0x1], $0xffff;
	s26 =	sand.u32 $0x78, s16;
	s23 =	sshll.u32 s19, $0xB;
	[tilespmem:v0+s21+$0x30 ss:$0x1] =	vst.idx.msk $0xffff, v56  }
0x16: {  	s27 =	sshll.u32 s19, $0x7;
	v62 =	vld.idx.msk [tilespmem:v1+s21+$0xFFFFFFE0 ss:$0x1], $0xffff;
	s24 =	sshll.u32 s16, $0x3;
	s18 =	smul.u32 $0xA0000, s18;
	[tilespmem:v0+s21+$0xFFFFFFC0 ss:$0x1] =	vst.idx.msk $0xffff, v57  }
0x17: {  	v63 =	vld.idx.msk [tilespmem:v1+s21+$0xFFFFFFF0 ss:$0x1], $0xffff;
	s17 =	sshll.u32 s17, $0xF;
	s30 =	sand.u32 $0x7, s16;
	s23 =	sand.u32 $0x3C000, s23;
	[tilespmem:v0+s21+$0xFFFFFFD0 ss:$0x1] =	vst.idx.msk $0xffff, v58  }
0x18: {  	s19 =	sand.u32 $0x380, s27;
	s28 =	sand.u32 $0x400, s24;
	s23 =	sadd.s32 s23, s24;
	[tilespmem:v0+s21+$0xFFFFFFE0 ss:$0x1] =	vst.idx.msk $0xffff, v59  }
0x19: {  	s19 =	sor.u32 s19, s26;
	s18 =	sadd.s32 s3, s18;
	s29 =	sshrl.u32 s23, $0x3;
	[tilespmem:v0+s21+$0xFFFFFFF0 ss:$0x1] =	vst.idx.msk $0xffff, v60  }
0x1a: {  	s19 =	sor.u32 s28, s19;
	s17 =	sadd.s32 s17, s18;
	s22 =	sand.u32 $0x7F00, s29;
	[tilespmem:v0+s21+$0x0 ss:$0x1] =	vst.idx.msk $0xffff, v61  }
0x1b: {  	s16 =	sshll.u32 s30, $0x12;
	s31 =	sshrl.u32 s19, $0x3;
	[tilespmem:v0+s21+$0x10 ss:$0x1] =	vst.idx.msk $0xffff, v62;
	s17 =	sadd.s32 s22, s17  }
0x1c: {  	s16 =	sor.u32 $0x400, s16;
	[tilespmem:v0+s21+$0x20 ss:$0x1] =	vst.idx.msk $0xffff, v63;
	s17 =	sadd.s32 s31, s17  }
0x1d: {  	[hbm4b:s17+s16] =	stream.strided.scatter [tilespmem:s20], [sflag:$0x2], $0x4000, s9, s16, $0x38;
	[tilespmem:$0x10000] =	vst v63  }
.LBB1_5:
0x1e: {  	s20 =	sadd.s32 $0x200, s11  }
0x1f: {  	s16 =	simm.s32 $0x1;
	p1 =	sgt.s32 s20, $0x7FF  }
0x20: {  	s16 =	simm.s32 @!p1 $0x0  }
0x21: {  	s21 =	sadd.s32 s16, s12  }
0x22: {  	s22 =	smov.u32 s13;
	s16 =	sadd.s32 $0x80, s13;
	p2 =	sgt.s32 s21, $0x13  }
0x23: {  	s22 =	smov.u32 @p2 s16  }
0x24: {  	s23 =	smov.u32 s14;
	s16 =	sadd.s32 $0x8, s14;
	p3 =	sgt.s32 s22, $0x7F  }
0x25: {  	p0 =	slt.u32 s15, $0x2;
	s23 =	smov.u32 @p3 s16  }
0x26: {  	s17 =	smov.u32 s12;
	s20 =	smov.u32 @p1 s2;
	p1 =	sgt.s32 s23, $0x7  }
0x27: {  	s24 =	simm.s32 @!p0 $0x2;
	s23 =	smov.u32 @p1 s7;
	p1 =	sne.s32 s15, s8  }
.Ltmp1:
0x28: {  	s19 =	smov.u32 s13;
	_ =	swait.ge @!p0 [sflag:s24], $0x4000;
	(pc) =	sbr.rel @!p1 .LBB1_6-.Ltmp1, $4  }
0x29: {  	s18 =	smov.u32 s14;
	[sflag:s24] =	ssyncset.done @!p0 $0x0;
	s21 =	simm.s32 @p2 $0x0  }
0x2a: {  	s10 =	sadd.s32 $0x4000, s10;
	[sflag:s24] =	ssyncadd.s32 @!p0 $0xFFFFC000;
	s12 =	smov.u32 s21  }
0x2b: {  	s22 =	simm.s32 @p3 $0x0;
	s16 =	smov.u32 s11;
	s11 =	smov.u32 s20  }
0x2c: {  	s13 =	smov.u32 s22;
	s15 =	sadd.s32 $0x1, s15;
	s14 =	smov.u32 s23  }
.LBB1_1:
0x2d: {  	p0 =	sge.u32 s15, s5  }
0x2e: {  	s20 =	sshll.u32 @!p0 s12, $0xB  }
0x2f: {  	s21 =	sshll.u32 @!p0 s11, $0x3;
	s20 =	sand.u32 @!p0 $0xFFFFC000, s20  }
0x30: {  	s20 =	sadd.s32 @!p0 s20, s21  }
0x31: {  	s24 =	sshll.u32 @!p0 s12, $0x7;
	s20 =	sshrl.u32 @!p0 s20, $0xB  }
0x32: {  	s25 =	sand.u32 @!p0 $0x78, s11;
	s24 =	sand.u32 @!p0 $0x380, s24;
	s22 =	smulhi.u32 @!p0 $0xAAAAAAB, s20  }
0x33: {  	s31 =	sadd.s32 $0xFFFFFFFF, s15;
	s24 =	sor.u32 @!p0 s24, s25;
	s25 =	smul.u32 @!p0 $0xC0000, s14  }
0x34: {  	s23 =	sxor.u32 @!p0 $0xFFFFFFFF, s15;
	s21 =	sand.u32 @!p0 $0x400, s21;
	s22 =	smul.u32 @!p0 $0x18, s22  }
0x35: {  	s23 =	sshll.u32 @!p0 s23, $0xE;
	s21 =	sor.u32 @!p0 s21, s24;
	s24 =	smul.u32 @!p0 $0x1800, s13  }
0x36: {  	s20 =	ssub.s32 @!p0 s20, s22;
	s22 =	sand.u32 @!p0 $0x4000, s23;
	s23 =	sadd.s32 @!p0 s6, s25  }
0x37: {  	s21 =	sshrl.u32 @!p0 s21, $0x3;
	s23 =	sadd.s32 @!p0 s24, s23;
	s24 =	sand.u32 @!p0 $0x7, s11  }
0x38: {  	s20 =	sshll.u32 @!p0 s20, $0x8;
	s21 =	sadd.s32 @!p0 s21, s23;
	s23 =	sshll.u32 @!p0 s24, $0x12  }
0x39: {  	s20 =	sadd.s32 @!p0 s20, s21;
	s21 =	sor.u32 @!p0 $0x80, s23;
	s23 =	simm.s32 @!p0 $0xC000  }
0x3a: {  	[tilespmem:s22], [sflag:$0x1] =	stream.strided.gather @!p0 [hbm4b:s20+s21], $0x4000, s23, s21, $0x38;
	[tilespmem:$0x10000] =	vst v63  }
0x3b: {  	p0 =	sge.u32 s31, s5  }
.Ltmp2:
0x3c: {  	_ = 	snop;
	(pc) =	sbr.rel @p0 .LBB1_5-.Ltmp2, $1  }
0x3d: {  	_ =	sdelay $0x3  }
0x3e: {  	s20 =	sand.u32 $0x4000, s10  }
0x3f: {  	s21 =	sor.u32 $0x70, s20  }
0x40: {  	v1 =	vmov s21;
	_ =	sdelay $0x1  }
0x41: {  	_ =	swait.ge [sflag:s4], $0x4000  }
0x42: {  	[sflag:s4] =	ssyncset.done $0x0  }
0x43: {  	s22 =	simm.s32 $0x0;
	[sflag:s4] =	ssyncadd.s32 $0xFFFFC000  }
0x44: {  	s20 =	sor.u32 $0x8040, s20;
	v7 =	vld.idx.msk [tilespmem:v1+s22+$0x0 ss:$0x1], $0xffff  }
0x45: {  	v0 =	vmov s20;
	v8 =	vld.idx.msk [tilespmem:v1+s22+$0xFFFFFF90 ss:$0x1], $0xffff  }
0x46: {  	v6 =	vld.idx.msk [tilespmem:v1+s22+$0xFFFFFFA0 ss:$0x1], $0xffff  }
0x47: {  	v4 =	vld.idx.msk [tilespmem:v1+s22+$0xFFFFFFB0 ss:$0x1], $0xffff  }
0x48: {  	v2 =	vld.idx.msk [tilespmem:v1+s22+$0xFFFFFFC0 ss:$0x1], $0xffff  }
0x49: {  	s31 =	sshll.u32 s15, $0xE;
	v3 =	vld.idx.msk [tilespmem:v1+s22+$0xFFFFFFD0 ss:$0x1], $0xffff  }
0x4a: {  	s20 =	sand.u32 $0x4000, s31;
	v5 =	vld.idx.msk [tilespmem:v1+s22+$0xFFFFFFE0 ss:$0x1], $0xffff;
	[tilespmem:v0+s22+$0x30 ss:$0x1] =	vst.idx.msk $0xffff, v7  }
0x4b: {  	s23 =	simm.s32 $0x400;
	s21 =	simm.s32 $0x80;
	s20 =	sor.u32 $0x8000, s20;
	[tilespmem:v0+s22+$0xFFFFFFC0 ss:$0x1] =	vst.idx.msk $0xffff, v8;
	v7 =	vld.idx.msk [tilespmem:v1+s22+$0xFFFFFFF0 ss:$0x1], $0xffff  }
.LBB1_3:
0x4c: {  	p0 =	sne.s32 s23, $0xFE00;
	v8 =	vld.idx.msk [tilespmem:v1+s21+$0x0 ss:$0x1], $0xffff;
	[tilespmem:v0+s22+$0xFFFFFFD0 ss:$0x1] =	vst.idx.msk $0xffff, v6  }
0x4d: {  	v9 =	vld.idx.msk [tilespmem:v1+s21+$0xFFFFFF90 ss:$0x1], $0xffff;
	[tilespmem:v0+s22+$0xFFFFFFE0 ss:$0x1] =	vst.idx.msk $0xffff, v4  }
0x4e: {  	v6 =	vld.idx.msk [tilespmem:v1+s21+$0xFFFFFFA0 ss:$0x1], $0xffff;
	[tilespmem:v0+s22+$0xFFFFFFF0 ss:$0x1] =	vst.idx.msk $0xffff, v2  }
.Ltmp3:
0x4f: {  	v4 =	vld.idx.msk [tilespmem:v1+s21+$0xFFFFFFB0 ss:$0x1], $0xffff;
	[tilespmem:v0+s22+$0x0 ss:$0x1] =	vst.idx.msk $0xffff, v3;
	(pc) =	sbr.rel @p0 .LBB1_3-.Ltmp3, $4  }
0x50: {  	v2 =	vld.idx.msk [tilespmem:v1+s21+$0xFFFFFFC0 ss:$0x1], $0xffff;
	[tilespmem:v0+s22+$0x10 ss:$0x1] =	vst.idx.msk $0xffff, v5  }
0x51: {  	v3 =	vld.idx.msk [tilespmem:v1+s21+$0xFFFFFFD0 ss:$0x1], $0xffff;
	[tilespmem:v0+s22+$0x20 ss:$0x1] =	vst.idx.msk $0xffff, v7;
	s22 =	smov.u32 s21  }
0x52: {  	v5 =	vld.idx.msk [tilespmem:v1+s22+$0xFFFFFFE0 ss:$0x1], $0xffff;
	[tilespmem:v0+s22+$0x30 ss:$0x1] =	vst.idx.msk $0xffff, v8  }
0x53: {  	s21 =	sshra.s32 s23, $0x2;
	s23 =	sadd.s32 $0x200, s23;
	[tilespmem:v0+s22+$0xFFFFFFC0 ss:$0x1] =	vst.idx.msk $0xffff, v9;
	v7 =	vld.idx.msk [tilespmem:v1+s22+$0xFFFFFFF0 ss:$0x1], $0xffff  }
.Ltmp4:
0x54: {  	_ = 	snop;
	(pc) =	sbr.rel .LBB1_4-.Ltmp4, $1  }
0x55: {  	_ =	sdelay $0x3  }
.LBB1_6:
0x56: {  	_ =	sfence.sel $0x180000  }
0x57: {  	s2 =	simm.s32 $0x1;
	[bflag:$0x0] =	sbarrier.arrive $0xFFFF  }
0x58: {  	s31 =	simm.s32 $0x2;
	[sflag:s2] =	ssyncpa.u1 $0x1  }
0x59: {  	[sflag:s31] =	ssyncpa.u1 $0x1  }
0x5a: {  	p0 =	sne.s32 s0, $0x0;
	_ =	strace $0x9000004A  }
0x5b: {  	s0 =	sadd.s32 @!p0 $0x100000, s1;
	[bflag:$0x2] =	sbarrier.arrive $0xFFFF  }
0x5c: {  	[sflag:s0] =	ssyncadd.tile.s32 @!p0 $0x1;
	_ =	shalt  }
.Lfunc_end1:
_tile_overlayer_lowered:
.L_overlay_start_2:
0x5d: {  	(tag) =	ssettag $0x2  }
0x5e: {  	s0 =	rddreg [dreg:$0x0];
	s2 =	stileid.u32  }
0x5f: {  	s1 =	rddreg [dreg:$0x1];
	p0 =	sne.s32 s2, $0x0  }
0x60: {  	s3 =	rddreg [dreg:$0x2];
	[bflag:$0x3] =	sbarrier.arrive $0xFFFF;
	s2 =	simm.s32 @!p0 $0x1C01  }
0x61: {  	[timem:s3], [sflag:s2] =	dma.local @!p0 [hbm:s0], s1  }
0x62: {  	s0 =	simm.s32 @!p0 $0x1  }
0x63: {  	_ =	swait.ge @!p0 [sflag:s0], s1  }
0x64: {  	s1 =	ssub.s32 @!p0 $0x0, s1;
	[sflag:s0] =	ssyncset.done @!p0 $0x0  }
0x65: {  	[sflag:s0] =	ssyncadd.s32 @!p0 s1  }
0x66: {  	[bflag:$0x3] =	sbarrier.arrive $0xFFFF  }
0x67: {  	_ =	shalt  }

</sc_bundles>
